<compile_context>
chip_gen: v7x
topology: tpu7x:2x2x1
jax: 0.10.2.dev20260603
libtpu: 0.0.44.dev20260713+nightly
codegen_flags: <defaults>
</compile_context>

<pallas_src>
import functools

import jax
import jax.numpy as jnp
from jax import lax
from jax.experimental import pallas as pl
from jax.experimental.pallas import tpu as pltpu
from jax.experimental.pallas import tpu_sc as plsc

NC = 2
NS = 16
NW = NC * NS
L = 16

T = 10432


def _make_kernel(n):
    assert n % L == 0
    nsub = -(-n // T)
    kpw = -(-nsub // NW)
    assert nsub == NW * kpw
    tail = n - (nsub - 1) * T
    assert 0 < tail <= T and tail % L == 0
    w_range = kpw * T

    mesh = plsc.VectorSubcoreMesh(
        core_axis_name="c", subcore_axis_name="s",
        num_cores=NC, num_subcores=NS)

    def body(ids_hbm, mp_hbm, out_hbm, in_buf, mp_buf, out_a, out_b,
             sem_a, sem_b):
        wid = lax.axis_index("s") * NC + lax.axis_index("c")
        pltpu.sync_copy(mp_hbm, mp_buf)
        mpv = mp_buf[...]
        one = jnp.full((L,), 1, jnp.int32)
        zero = jnp.full((L,), 0, jnp.int32)
        gbase0 = wid * w_range
        w_last = n - (NW - 1) * w_range

        @pl.when(wid == 0)
        def _head():
            in_buf[pl.ds(0, L)] = jnp.full((L,), -1, jnp.int32)
            pltpu.sync_copy(ids_hbm.at[pl.ds(0, w_range)],
                            in_buf.at[pl.ds(8, w_range)])

        @pl.when((wid != 0) & (wid != NW - 1))
        def _mid():
            pltpu.sync_copy(ids_hbm.at[pl.ds(gbase0 - 8, w_range + 8)],
                            in_buf.at[pl.ds(0, w_range + 8)])

        @pl.when(wid == NW - 1)
        def _last():
            pltpu.sync_copy(ids_hbm.at[pl.ds(gbase0 - 8, w_last + 8)],
                            in_buf.at[pl.ds(0, w_last + 8)])

        def compute(j, size, out_buf):
            local = j * T

            @plsc.parallel_loop(0, size // L, unroll=16)
            def group(i):
                off = i * L
                cur = in_buf[pl.ds(8 + local + off, L)]
                prev = in_buf[pl.ds(7 + local + off, L)]
                d0 = jnp.where(cur != prev, one, zero)
                d1 = jnp.where(cur == zero, one, zero)
                d3 = jnp.where(cur == mpv, one, zero)
                d2 = one - d1 - d3
                out_buf[0, pl.ds(off, L)] = d0
                out_buf[1, pl.ds(off, L)] = d1
                out_buf[2, pl.ds(off, L)] = d2
                out_buf[3, pl.ds(off, L)] = d3

        def plane_copies(j, size, out_buf, sem):
            gbase = gbase0 + j * T
            return [pltpu.make_async_copy(
                        out_buf.at[f, pl.ds(0, size)],
                        out_hbm.at[f, pl.ds(gbase, size)], sem)
                    for f in range(4)]

        bufs = (out_a, out_b)
        sems = (sem_a, sem_b)
        for j in range(kpw):
            out_buf, sem = bufs[j % 2], sems[j % 2]
            if j >= 2:
                for c in plane_copies(j - 2, T, out_buf, sem):
                    c.wait()
            is_tail = j == kpw - 1
            if not is_tail:
                compute(j, T, out_buf)
                for c in plane_copies(j, T, out_buf, sem):
                    c.start()
            else:
                k = wid * kpw + j

                @pl.when(k == nsub - 1)
                def _t():
                    compute(j, tail, out_buf)
                    for c in plane_copies(j, tail, out_buf, sem):
                        c.start()

                @pl.when(k != nsub - 1)
                def _f():
                    compute(j, T, out_buf)
                    for c in plane_copies(j, T, out_buf, sem):
                        c.start()

        for j in range(max(kpw - 2, 0), kpw):
            out_buf, sem = bufs[j % 2], sems[j % 2]
            if j != kpw - 1:
                for c in plane_copies(j, T, out_buf, sem):
                    c.wait()
            else:
                k = wid * kpw + j

                @pl.when(k == nsub - 1)
                def _tw():
                    for c in plane_copies(j, tail, out_buf, sem):
                        c.wait()

                @pl.when(k != nsub - 1)
                def _fw():
                    for c in plane_copies(j, T, out_buf, sem):
                        c.wait()

    kern = pl.kernel(
        body,
        out_type=jax.ShapeDtypeStruct((4, n), jnp.int32),
        mesh=mesh,
        compiler_params=pltpu.CompilerParams(
            needs_layout_passes=False, use_tc_tiling_on_sc=False),
        scratch_types=[
            pltpu.VMEM((w_range + 8,), jnp.int32),
            pltpu.VMEM((L,), jnp.int32),
            pltpu.VMEM((4, T), jnp.int32),
            pltpu.VMEM((4, T), jnp.int32),
            pltpu.SemaphoreType.DMA,
            pltpu.SemaphoreType.DMA,
        ],
    )
    return kern


@jax.jit
def kernel(paragraph_doc_ids, max_paragraphs):
    ids = paragraph_doc_ids.astype(jnp.int32)
    n = ids.shape[0]
    mp_arr = jnp.full((L,), max_paragraphs - 1, jnp.int32)
    planes = _make_kernel(n)(ids, mp_arr)
    return planes.T

# --- scband reference (transcript-rebuilt; emitter-appended) ---
"""Pipeline reference for scband-seg-pos-30631706755078 (READ-ONLY COPY).

The authoritative reference and input builder live on the scoring server;
editing this copy changes nothing except your own understanding.
"""

import jax, jax.numpy as jnp
import numpy as np


def setup_inputs(seed: int = 0) -> dict:
    key = jax.random.key(seed)
    N = 1000000
    max_paragraphs = 1000
    paragraph_doc_ids = jnp.sort(
        jax.random.randint(key, (N,), 0, max_paragraphs).astype(jnp.int64)
    )
    return {
        "paragraph_doc_ids": paragraph_doc_ids,
        "max_paragraphs": max_paragraphs,
    }


def reference(paragraph_doc_ids, max_paragraphs):
    ids = paragraph_doc_ids
    # dim0: first segment in a paragraph. The torch code computes this via
    # unique_consecutive counts + exclusive cumsum and scatters 1s at those
    # offsets; the equivalent math is a boundary mask on the sorted id stream.
    first = jnp.concatenate(
        [jnp.ones((1,), dtype=bool), ids[1:] != ids[:-1]]
    )
    mp = max_paragraphs - 1  # torch code does max_paragraphs -= 1
    d0 = first.astype(jnp.float32)
    d1 = (ids == 0).astype(jnp.float32)                 # opening paragraph
    d2 = ((ids > 0) & (ids < mp)).astype(jnp.float32)   # body paragraphs
    d3 = (ids == mp).astype(jnp.float32)                # closing paragraph
    vec = jnp.stack([d0, d1, d2, d3], axis=1)
    return vec.astype(jnp.int64)

if __name__ == "__main__":
    import jax
    _d = setup_inputs()
    print(jax.jit(kernel)(*tuple(_d.values())))

</pallas_src>

<mosaic_0001>
#map = affine_map<(d0, d1) -> (0)>
#map1 = affine_map<(d0, d1) -> (0, 0)>
module attributes {stable_mosaic.version = 14 : i64} {
  func.func @body(%arg0: i32, %arg1: i32, %arg2: memref<1000000xi32, #tpu.memory_space<hbm>>, %arg3: memref<16xi32, #tpu.memory_space<hbm>>, %arg4: memref<4x1000000xi32, #tpu.memory_space<hbm>>, %arg5: memref<31304xi32, #tpu.memory_space<vmem>>, %arg6: memref<16xi32, #tpu.memory_space<vmem>>, %arg7: memref<4x10432xi32, #tpu.memory_space<vmem>>, %arg8: memref<4x10432xi32, #tpu.memory_space<vmem>>, %arg9: memref<!tpu.dma_semaphore, #tpu.memory_space<semaphore_mem>>, %arg10: memref<!tpu.dma_semaphore, #tpu.memory_space<semaphore_mem>>) attributes {dimension_semantics = [#tpu.dimension_semantics<core_parallel>, #tpu.dimension_semantics<subcore_parallel>], iteration_bounds = array<i64: 2, 16>, scalar_prefetch = 0 : i64, scratch_operands = 6 : i64, tpu.core_type = #tpu.core_type<sc_vector_subcore>, window_params = [{transform_indices = #map}, {transform_indices = #map}, {transform_indices = #map1}]} {
    %mul3A = arith.constant 2 : i32
    %mul3A_0 = arith.muli %arg1, %mul3A : i32
    %add3A = arith.addi %mul3A_0, %arg0 : i32
    "tpu.region"() ({
      %run_scoped3A = tpu.sem_alloc : memref<!tpu.dma_semaphore, #tpu.memory_space<semaphore_mem>>
      tpu.enqueue_dma source(%arg3 : memref<16xi32, #tpu.memory_space<hbm>>) target(%arg6 : memref<16xi32, #tpu.memory_space<vmem>>) target_semaphore(%run_scoped3A : memref<!tpu.dma_semaphore, #tpu.memory_space<semaphore_mem>>)
      tpu.wait_dma2 semaphore(%run_scoped3A : memref<!tpu.dma_semaphore, #tpu.memory_space<semaphore_mem>>) src(%arg3 : memref<16xi32, #tpu.memory_space<hbm>>) dst(%arg6 : memref<16xi32, #tpu.memory_space<vmem>>)
      tpu.yield
    }) : () -> ()
    %get3A = arith.constant 0 : index
    %get3A_1 = tpu.vector_load %arg6[%get3A] {strides = array<i32>} : memref<16xi32, #tpu.memory_space<vmem>>, vector<16xi32>,
    %broadcast_in_dim3A = arith.constant 1 : i32
    %broadcast_in_dim3A_2 = vector.broadcast %broadcast_in_dim3A : i32 to vector<16xi32>
    %broadcast_in_dim3A_3 = arith.constant 0 : i32
    %broadcast_in_dim3A_4 = vector.broadcast %broadcast_in_dim3A_3 : i32 to vector<16xi32>
    %mul3A_5 = arith.constant 31296 : i32
    %mul3A_6 = arith.muli %add3A, %mul3A_5 : i32
    %eq3A = arith.constant 0 : i32
    %eq3A_7 = arith.cmpi eq, %add3A, %eq3A : i32
    %convert_element_type3A = arith.extui %eq3A_7 : i1 to i32
    %cond3A = arith.constant 0 : i32
    %cond3A_8 = arith.cmpi ne, %convert_element_type3A, %cond3A : i32
    scf.if %cond3A_8 {
      %broadcast_in_dim3A_251 = arith.constant -1 : i32
      %broadcast_in_dim3A_252 = vector.broadcast %broadcast_in_dim3A_251 : i32 to vector<16xi32>
      %swap3A = arith.constant 0 : index
      %swap3A_253 = tpu.vector_load %arg5[%swap3A] {strides = array<i32>} : memref<31304xi32, #tpu.memory_space<vmem>>, vector<16xi32>,
      tpu.vector_store %arg5[%swap3A], %broadcast_in_dim3A_252 {strides = array<i32>} : memref<31304xi32, #tpu.memory_space<vmem>>, vector<16xi32>,
      "tpu.region"() ({
        %run_scoped3A = tpu.sem_alloc : memref<!tpu.dma_semaphore, #tpu.memory_space<semaphore_mem>>
        %dma_start3A_254 = arith.constant 8 : i32
        %dma_start3A_255 = tpu.memref_slice %arg5[%dma_start3A_254] : memref<31304xi32, #tpu.memory_space<vmem>> -> memref<31296xi32, #tpu.memory_space<vmem>>
        %dma_start3A_256 = arith.constant 0 : i32
        %dma_start3A_257 = tpu.memref_slice %arg2[%dma_start3A_256] : memref<1000000xi32, #tpu.memory_space<hbm>> -> memref<31296xi32, #tpu.memory_space<hbm>>
        %dma_start3A_258 = arith.constant 8 : i32
        %dma_start3A_259 = tpu.memref_slice %arg5[%dma_start3A_258] : memref<31304xi32, #tpu.memory_space<vmem>> -> memref<31296xi32, #tpu.memory_space<vmem>>
        %dma_start3A_260 = arith.constant 0 : i32
        %dma_start3A_261 = tpu.memref_slice %arg2[%dma_start3A_260] : memref<1000000xi32, #tpu.memory_space<hbm>> -> memref<31296xi32, #tpu.memory_space<hbm>>
        tpu.enqueue_dma source(%dma_start3A_261 : memref<31296xi32, #tpu.memory_space<hbm>>) target(%dma_start3A_259 : memref<31296xi32, #tpu.memory_space<vmem>>) target_semaphore(%run_scoped3A : memref<!tpu.dma_semaphore, #tpu.memory_space<semaphore_mem>>)
        %dma_wait3A_262 = arith.constant 8 : i32
        %dma_wait3A_263 = tpu.memref_slice %arg5[%dma_wait3A_262] : memref<31304xi32, #tpu.memory_space<vmem>> -> memref<31296xi32, #tpu.memory_space<vmem>>
        %dma_wait3A_264 = arith.constant 0 : i32
        %dma_wait3A_265 = tpu.memref_slice %arg2[%dma_wait3A_264] : memref<1000000xi32, #tpu.memory_space<hbm>> -> memref<31296xi32, #tpu.memory_space<hbm>>
        %dma_wait3A_266 = arith.constant 8 : i32
        %dma_wait3A_267 = tpu.memref_slice %arg5[%dma_wait3A_266] : memref<31304xi32, #tpu.memory_space<vmem>> -> memref<31296xi32, #tpu.memory_space<vmem>>
        %dma_wait3A_268 = arith.constant 0 : i32
        %dma_wait3A_269 = tpu.memref_slice %arg2[%dma_wait3A_268] : memref<1000000xi32, #tpu.memory_space<hbm>> -> memref<31296xi32, #tpu.memory_space<hbm>>
        tpu.wait_dma2 semaphore(%run_scoped3A : memref<!tpu.dma_semaphore, #tpu.memory_space<semaphore_mem>>) src(%dma_wait3A_269 : memref<31296xi32, #tpu.memory_space<hbm>>) dst(%dma_wait3A_267 : memref<31296xi32, #tpu.memory_space<vmem>>)
        tpu.yield
      }) : () -> ()
    } else {
    }
    %ne3A = arith.constant 0 : i32
    %ne3A_9 = arith.cmpi ne, %add3A, %ne3A : i32
    %ne3A_10 = arith.constant 31 : i32
    %ne3A_11 = arith.cmpi ne, %add3A, %ne3A_10 : i32
    %and3A = arith.andi %ne3A_9, %ne3A_11 : i1
    %convert_element_type3A_12 = arith.extui %and3A : i1 to i32
    %cond3A_13 = arith.constant 0 : i32
    %cond3A_14 = arith.cmpi ne, %convert_element_type3A_12, %cond3A_13 : i32
    scf.if %cond3A_14 {
      %sub3A = arith.constant 8 : i32
      %sub3A_251 = arith.subi %mul3A_6, %sub3A : i32
      "tpu.region"() ({
        %run_scoped3A = tpu.sem_alloc : memref<!tpu.dma_semaphore, #tpu.memory_space<semaphore_mem>>
        %dma_start3A_252 = arith.constant 0 : i32
        %dma_start3A_253 = tpu.memref_slice %arg5[%dma_start3A_252] : memref<31304xi32, #tpu.memory_space<vmem>> -> memref<31304xi32, #tpu.memory_space<vmem>>
        %dma_start3A_254 = tpu.memref_slice %arg2[%sub3A_251] : memref<1000000xi32, #tpu.memory_space<hbm>> -> memref<31304xi32, #tpu.memory_space<hbm>>
        %dma_start3A_255 = arith.constant 0 : i32
        %dma_start3A_256 = tpu.memref_slice %arg5[%dma_start3A_255] : memref<31304xi32, #tpu.memory_space<vmem>> -> memref<31304xi32, #tpu.memory_space<vmem>>
        %dma_start3A_257 = tpu.memref_slice %arg2[%sub3A_251] : memref<1000000xi32, #tpu.memory_space<hbm>> -> memref<31304xi32, #tpu.memory_space<hbm>>
        tpu.enqueue_dma source(%dma_start3A_257 : memref<31304xi32, #tpu.memory_space<hbm>>) target(%dma_start3A_256 : memref<31304xi32, #tpu.memory_space<vmem>>) target_semaphore(%run_scoped3A : memref<!tpu.dma_semaphore, #tpu.memory_space<semaphore_mem>>)
        %dma_wait3A_258 = arith.constant 0 : i32
        %dma_wait3A_259 = tpu.memref_slice %arg5[%dma_wait3A_258] : memref<31304xi32, #tpu.memory_space<vmem>> -> memref<31304xi32, #tpu.memory_space<vmem>>
        %dma_wait3A_260 = tpu.memref_slice %arg2[%sub3A_251] : memref<1000000xi32, #tpu.memory_space<hbm>> -> memref<31304xi32, #tpu.memory_space<hbm>>
        %dma_wait3A_261 = arith.constant 0 : i32
        %dma_wait3A_262 = tpu.memref_slice %arg5[%dma_wait3A_261] : memref<31304xi32, #tpu.memory_space<vmem>> -> memref<31304xi32, #tpu.memory_space<vmem>>
        %dma_wait3A_263 = tpu.memref_slice %arg2[%sub3A_251] : memref<1000000xi32, #tpu.memory_space<hbm>> -> memref<31304xi32, #tpu.memory_space<hbm>>
        tpu.wait_dma2 semaphore(%run_scoped3A : memref<!tpu.dma_semaphore, #tpu.memory_space<semaphore_mem>>) src(%dma_wait3A_263 : memref<31304xi32, #tpu.memory_space<hbm>>) dst(%dma_wait3A_262 : memref<31304xi32, #tpu.memory_space<vmem>>)
        tpu.yield
      }) : () -> ()
    } else {
    }
    %eq3A_15 = arith.constant 31 : i32
    %eq3A_16 = arith.cmpi eq, %add3A, %eq3A_15 : i32
    %convert_element_type3A_17 = arith.extui %eq3A_16 : i1 to i32
    %cond3A_18 = arith.constant 0 : i32
    %cond3A_19 = arith.cmpi ne, %convert_element_type3A_17, %cond3A_18 : i32
    scf.if %cond3A_19 {
      %sub3A = arith.constant 8 : i32
      %sub3A_251 = arith.subi %mul3A_6, %sub3A : i32
      "tpu.region"() ({
        %run_scoped3A = tpu.sem_alloc : memref<!tpu.dma_semaphore, #tpu.memory_space<semaphore_mem>>
        %dma_start3A_252 = arith.constant 0 : i32
        %dma_start3A_253 = tpu.memref_slice %arg5[%dma_start3A_252] : memref<31304xi32, #tpu.memory_space<vmem>> -> memref<29832xi32, #tpu.memory_space<vmem>>
        %dma_start3A_254 = tpu.memref_slice %arg2[%sub3A_251] : memref<1000000xi32, #tpu.memory_space<hbm>> -> memref<29832xi32, #tpu.memory_space<hbm>>
        %dma_start3A_255 = arith.constant 0 : i32
        %dma_start3A_256 = tpu.memref_slice %arg5[%dma_start3A_255] : memref<31304xi32, #tpu.memory_space<vmem>> -> memref<29832xi32, #tpu.memory_space<vmem>>
        %dma_start3A_257 = tpu.memref_slice %arg2[%sub3A_251] : memref<1000000xi32, #tpu.memory_space<hbm>> -> memref<29832xi32, #tpu.memory_space<hbm>>
        tpu.enqueue_dma source(%dma_start3A_257 : memref<29832xi32, #tpu.memory_space<hbm>>) target(%dma_start3A_256 : memref<29832xi32, #tpu.memory_space<vmem>>) target_semaphore(%run_scoped3A : memref<!tpu.dma_semaphore, #tpu.memory_space<semaphore_mem>>)
        %dma_wait3A_258 = arith.constant 0 : i32
        %dma_wait3A_259 = tpu.memref_slice %arg5[%dma_wait3A_258] : memref<31304xi32, #tpu.memory_space<vmem>> -> memref<29832xi32, #tpu.memory_space<vmem>>
        %dma_wait3A_260 = tpu.memref_slice %arg2[%sub3A_251] : memref<1000000xi32, #tpu.memory_space<hbm>> -> memref<29832xi32, #tpu.memory_space<hbm>>
        %dma_wait3A_261 = arith.constant 0 : i32
        %dma_wait3A_262 = tpu.memref_slice %arg5[%dma_wait3A_261] : memref<31304xi32, #tpu.memory_space<vmem>> -> memref<29832xi32, #tpu.memory_space<vmem>>
        %dma_wait3A_263 = tpu.memref_slice %arg2[%sub3A_251] : memref<1000000xi32, #tpu.memory_space<hbm>> -> memref<29832xi32, #tpu.memory_space<hbm>>
        tpu.wait_dma2 semaphore(%run_scoped3A : memref<!tpu.dma_semaphore, #tpu.memory_space<semaphore_mem>>) src(%dma_wait3A_263 : memref<29832xi32, #tpu.memory_space<hbm>>) dst(%dma_wait3A_262 : memref<29832xi32, #tpu.memory_space<vmem>>)
        tpu.yield
      }) : () -> ()
    } else {
    }
    %parallel_loop3A = arith.constant 0 : i32
    %parallel_loop3A_20 = arith.constant 652 : i32
    %parallel_loop3A_21 = arith.constant 1 : i32
    scf.for %parallel_loop3A_251 = %parallel_loop3A to %parallel_loop3A_20 step %parallel_loop3A_21  : i32 {
      %parallel_loop3A_252 = arith.constant 16 : i32
      %parallel_loop3A_253 = arith.muli %parallel_loop3A_251, %parallel_loop3A_252 : i32
      %parallel_loop3A_254 = arith.constant 8 : i32
      %parallel_loop3A_255 = arith.addi %parallel_loop3A_254, %parallel_loop3A_253 : i32
      %parallel_loop3A_256 = arith.index_cast %parallel_loop3A_255 : i32 to index
      %parallel_loop3A_257 = tpu.vector_load %arg5[%parallel_loop3A_256] {strides = array<i32>} : memref<31304xi32, #tpu.memory_space<vmem>>, vector<16xi32>,
      %parallel_loop3A_258 = arith.constant 7 : i32
      %parallel_loop3A_259 = arith.addi %parallel_loop3A_258, %parallel_loop3A_253 : i32
      %parallel_loop3A_260 = arith.index_cast %parallel_loop3A_259 : i32 to index
      %parallel_loop3A_261 = tpu.vector_load %arg5[%parallel_loop3A_260] {strides = array<i32>} : memref<31304xi32, #tpu.memory_space<vmem>>, vector<16xi32>,
      %parallel_loop3A_262 = arith.cmpi ne, %parallel_loop3A_257, %parallel_loop3A_261 : vector<16xi32>
      %parallel_loop3A_263 = arith.select %parallel_loop3A_262, %broadcast_in_dim3A_2, %broadcast_in_dim3A_4 : vector<16xi1>, vector<16xi32>
      %parallel_loop3A_264 = arith.cmpi eq, %parallel_loop3A_257, %broadcast_in_dim3A_4 : vector<16xi32>
      %parallel_loop3A_265 = arith.select %parallel_loop3A_264, %broadcast_in_dim3A_2, %broadcast_in_dim3A_4 : vector<16xi1>, vector<16xi32>
      %parallel_loop3A_266 = arith.cmpi eq, %parallel_loop3A_257, %get3A_1 : vector<16xi32>
      %parallel_loop3A_267 = arith.select %parallel_loop3A_266, %broadcast_in_dim3A_2, %broadcast_in_dim3A_4 : vector<16xi1>, vector<16xi32>
      %parallel_loop3A_268 = arith.subi %broadcast_in_dim3A_2, %parallel_loop3A_265 : vector<16xi32>
      %parallel_loop3A_269 = arith.subi %parallel_loop3A_268, %parallel_loop3A_267 : vector<16xi32>
      %parallel_loop3A_270 = arith.constant 0 : i32
      %parallel_loop3A_271 = arith.index_cast %parallel_loop3A_270 : i32 to index
      %parallel_loop3A_272 = arith.index_cast %parallel_loop3A_253 : i32 to index
      %parallel_loop3A_273 = tpu.vector_load %arg7[%parallel_loop3A_271, %parallel_loop3A_272] {strides = array<i32>} : memref<4x10432xi32, #tpu.memory_space<vmem>>, vector<16xi32>,
      tpu.vector_store %arg7[%parallel_loop3A_271, %parallel_loop3A_272], %parallel_loop3A_263 {strides = array<i32>} : memref<4x10432xi32, #tpu.memory_space<vmem>>, vector<16xi32>,
      %parallel_loop3A_274 = arith.constant 1 : i32
      %parallel_loop3A_275 = arith.index_cast %parallel_loop3A_274 : i32 to index
      %parallel_loop3A_276 = arith.index_cast %parallel_loop3A_253 : i32 to index
      %parallel_loop3A_277 = tpu.vector_load %arg7[%parallel_loop3A_275, %parallel_loop3A_276] {strides = array<i32>} : memref<4x10432xi32, #tpu.memory_space<vmem>>, vector<16xi32>,
      tpu.vector_store %arg7[%parallel_loop3A_275, %parallel_loop3A_276], %parallel_loop3A_265 {strides = array<i32>} : memref<4x10432xi32, #tpu.memory_space<vmem>>, vector<16xi32>,
      %parallel_loop3A_278 = arith.constant 2 : i32
      %parallel_loop3A_279 = arith.index_cast %parallel_loop3A_278 : i32 to index
      %parallel_loop3A_280 = arith.index_cast %parallel_loop3A_253 : i32 to index
      %parallel_loop3A_281 = tpu.vector_load %arg7[%parallel_loop3A_279, %parallel_loop3A_280] {strides = array<i32>} : memref<4x10432xi32, #tpu.memory_space<vmem>>, vector<16xi32>,
      tpu.vector_store %arg7[%parallel_loop3A_279, %parallel_loop3A_280], %parallel_loop3A_269 {strides = array<i32>} : memref<4x10432xi32, #tpu.memory_space<vmem>>, vector<16xi32>,
      %parallel_loop3A_282 = arith.constant 3 : i32
      %parallel_loop3A_283 = arith.index_cast %parallel_loop3A_282 : i32 to index
      %parallel_loop3A_284 = arith.index_cast %parallel_loop3A_253 : i32 to index
      %parallel_loop3A_285 = tpu.vector_load %arg7[%parallel_loop3A_283, %parallel_loop3A_284] {strides = array<i32>} : memref<4x10432xi32, #tpu.memory_space<vmem>>, vector<16xi32>,
      tpu.vector_store %arg7[%parallel_loop3A_283, %parallel_loop3A_284], %parallel_loop3A_267 {strides = array<i32>} : memref<4x10432xi32, #tpu.memory_space<vmem>>, vector<16xi32>,
    } {sc.loop_unroll_factor = 16 : i64, sc.parallel_access}
    %add3A_22 = arith.constant 0 : i32
    %add3A_23 = arith.addi %mul3A_6, %add3A_22 : i32
    %dma_start3A = arith.constant 0 : i32
    %dma_start3A_24 = arith.constant 0 : i32
    %dma_start3A_25 = arith.constant 0 : i32
    %dma_start3A_26 = tpu.memref_slice %arg7[%dma_start3A, %dma_start3A_25] : memref<4x10432xi32, #tpu.memory_space<vmem>> -> memref<1x10432xi32, #tpu.memory_space<vmem>>
    %dma_start3A_27 = tpu.memref_squeeze %dma_start3A_26 : memref<1x10432xi32, #tpu.memory_space<vmem>> -> memref<10432xi32, #tpu.memory_space<vmem>>
    %dma_start3A_28 = tpu.memref_slice %arg4[%dma_start3A_24, %add3A_23] : memref<4x1000000xi32, #tpu.memory_space<hbm>> -> memref<1x10432xi32, #tpu.memory_space<hbm>>
    %dma_start3A_29 = tpu.memref_squeeze %dma_start3A_28 : memref<1x10432xi32, #tpu.memory_space<hbm>> -> memref<10432xi32, #tpu.memory_space<hbm>>
    %dma_start3A_30 = tpu.memref_slice %arg4[%dma_start3A_24, %add3A_23] : memref<4x1000000xi32, #tpu.memory_space<hbm>> -> memref<1x10432xi32, #tpu.memory_space<hbm>>
    %dma_start3A_31 = tpu.memref_squeeze %dma_start3A_30 : memref<1x10432xi32, #tpu.memory_space<hbm>> -> memref<10432xi32, #tpu.memory_space<hbm>>
    %dma_start3A_32 = arith.constant 0 : i32
    %dma_start3A_33 = tpu.memref_slice %arg7[%dma_start3A, %dma_start3A_32] : memref<4x10432xi32, #tpu.memory_space<vmem>> -> memref<1x10432xi32, #tpu.memory_space<vmem>>
    %dma_start3A_34 = tpu.memref_squeeze %dma_start3A_33 : memref<1x10432xi32, #tpu.memory_space<vmem>> -> memref<10432xi32, #tpu.memory_space<vmem>>
    tpu.enqueue_dma source(%dma_start3A_34 : memref<10432xi32, #tpu.memory_space<vmem>>) target(%dma_start3A_31 : memref<10432xi32, #tpu.memory_space<hbm>>) target_semaphore(%arg9 : memref<!tpu.dma_semaphore, #tpu.memory_space<semaphore_mem>>)
    %dma_start3A_35 = arith.constant 1 : i32
    %dma_start3A_36 = arith.constant 1 : i32
    %dma_start3A_37 = arith.constant 0 : i32
    %dma_start3A_38 = tpu.memref_slice %arg7[%dma_start3A_35, %dma_start3A_37] : memref<4x10432xi32, #tpu.memory_space<vmem>> -> memref<1x10432xi32, #tpu.memory_space<vmem>>
    %dma_start3A_39 = tpu.memref_squeeze %dma_start3A_38 : memref<1x10432xi32, #tpu.memory_space<vmem>> -> memref<10432xi32, #tpu.memory_space<vmem>>
    %dma_start3A_40 = tpu.memref_slice %arg4[%dma_start3A_36, %add3A_23] : memref<4x1000000xi32, #tpu.memory_space<hbm>> -> memref<1x10432xi32, #tpu.memory_space<hbm>>
    %dma_start3A_41 = tpu.memref_squeeze %dma_start3A_40 : memref<1x10432xi32, #tpu.memory_space<hbm>> -> memref<10432xi32, #tpu.memory_space<hbm>>
    %dma_start3A_42 = tpu.memref_slice %arg4[%dma_start3A_36, %add3A_23] : memref<4x1000000xi32, #tpu.memory_space<hbm>> -> memref<1x10432xi32, #tpu.memory_space<hbm>>
    %dma_start3A_43 = tpu.memref_squeeze %dma_start3A_42 : memref<1x10432xi32, #tpu.memory_space<hbm>> -> memref<10432xi32, #tpu.memory_space<hbm>>
    %dma_start3A_44 = arith.constant 0 : i32
    %dma_start3A_45 = tpu.memref_slice %arg7[%dma_start3A_35, %dma_start3A_44] : memref<4x10432xi32, #tpu.memory_space<vmem>> -> memref<1x10432xi32, #tpu.memory_space<vmem>>
    %dma_start3A_46 = tpu.memref_squeeze %dma_start3A_45 : memref<1x10432xi32, #tpu.memory_space<vmem>> -> memref<10432xi32, #tpu.memory_space<vmem>>
    tpu.enqueue_dma source(%dma_start3A_46 : memref<10432xi32, #tpu.memory_space<vmem>>) target(%dma_start3A_43 : memref<10432xi32, #tpu.memory_space<hbm>>) target_semaphore(%arg9 : memref<!tpu.dma_semaphore, #tpu.memory_space<semaphore_mem>>)
    %dma_start3A_47 = arith.constant 2 : i32
    %dma_start3A_48 = arith.constant 2 : i32
    %dma_start3A_49 = arith.constant 0 : i32
    %dma_start3A_50 = tpu.memref_slice %arg7[%dma_start3A_47, %dma_start3A_49] : memref<4x10432xi32, #tpu.memory_space<vmem>> -> memref<1x10432xi32, #tpu.memory_space<vmem>>
    %dma_start3A_51 = tpu.memref_squeeze %dma_start3A_50 : memref<1x10432xi32, #tpu.memory_space<vmem>> -> memref<10432xi32, #tpu.memory_space<vmem>>
    %dma_start3A_52 = tpu.memref_slice %arg4[%dma_start3A_48, %add3A_23] : memref<4x1000000xi32, #tpu.memory_space<hbm>> -> memref<1x10432xi32, #tpu.memory_space<hbm>>
    %dma_start3A_53 = tpu.memref_squeeze %dma_start3A_52 : memref<1x10432xi32, #tpu.memory_space<hbm>> -> memref<10432xi32, #tpu.memory_space<hbm>>
    %dma_start3A_54 = tpu.memref_slice %arg4[%dma_start3A_48, %add3A_23] : memref<4x1000000xi32, #tpu.memory_space<hbm>> -> memref<1x10432xi32, #tpu.memory_space<hbm>>
    %dma_start3A_55 = tpu.memref_squeeze %dma_start3A_54 : memref<1x10432xi32, #tpu.memory_space<hbm>> -> memref<10432xi32, #tpu.memory_space<hbm>>
    %dma_start3A_56 = arith.constant 0 : i32
    %dma_start3A_57 = tpu.memref_slice %arg7[%dma_start3A_47, %dma_start3A_56] : memref<4x10432xi32, #tpu.memory_space<vmem>> -> memref<1x10432xi32, #tpu.memory_space<vmem>>
    %dma_start3A_58 = tpu.memref_squeeze %dma_start3A_57 : memref<1x10432xi32, #tpu.memory_space<vmem>> -> memref<10432xi32, #tpu.memory_space<vmem>>
    tpu.enqueue_dma source(%dma_start3A_58 : memref<10432xi32, #tpu.memory_space<vmem>>) target(%dma_start3A_55 : memref<10432xi32, #tpu.memory_space<hbm>>) target_semaphore(%arg9 : memref<!tpu.dma_semaphore, #tpu.memory_space<semaphore_mem>>)
    %dma_start3A_59 = arith.constant 3 : i32
    %dma_start3A_60 = arith.constant 3 : i32
    %dma_start3A_61 = arith.constant 0 : i32
    %dma_start3A_62 = tpu.memref_slice %arg7[%dma_start3A_59, %dma_start3A_61] : memref<4x10432xi32, #tpu.memory_space<vmem>> -> memref<1x10432xi32, #tpu.memory_space<vmem>>
    %dma_start3A_63 = tpu.memref_squeeze %dma_start3A_62 : memref<1x10432xi32, #tpu.memory_space<vmem>> -> memref<10432xi32, #tpu.memory_space<vmem>>
    %dma_start3A_64 = tpu.memref_slice %arg4[%dma_start3A_60, %add3A_23] : memref<4x1000000xi32, #tpu.memory_space<hbm>> -> memref<1x10432xi32, #tpu.memory_space<hbm>>
    %dma_start3A_65 = tpu.memref_squeeze %dma_start3A_64 : memref<1x10432xi32, #tpu.memory_space<hbm>> -> memref<10432xi32, #tpu.memory_space<hbm>>
    %dma_start3A_66 = tpu.memref_slice %arg4[%dma_start3A_60, %add3A_23] : memref<4x1000000xi32, #tpu.memory_space<hbm>> -> memref<1x10432xi32, #tpu.memory_space<hbm>>
    %dma_start3A_67 = tpu.memref_squeeze %dma_start3A_66 : memref<1x10432xi32, #tpu.memory_space<hbm>> -> memref<10432xi32, #tpu.memory_space<hbm>>
    %dma_start3A_68 = arith.constant 0 : i32
    %dma_start3A_69 = tpu.memref_slice %arg7[%dma_start3A_59, %dma_start3A_68] : memref<4x10432xi32, #tpu.memory_space<vmem>> -> memref<1x10432xi32, #tpu.memory_space<vmem>>
    %dma_start3A_70 = tpu.memref_squeeze %dma_start3A_69 : memref<1x10432xi32, #tpu.memory_space<vmem>> -> memref<10432xi32, #tpu.memory_space<vmem>>
    tpu.enqueue_dma source(%dma_start3A_70 : memref<10432xi32, #tpu.memory_space<vmem>>) target(%dma_start3A_67 : memref<10432xi32, #tpu.memory_space<hbm>>) target_semaphore(%arg9 : memref<!tpu.dma_semaphore, #tpu.memory_space<semaphore_mem>>)
    %parallel_loop3A_71 = arith.constant 0 : i32
    %parallel_loop3A_72 = arith.constant 652 : i32
    %parallel_loop3A_73 = arith.constant 1 : i32
    scf.for %parallel_loop3A_251 = %parallel_loop3A_71 to %parallel_loop3A_72 step %parallel_loop3A_73  : i32 {
      %parallel_loop3A_252 = arith.constant 16 : i32
      %parallel_loop3A_253 = arith.muli %parallel_loop3A_251, %parallel_loop3A_252 : i32
      %parallel_loop3A_254 = arith.constant 10440 : i32
      %parallel_loop3A_255 = arith.addi %parallel_loop3A_254, %parallel_loop3A_253 : i32
      %parallel_loop3A_256 = arith.index_cast %parallel_loop3A_255 : i32 to index
      %parallel_loop3A_257 = tpu.vector_load %arg5[%parallel_loop3A_256] {strides = array<i32>} : memref<31304xi32, #tpu.memory_space<vmem>>, vector<16xi32>,
      %parallel_loop3A_258 = arith.constant 10439 : i32
      %parallel_loop3A_259 = arith.addi %parallel_loop3A_258, %parallel_loop3A_253 : i32
      %parallel_loop3A_260 = arith.index_cast %parallel_loop3A_259 : i32 to index
      %parallel_loop3A_261 = tpu.vector_load %arg5[%parallel_loop3A_260] {strides = array<i32>} : memref<31304xi32, #tpu.memory_space<vmem>>, vector<16xi32>,
      %parallel_loop3A_262 = arith.cmpi ne, %parallel_loop3A_257, %parallel_loop3A_261 : vector<16xi32>
      %parallel_loop3A_263 = arith.select %parallel_loop3A_262, %broadcast_in_dim3A_2, %broadcast_in_dim3A_4 : vector<16xi1>, vector<16xi32>
      %parallel_loop3A_264 = arith.cmpi eq, %parallel_loop3A_257, %broadcast_in_dim3A_4 : vector<16xi32>
      %parallel_loop3A_265 = arith.select %parallel_loop3A_264, %broadcast_in_dim3A_2, %broadcast_in_dim3A_4 : vector<16xi1>, vector<16xi32>
      %parallel_loop3A_266 = arith.cmpi eq, %parallel_loop3A_257, %get3A_1 : vector<16xi32>
      %parallel_loop3A_267 = arith.select %parallel_loop3A_266, %broadcast_in_dim3A_2, %broadcast_in_dim3A_4 : vector<16xi1>, vector<16xi32>
      %parallel_loop3A_268 = arith.subi %broadcast_in_dim3A_2, %parallel_loop3A_265 : vector<16xi32>
      %parallel_loop3A_269 = arith.subi %parallel_loop3A_268, %parallel_loop3A_267 : vector<16xi32>
      %parallel_loop3A_270 = arith.constant 0 : i32
      %parallel_loop3A_271 = arith.index_cast %parallel_loop3A_270 : i32 to index
      %parallel_loop3A_272 = arith.index_cast %parallel_loop3A_253 : i32 to index
      %parallel_loop3A_273 = tpu.vector_load %arg8[%parallel_loop3A_271, %parallel_loop3A_272] {strides = array<i32>} : memref<4x10432xi32, #tpu.memory_space<vmem>>, vector<16xi32>,
      tpu.vector_store %arg8[%parallel_loop3A_271, %parallel_loop3A_272], %parallel_loop3A_263 {strides = array<i32>} : memref<4x10432xi32, #tpu.memory_space<vmem>>, vector<16xi32>,
      %parallel_loop3A_274 = arith.constant 1 : i32
      %parallel_loop3A_275 = arith.index_cast %parallel_loop3A_274 : i32 to index
      %parallel_loop3A_276 = arith.index_cast %parallel_loop3A_253 : i32 to index
      %parallel_loop3A_277 = tpu.vector_load %arg8[%parallel_loop3A_275, %parallel_loop3A_276] {strides = array<i32>} : memref<4x10432xi32, #tpu.memory_space<vmem>>, vector<16xi32>,
      tpu.vector_store %arg8[%parallel_loop3A_275, %parallel_loop3A_276], %parallel_loop3A_265 {strides = array<i32>} : memref<4x10432xi32, #tpu.memory_space<vmem>>, vector<16xi32>,
      %parallel_loop3A_278 = arith.constant 2 : i32
      %parallel_loop3A_279 = arith.index_cast %parallel_loop3A_278 : i32 to index
      %parallel_loop3A_280 = arith.index_cast %parallel_loop3A_253 : i32 to index
      %parallel_loop3A_281 = tpu.vector_load %arg8[%parallel_loop3A_279, %parallel_loop3A_280] {strides = array<i32>} : memref<4x10432xi32, #tpu.memory_space<vmem>>, vector<16xi32>,
      tpu.vector_store %arg8[%parallel_loop3A_279, %parallel_loop3A_280], %parallel_loop3A_269 {strides = array<i32>} : memref<4x10432xi32, #tpu.memory_space<vmem>>, vector<16xi32>,
      %parallel_loop3A_282 = arith.constant 3 : i32
      %parallel_loop3A_283 = arith.index_cast %parallel_loop3A_282 : i32 to index
      %parallel_loop3A_284 = arith.index_cast %parallel_loop3A_253 : i32 to index
      %parallel_loop3A_285 = tpu.vector_load %arg8[%parallel_loop3A_283, %parallel_loop3A_284] {strides = array<i32>} : memref<4x10432xi32, #tpu.memory_space<vmem>>, vector<16xi32>,
      tpu.vector_store %arg8[%parallel_loop3A_283, %parallel_loop3A_284], %parallel_loop3A_267 {strides = array<i32>} : memref<4x10432xi32, #tpu.memory_space<vmem>>, vector<16xi32>,
    } {sc.loop_unroll_factor = 16 : i64, sc.parallel_access}
    %add3A_74 = arith.constant 10432 : i32
    %add3A_75 = arith.addi %mul3A_6, %add3A_74 : i32
    %dma_start3A_76 = arith.constant 0 : i32
    %dma_start3A_77 = arith.constant 0 : i32
    %dma_start3A_78 = arith.constant 0 : i32
    %dma_start3A_79 = tpu.memref_slice %arg8[%dma_start3A_76, %dma_start3A_78] : memref<4x10432xi32, #tpu.memory_space<vmem>> -> memref<1x10432xi32, #tpu.memory_space<vmem>>
    %dma_start3A_80 = tpu.memref_squeeze %dma_start3A_79 : memref<1x10432xi32, #tpu.memory_space<vmem>> -> memref<10432xi32, #tpu.memory_space<vmem>>
    %dma_start3A_81 = tpu.memref_slice %arg4[%dma_start3A_77, %add3A_75] : memref<4x1000000xi32, #tpu.memory_space<hbm>> -> memref<1x10432xi32, #tpu.memory_space<hbm>>
    %dma_start3A_82 = tpu.memref_squeeze %dma_start3A_81 : memref<1x10432xi32, #tpu.memory_space<hbm>> -> memref<10432xi32, #tpu.memory_space<hbm>>
    %dma_start3A_83 = tpu.memref_slice %arg4[%dma_start3A_77, %add3A_75] : memref<4x1000000xi32, #tpu.memory_space<hbm>> -> memref<1x10432xi32, #tpu.memory_space<hbm>>
    %dma_start3A_84 = tpu.memref_squeeze %dma_start3A_83 : memref<1x10432xi32, #tpu.memory_space<hbm>> -> memref<10432xi32, #tpu.memory_space<hbm>>
    %dma_start3A_85 = arith.constant 0 : i32
    %dma_start3A_86 = tpu.memref_slice %arg8[%dma_start3A_76, %dma_start3A_85] : memref<4x10432xi32, #tpu.memory_space<vmem>> -> memref<1x10432xi32, #tpu.memory_space<vmem>>
    %dma_start3A_87 = tpu.memref_squeeze %dma_start3A_86 : memref<1x10432xi32, #tpu.memory_space<vmem>> -> memref<10432xi32, #tpu.memory_space<vmem>>
    tpu.enqueue_dma source(%dma_start3A_87 : memref<10432xi32, #tpu.memory_space<vmem>>) target(%dma_start3A_84 : memref<10432xi32, #tpu.memory_space<hbm>>) target_semaphore(%arg10 : memref<!tpu.dma_semaphore, #tpu.memory_space<semaphore_mem>>)
    %dma_start3A_88 = arith.constant 1 : i32
    %dma_start3A_89 = arith.constant 1 : i32
    %dma_start3A_90 = arith.constant 0 : i32
    %dma_start3A_91 = tpu.memref_slice %arg8[%dma_start3A_88, %dma_start3A_90] : memref<4x10432xi32, #tpu.memory_space<vmem>> -> memref<1x10432xi32, #tpu.memory_space<vmem>>
    %dma_start3A_92 = tpu.memref_squeeze %dma_start3A_91 : memref<1x10432xi32, #tpu.memory_space<vmem>> -> memref<10432xi32, #tpu.memory_space<vmem>>
    %dma_start3A_93 = tpu.memref_slice %arg4[%dma_start3A_89, %add3A_75] : memref<4x1000000xi32, #tpu.memory_space<hbm>> -> memref<1x10432xi32, #tpu.memory_space<hbm>>
    %dma_start3A_94 = tpu.memref_squeeze %dma_start3A_93 : memref<1x10432xi32, #tpu.memory_space<hbm>> -> memref<10432xi32, #tpu.memory_space<hbm>>
    %dma_start3A_95 = tpu.memref_slice %arg4[%dma_start3A_89, %add3A_75] : memref<4x1000000xi32, #tpu.memory_space<hbm>> -> memref<1x10432xi32, #tpu.memory_space<hbm>>
    %dma_start3A_96 = tpu.memref_squeeze %dma_start3A_95 : memref<1x10432xi32, #tpu.memory_space<hbm>> -> memref<10432xi32, #tpu.memory_space<hbm>>
    %dma_start3A_97 = arith.constant 0 : i32
    %dma_start3A_98 = tpu.memref_slice %arg8[%dma_start3A_88, %dma_start3A_97] : memref<4x10432xi32, #tpu.memory_space<vmem>> -> memref<1x10432xi32, #tpu.memory_space<vmem>>
    %dma_start3A_99 = tpu.memref_squeeze %dma_start3A_98 : memref<1x10432xi32, #tpu.memory_space<vmem>> -> memref<10432xi32, #tpu.memory_space<vmem>>
    tpu.enqueue_dma source(%dma_start3A_99 : memref<10432xi32, #tpu.memory_space<vmem>>) target(%dma_start3A_96 : memref<10432xi32, #tpu.memory_space<hbm>>) target_semaphore(%arg10 : memref<!tpu.dma_semaphore, #tpu.memory_space<semaphore_mem>>)
    %dma_start3A_100 = arith.constant 2 : i32
    %dma_start3A_101 = arith.constant 2 : i32
    %dma_start3A_102 = arith.constant 0 : i32
    %dma_start3A_103 = tpu.memref_slice %arg8[%dma_start3A_100, %dma_start3A_102] : memref<4x10432xi32, #tpu.memory_space<vmem>> -> memref<1x10432xi32, #tpu.memory_space<vmem>>
    %dma_start3A_104 = tpu.memref_squeeze %dma_start3A_103 : memref<1x10432xi32, #tpu.memory_space<vmem>> -> memref<10432xi32, #tpu.memory_space<vmem>>
    %dma_start3A_105 = tpu.memref_slice %arg4[%dma_start3A_101, %add3A_75] : memref<4x1000000xi32, #tpu.memory_space<hbm>> -> memref<1x10432xi32, #tpu.memory_space<hbm>>
    %dma_start3A_106 = tpu.memref_squeeze %dma_start3A_105 : memref<1x10432xi32, #tpu.memory_space<hbm>> -> memref<10432xi32, #tpu.memory_space<hbm>>
    %dma_start3A_107 = tpu.memref_slice %arg4[%dma_start3A_101, %add3A_75] : memref<4x1000000xi32, #tpu.memory_space<hbm>> -> memref<1x10432xi32, #tpu.memory_space<hbm>>
    %dma_start3A_108 = tpu.memref_squeeze %dma_start3A_107 : memref<1x10432xi32, #tpu.memory_space<hbm>> -> memref<10432xi32, #tpu.memory_space<hbm>>
    %dma_start3A_109 = arith.constant 0 : i32
    %dma_start3A_110 = tpu.memref_slice %arg8[%dma_start3A_100, %dma_start3A_109] : memref<4x10432xi32, #tpu.memory_space<vmem>> -> memref<1x10432xi32, #tpu.memory_space<vmem>>
    %dma_start3A_111 = tpu.memref_squeeze %dma_start3A_110 : memref<1x10432xi32, #tpu.memory_space<vmem>> -> memref<10432xi32, #tpu.memory_space<vmem>>
    tpu.enqueue_dma source(%dma_start3A_111 : memref<10432xi32, #tpu.memory_space<vmem>>) target(%dma_start3A_108 : memref<10432xi32, #tpu.memory_space<hbm>>) target_semaphore(%arg10 : memref<!tpu.dma_semaphore, #tpu.memory_space<semaphore_mem>>)
    %dma_start3A_112 = arith.constant 3 : i32
    %dma_start3A_113 = arith.constant 3 : i32
    %dma_start3A_114 = arith.constant 0 : i32
    %dma_start3A_115 = tpu.memref_slice %arg8[%dma_start3A_112, %dma_start3A_114] : memref<4x10432xi32, #tpu.memory_space<vmem>> -> memref<1x10432xi32, #tpu.memory_space<vmem>>
    %dma_start3A_116 = tpu.memref_squeeze %dma_start3A_115 : memref<1x10432xi32, #tpu.memory_space<vmem>> -> memref<10432xi32, #tpu.memory_space<vmem>>
    %dma_start3A_117 = tpu.memref_slice %arg4[%dma_start3A_113, %add3A_75] : memref<4x1000000xi32, #tpu.memory_space<hbm>> -> memref<1x10432xi32, #tpu.memory_space<hbm>>
    %dma_start3A_118 = tpu.memref_squeeze %dma_start3A_117 : memref<1x10432xi32, #tpu.memory_space<hbm>> -> memref<10432xi32, #tpu.memory_space<hbm>>
    %dma_start3A_119 = tpu.memref_slice %arg4[%dma_start3A_113, %add3A_75] : memref<4x1000000xi32, #tpu.memory_space<hbm>> -> memref<1x10432xi32, #tpu.memory_space<hbm>>
    %dma_start3A_120 = tpu.memref_squeeze %dma_start3A_119 : memref<1x10432xi32, #tpu.memory_space<hbm>> -> memref<10432xi32, #tpu.memory_space<hbm>>
    %dma_start3A_121 = arith.constant 0 : i32
    %dma_start3A_122 = tpu.memref_slice %arg8[%dma_start3A_112, %dma_start3A_121] : memref<4x10432xi32, #tpu.memory_space<vmem>> -> memref<1x10432xi32, #tpu.memory_space<vmem>>
    %dma_start3A_123 = tpu.memref_squeeze %dma_start3A_122 : memref<1x10432xi32, #tpu.memory_space<vmem>> -> memref<10432xi32, #tpu.memory_space<vmem>>
    tpu.enqueue_dma source(%dma_start3A_123 : memref<10432xi32, #tpu.memory_space<vmem>>) target(%dma_start3A_120 : memref<10432xi32, #tpu.memory_space<hbm>>) target_semaphore(%arg10 : memref<!tpu.dma_semaphore, #tpu.memory_space<semaphore_mem>>)
    %add3A_124 = arith.constant 0 : i32
    %add3A_125 = arith.addi %mul3A_6, %add3A_124 : i32
    %dma_wait3A = arith.constant 0 : i32
    %dma_wait3A_126 = arith.constant 0 : i32
    %dma_wait3A_127 = arith.constant 0 : i32
    %dma_wait3A_128 = tpu.memref_slice %arg7[%dma_wait3A, %dma_wait3A_127] : memref<4x10432xi32, #tpu.memory_space<vmem>> -> memref<1x10432xi32, #tpu.memory_space<vmem>>
    %dma_wait3A_129 = tpu.memref_squeeze %dma_wait3A_128 : memref<1x10432xi32, #tpu.memory_space<vmem>> -> memref<10432xi32, #tpu.memory_space<vmem>>
    %dma_wait3A_130 = tpu.memref_slice %arg4[%dma_wait3A_126, %add3A_125] : memref<4x1000000xi32, #tpu.memory_space<hbm>> -> memref<1x10432xi32, #tpu.memory_space<hbm>>
    %dma_wait3A_131 = tpu.memref_squeeze %dma_wait3A_130 : memref<1x10432xi32, #tpu.memory_space<hbm>> -> memref<10432xi32, #tpu.memory_space<hbm>>
    %dma_wait3A_132 = tpu.memref_slice %arg4[%dma_wait3A_126, %add3A_125] : memref<4x1000000xi32, #tpu.memory_space<hbm>> -> memref<1x10432xi32, #tpu.memory_space<hbm>>
    %dma_wait3A_133 = tpu.memref_squeeze %dma_wait3A_132 : memref<1x10432xi32, #tpu.memory_space<hbm>> -> memref<10432xi32, #tpu.memory_space<hbm>>
    %dma_wait3A_134 = arith.constant 0 : i32
    %dma_wait3A_135 = tpu.memref_slice %arg7[%dma_wait3A, %dma_wait3A_134] : memref<4x10432xi32, #tpu.memory_space<vmem>> -> memref<1x10432xi32, #tpu.memory_space<vmem>>
    %dma_wait3A_136 = tpu.memref_squeeze %dma_wait3A_135 : memref<1x10432xi32, #tpu.memory_space<vmem>> -> memref<10432xi32, #tpu.memory_space<vmem>>
    tpu.wait_dma2 semaphore(%arg9 : memref<!tpu.dma_semaphore, #tpu.memory_space<semaphore_mem>>) src(%dma_wait3A_136 : memref<10432xi32, #tpu.memory_space<vmem>>) dst(%dma_wait3A_133 : memref<10432xi32, #tpu.memory_space<hbm>>)
    %dma_wait3A_137 = arith.constant 1 : i32
    %dma_wait3A_138 = arith.constant 1 : i32
    %dma_wait3A_139 = arith.constant 0 : i32
    %dma_wait3A_140 = tpu.memref_slice %arg7[%dma_wait3A_137, %dma_wait3A_139] : memref<4x10432xi32, #tpu.memory_space<vmem>> -> memref<1x10432xi32, #tpu.memory_space<vmem>>
    %dma_wait3A_141 = tpu.memref_squeeze %dma_wait3A_140 : memref<1x10432xi32, #tpu.memory_space<vmem>> -> memref<10432xi32, #tpu.memory_space<vmem>>
    %dma_wait3A_142 = tpu.memref_slice %arg4[%dma_wait3A_138, %add3A_125] : memref<4x1000000xi32, #tpu.memory_space<hbm>> -> memref<1x10432xi32, #tpu.memory_space<hbm>>
    %dma_wait3A_143 = tpu.memref_squeeze %dma_wait3A_142 : memref<1x10432xi32, #tpu.memory_space<hbm>> -> memref<10432xi32, #tpu.memory_space<hbm>>
    %dma_wait3A_144 = tpu.memref_slice %arg4[%dma_wait3A_138, %add3A_125] : memref<4x1000000xi32, #tpu.memory_space<hbm>> -> memref<1x10432xi32, #tpu.memory_space<hbm>>
    %dma_wait3A_145 = tpu.memref_squeeze %dma_wait3A_144 : memref<1x10432xi32, #tpu.memory_space<hbm>> -> memref<10432xi32, #tpu.memory_space<hbm>>
    %dma_wait3A_146 = arith.constant 0 : i32
    %dma_wait3A_147 = tpu.memref_slice %arg7[%dma_wait3A_137, %dma_wait3A_146] : memref<4x10432xi32, #tpu.memory_space<vmem>> -> memref<1x10432xi32, #tpu.memory_space<vmem>>
    %dma_wait3A_148 = tpu.memref_squeeze %dma_wait3A_147 : memref<1x10432xi32, #tpu.memory_space<vmem>> -> memref<10432xi32, #tpu.memory_space<vmem>>
    tpu.wait_dma2 semaphore(%arg9 : memref<!tpu.dma_semaphore, #tpu.memory_space<semaphore_mem>>) src(%dma_wait3A_148 : memref<10432xi32, #tpu.memory_space<vmem>>) dst(%dma_wait3A_145 : memref<10432xi32, #tpu.memory_space<hbm>>)
    %dma_wait3A_149 = arith.constant 2 : i32
    %dma_wait3A_150 = arith.constant 2 : i32
    %dma_wait3A_151 = arith.constant 0 : i32
    %dma_wait3A_152 = tpu.memref_slice %arg7[%dma_wait3A_149, %dma_wait3A_151] : memref<4x10432xi32, #tpu.memory_space<vmem>> -> memref<1x10432xi32, #tpu.memory_space<vmem>>
    %dma_wait3A_153 = tpu.memref_squeeze %dma_wait3A_152 : memref<1x10432xi32, #tpu.memory_space<vmem>> -> memref<10432xi32, #tpu.memory_space<vmem>>
    %dma_wait3A_154 = tpu.memref_slice %arg4[%dma_wait3A_150, %add3A_125] : memref<4x1000000xi32, #tpu.memory_space<hbm>> -> memref<1x10432xi32, #tpu.memory_space<hbm>>
    %dma_wait3A_155 = tpu.memref_squeeze %dma_wait3A_154 : memref<1x10432xi32, #tpu.memory_space<hbm>> -> memref<10432xi32, #tpu.memory_space<hbm>>
    %dma_wait3A_156 = tpu.memref_slice %arg4[%dma_wait3A_150, %add3A_125] : memref<4x1000000xi32, #tpu.memory_space<hbm>> -> memref<1x10432xi32, #tpu.memory_space<hbm>>
    %dma_wait3A_157 = tpu.memref_squeeze %dma_wait3A_156 : memref<1x10432xi32, #tpu.memory_space<hbm>> -> memref<10432xi32, #tpu.memory_space<hbm>>
    %dma_wait3A_158 = arith.constant 0 : i32
    %dma_wait3A_159 = tpu.memref_slice %arg7[%dma_wait3A_149, %dma_wait3A_158] : memref<4x10432xi32, #tpu.memory_space<vmem>> -> memref<1x10432xi32, #tpu.memory_space<vmem>>
    %dma_wait3A_160 = tpu.memref_squeeze %dma_wait3A_159 : memref<1x10432xi32, #tpu.memory_space<vmem>> -> memref<10432xi32, #tpu.memory_space<vmem>>
    tpu.wait_dma2 semaphore(%arg9 : memref<!tpu.dma_semaphore, #tpu.memory_space<semaphore_mem>>) src(%dma_wait3A_160 : memref<10432xi32, #tpu.memory_space<vmem>>) dst(%dma_wait3A_157 : memref<10432xi32, #tpu.memory_space<hbm>>)
    %dma_wait3A_161 = arith.constant 3 : i32
    %dma_wait3A_162 = arith.constant 3 : i32
    %dma_wait3A_163 = arith.constant 0 : i32
    %dma_wait3A_164 = tpu.memref_slice %arg7[%dma_wait3A_161, %dma_wait3A_163] : memref<4x10432xi32, #tpu.memory_space<vmem>> -> memref<1x10432xi32, #tpu.memory_space<vmem>>
    %dma_wait3A_165 = tpu.memref_squeeze %dma_wait3A_164 : memref<1x10432xi32, #tpu.memory_space<vmem>> -> memref<10432xi32, #tpu.memory_space<vmem>>
    %dma_wait3A_166 = tpu.memref_slice %arg4[%dma_wait3A_162, %add3A_125] : memref<4x1000000xi32, #tpu.memory_space<hbm>> -> memref<1x10432xi32, #tpu.memory_space<hbm>>
    %dma_wait3A_167 = tpu.memref_squeeze %dma_wait3A_166 : memref<1x10432xi32, #tpu.memory_space<hbm>> -> memref<10432xi32, #tpu.memory_space<hbm>>
    %dma_wait3A_168 = tpu.memref_slice %arg4[%dma_wait3A_162, %add3A_125] : memref<4x1000000xi32, #tpu.memory_space<hbm>> -> memref<1x10432xi32, #tpu.memory_space<hbm>>
    %dma_wait3A_169 = tpu.memref_squeeze %dma_wait3A_168 : memref<1x10432xi32, #tpu.memory_space<hbm>> -> memref<10432xi32, #tpu.memory_space<hbm>>
    %dma_wait3A_170 = arith.constant 0 : i32
    %dma_wait3A_171 = tpu.memref_slice %arg7[%dma_wait3A_161, %dma_wait3A_170] : memref<4x10432xi32, #tpu.memory_space<vmem>> -> memref<1x10432xi32, #tpu.memory_space<vmem>>
    %dma_wait3A_172 = tpu.memref_squeeze %dma_wait3A_171 : memref<1x10432xi32, #tpu.memory_space<vmem>> -> memref<10432xi32, #tpu.memory_space<vmem>>
    tpu.wait_dma2 semaphore(%arg9 : memref<!tpu.dma_semaphore, #tpu.memory_space<semaphore_mem>>) src(%dma_wait3A_172 : memref<10432xi32, #tpu.memory_space<vmem>>) dst(%dma_wait3A_169 : memref<10432xi32, #tpu.memory_space<hbm>>)
    %mul3A_173 = arith.constant 3 : i32
    %mul3A_174 = arith.muli %add3A, %mul3A_173 : i32
    %add3A_175 = arith.constant 2 : i32
    %add3A_176 = arith.addi %mul3A_174, %add3A_175 : i32
    %eq3A_177 = arith.constant 95 : i32
    %eq3A_178 = arith.cmpi eq, %add3A_176, %eq3A_177 : i32
    %convert_element_type3A_179 = arith.extui %eq3A_178 : i1 to i32
    %cond3A_180 = arith.constant 0 : i32
    %cond3A_181 = arith.cmpi ne, %convert_element_type3A_179, %cond3A_180 : i32
    scf.if %cond3A_181 {
      %parallel_loop3A_251 = arith.constant 0 : i32
      %parallel_loop3A_252 = arith.constant 560 : i32
      %parallel_loop3A_253 = arith.constant 1 : i32
      scf.for %parallel_loop3A_304 = %parallel_loop3A_251 to %parallel_loop3A_252 step %parallel_loop3A_253  : i32 {
        %parallel_loop3A_305 = arith.constant 16 : i32
        %parallel_loop3A_306 = arith.muli %parallel_loop3A_304, %parallel_loop3A_305 : i32
        %parallel_loop3A_307 = arith.constant 20872 : i32
        %parallel_loop3A_308 = arith.addi %parallel_loop3A_307, %parallel_loop3A_306 : i32
        %parallel_loop3A_309 = arith.index_cast %parallel_loop3A_308 : i32 to index
        %parallel_loop3A_310 = tpu.vector_load %arg5[%parallel_loop3A_309] {strides = array<i32>} : memref<31304xi32, #tpu.memory_space<vmem>>, vector<16xi32>,
        %parallel_loop3A_311 = arith.constant 20871 : i32
        %parallel_loop3A_312 = arith.addi %parallel_loop3A_311, %parallel_loop3A_306 : i32
        %parallel_loop3A_313 = arith.index_cast %parallel_loop3A_312 : i32 to index
        %parallel_loop3A_314 = tpu.vector_load %arg5[%parallel_loop3A_313] {strides = array<i32>} : memref<31304xi32, #tpu.memory_space<vmem>>, vector<16xi32>,
        %parallel_loop3A_315 = arith.cmpi ne, %parallel_loop3A_310, %parallel_loop3A_314 : vector<16xi32>
        %parallel_loop3A_316 = arith.select %parallel_loop3A_315, %broadcast_in_dim3A_2, %broadcast_in_dim3A_4 : vector<16xi1>, vector<16xi32>
        %parallel_loop3A_317 = arith.cmpi eq, %parallel_loop3A_310, %broadcast_in_dim3A_4 : vector<16xi32>
        %parallel_loop3A_318 = arith.select %parallel_loop3A_317, %broadcast_in_dim3A_2, %broadcast_in_dim3A_4 : vector<16xi1>, vector<16xi32>
        %parallel_loop3A_319 = arith.cmpi eq, %parallel_loop3A_310, %get3A_1 : vector<16xi32>
        %parallel_loop3A_320 = arith.select %parallel_loop3A_319, %broadcast_in_dim3A_2, %broadcast_in_dim3A_4 : vector<16xi1>, vector<16xi32>
        %parallel_loop3A_321 = arith.subi %broadcast_in_dim3A_2, %parallel_loop3A_318 : vector<16xi32>
        %parallel_loop3A_322 = arith.subi %parallel_loop3A_321, %parallel_loop3A_320 : vector<16xi32>
        %parallel_loop3A_323 = arith.constant 0 : i32
        %parallel_loop3A_324 = arith.index_cast %parallel_loop3A_323 : i32 to index
        %parallel_loop3A_325 = arith.index_cast %parallel_loop3A_306 : i32 to index
        %parallel_loop3A_326 = tpu.vector_load %arg7[%parallel_loop3A_324, %parallel_loop3A_325] {strides = array<i32>} : memref<4x10432xi32, #tpu.memory_space<vmem>>, vector<16xi32>,
        tpu.vector_store %arg7[%parallel_loop3A_324, %parallel_loop3A_325], %parallel_loop3A_316 {strides = array<i32>} : memref<4x10432xi32, #tpu.memory_space<vmem>>, vector<16xi32>,
        %parallel_loop3A_327 = arith.constant 1 : i32
        %parallel_loop3A_328 = arith.index_cast %parallel_loop3A_327 : i32 to index
        %parallel_loop3A_329 = arith.index_cast %parallel_loop3A_306 : i32 to index
        %parallel_loop3A_330 = tpu.vector_load %arg7[%parallel_loop3A_328, %parallel_loop3A_329] {strides = array<i32>} : memref<4x10432xi32, #tpu.memory_space<vmem>>, vector<16xi32>,
        tpu.vector_store %arg7[%parallel_loop3A_328, %parallel_loop3A_329], %parallel_loop3A_318 {strides = array<i32>} : memref<4x10432xi32, #tpu.memory_space<vmem>>, vector<16xi32>,
        %parallel_loop3A_331 = arith.constant 2 : i32
        %parallel_loop3A_332 = arith.index_cast %parallel_loop3A_331 : i32 to index
        %parallel_loop3A_333 = arith.index_cast %parallel_loop3A_306 : i32 to index
        %parallel_loop3A_334 = tpu.vector_load %arg7[%parallel_loop3A_332, %parallel_loop3A_333] {strides = array<i32>} : memref<4x10432xi32, #tpu.memory_space<vmem>>, vector<16xi32>,
        tpu.vector_store %arg7[%parallel_loop3A_332, %parallel_loop3A_333], %parallel_loop3A_322 {strides = array<i32>} : memref<4x10432xi32, #tpu.memory_space<vmem>>, vector<16xi32>,
        %parallel_loop3A_335 = arith.constant 3 : i32
        %parallel_loop3A_336 = arith.index_cast %parallel_loop3A_335 : i32 to index
        %parallel_loop3A_337 = arith.index_cast %parallel_loop3A_306 : i32 to index
        %parallel_loop3A_338 = tpu.vector_load %arg7[%parallel_loop3A_336, %parallel_loop3A_337] {strides = array<i32>} : memref<4x10432xi32, #tpu.memory_space<vmem>>, vector<16xi32>,
        tpu.vector_store %arg7[%parallel_loop3A_336, %parallel_loop3A_337], %parallel_loop3A_320 {strides = array<i32>} : memref<4x10432xi32, #tpu.memory_space<vmem>>, vector<16xi32>,
      } {sc.loop_unroll_factor = 16 : i64, sc.parallel_access}
      %add3A_254 = arith.constant 20864 : i32
      %add3A_255 = arith.addi %mul3A_6, %add3A_254 : i32
      %dma_start3A_256 = arith.constant 0 : i32
      %dma_start3A_257 = arith.constant 0 : i32
      %dma_start3A_258 = arith.constant 0 : i32
      %dma_start3A_259 = tpu.memref_slice %arg7[%dma_start3A_256, %dma_start3A_258] : memref<4x10432xi32, #tpu.memory_space<vmem>> -> memref<1x8960xi32, #tpu.memory_space<vmem>>
      %dma_start3A_260 = tpu.memref_squeeze %dma_start3A_259 : memref<1x8960xi32, #tpu.memory_space<vmem>> -> memref<8960xi32, #tpu.memory_space<vmem>>
      %dma_start3A_261 = tpu.memref_slice %arg4[%dma_start3A_257, %add3A_255] : memref<4x1000000xi32, #tpu.memory_space<hbm>> -> memref<1x8960xi32, #tpu.memory_space<hbm>>
      %dma_start3A_262 = tpu.memref_squeeze %dma_start3A_261 : memref<1x8960xi32, #tpu.memory_space<hbm>> -> memref<8960xi32, #tpu.memory_space<hbm>>
      %dma_start3A_263 = tpu.memref_slice %arg4[%dma_start3A_257, %add3A_255] : memref<4x1000000xi32, #tpu.memory_space<hbm>> -> memref<1x8960xi32, #tpu.memory_space<hbm>>
      %dma_start3A_264 = tpu.memref_squeeze %dma_start3A_263 : memref<1x8960xi32, #tpu.memory_space<hbm>> -> memref<8960xi32, #tpu.memory_space<hbm>>
      %dma_start3A_265 = arith.constant 0 : i32
      %dma_start3A_266 = tpu.memref_slice %arg7[%dma_start3A_256, %dma_start3A_265] : memref<4x10432xi32, #tpu.memory_space<vmem>> -> memref<1x8960xi32, #tpu.memory_space<vmem>>
      %dma_start3A_267 = tpu.memref_squeeze %dma_start3A_266 : memref<1x8960xi32, #tpu.memory_space<vmem>> -> memref<8960xi32, #tpu.memory_space<vmem>>
      tpu.enqueue_dma source(%dma_start3A_267 : memref<8960xi32, #tpu.memory_space<vmem>>) target(%dma_start3A_264 : memref<8960xi32, #tpu.memory_space<hbm>>) target_semaphore(%arg9 : memref<!tpu.dma_semaphore, #tpu.memory_space<semaphore_mem>>)
      %dma_start3A_268 = arith.constant 1 : i32
      %dma_start3A_269 = arith.constant 1 : i32
      %dma_start3A_270 = arith.constant 0 : i32
      %dma_start3A_271 = tpu.memref_slice %arg7[%dma_start3A_268, %dma_start3A_270] : memref<4x10432xi32, #tpu.memory_space<vmem>> -> memref<1x8960xi32, #tpu.memory_space<vmem>>
      %dma_start3A_272 = tpu.memref_squeeze %dma_start3A_271 : memref<1x8960xi32, #tpu.memory_space<vmem>> -> memref<8960xi32, #tpu.memory_space<vmem>>
      %dma_start3A_273 = tpu.memref_slice %arg4[%dma_start3A_269, %add3A_255] : memref<4x1000000xi32, #tpu.memory_space<hbm>> -> memref<1x8960xi32, #tpu.memory_space<hbm>>
      %dma_start3A_274 = tpu.memref_squeeze %dma_start3A_273 : memref<1x8960xi32, #tpu.memory_space<hbm>> -> memref<8960xi32, #tpu.memory_space<hbm>>
      %dma_start3A_275 = tpu.memref_slice %arg4[%dma_start3A_269, %add3A_255] : memref<4x1000000xi32, #tpu.memory_space<hbm>> -> memref<1x8960xi32, #tpu.memory_space<hbm>>
      %dma_start3A_276 = tpu.memref_squeeze %dma_start3A_275 : memref<1x8960xi32, #tpu.memory_space<hbm>> -> memref<8960xi32, #tpu.memory_space<hbm>>
      %dma_start3A_277 = arith.constant 0 : i32
      %dma_start3A_278 = tpu.memref_slice %arg7[%dma_start3A_268, %dma_start3A_277] : memref<4x10432xi32, #tpu.memory_space<vmem>> -> memref<1x8960xi32, #tpu.memory_space<vmem>>
      %dma_start3A_279 = tpu.memref_squeeze %dma_start3A_278 : memref<1x8960xi32, #tpu.memory_space<vmem>> -> memref<8960xi32, #tpu.memory_space<vmem>>
      tpu.enqueue_dma source(%dma_start3A_279 : memref<8960xi32, #tpu.memory_space<vmem>>) target(%dma_start3A_276 : memref<8960xi32, #tpu.memory_space<hbm>>) target_semaphore(%arg9 : memref<!tpu.dma_semaphore, #tpu.memory_space<semaphore_mem>>)
      %dma_start3A_280 = arith.constant 2 : i32
      %dma_start3A_281 = arith.constant 2 : i32
      %dma_start3A_282 = arith.constant 0 : i32
      %dma_start3A_283 = tpu.memref_slice %arg7[%dma_start3A_280, %dma_start3A_282] : memref<4x10432xi32, #tpu.memory_space<vmem>> -> memref<1x8960xi32, #tpu.memory_space<vmem>>
      %dma_start3A_284 = tpu.memref_squeeze %dma_start3A_283 : memref<1x8960xi32, #tpu.memory_space<vmem>> -> memref<8960xi32, #tpu.memory_space<vmem>>
      %dma_start3A_285 = tpu.memref_slice %arg4[%dma_start3A_281, %add3A_255] : memref<4x1000000xi32, #tpu.memory_space<hbm>> -> memref<1x8960xi32, #tpu.memory_space<hbm>>
      %dma_start3A_286 = tpu.memref_squeeze %dma_start3A_285 : memref<1x8960xi32, #tpu.memory_space<hbm>> -> memref<8960xi32, #tpu.memory_space<hbm>>
      %dma_start3A_287 = tpu.memref_slice %arg4[%dma_start3A_281, %add3A_255] : memref<4x1000000xi32, #tpu.memory_space<hbm>> -> memref<1x8960xi32, #tpu.memory_space<hbm>>
      %dma_start3A_288 = tpu.memref_squeeze %dma_start3A_287 : memref<1x8960xi32, #tpu.memory_space<hbm>> -> memref<8960xi32, #tpu.memory_space<hbm>>
      %dma_start3A_289 = arith.constant 0 : i32
      %dma_start3A_290 = tpu.memref_slice %arg7[%dma_start3A_280, %dma_start3A_289] : memref<4x10432xi32, #tpu.memory_space<vmem>> -> memref<1x8960xi32, #tpu.memory_space<vmem>>
      %dma_start3A_291 = tpu.memref_squeeze %dma_start3A_290 : memref<1x8960xi32, #tpu.memory_space<vmem>> -> memref<8960xi32, #tpu.memory_space<vmem>>
      tpu.enqueue_dma source(%dma_start3A_291 : memref<8960xi32, #tpu.memory_space<vmem>>) target(%dma_start3A_288 : memref<8960xi32, #tpu.memory_space<hbm>>) target_semaphore(%arg9 : memref<!tpu.dma_semaphore, #tpu.memory_space<semaphore_mem>>)
      %dma_start3A_292 = arith.constant 3 : i32
      %dma_start3A_293 = arith.constant 3 : i32
      %dma_start3A_294 = arith.constant 0 : i32
      %dma_start3A_295 = tpu.memref_slice %arg7[%dma_start3A_292, %dma_start3A_294] : memref<4x10432xi32, #tpu.memory_space<vmem>> -> memref<1x8960xi32, #tpu.memory_space<vmem>>
      %dma_start3A_296 = tpu.memref_squeeze %dma_start3A_295 : memref<1x8960xi32, #tpu.memory_space<vmem>> -> memref<8960xi32, #tpu.memory_space<vmem>>
      %dma_start3A_297 = tpu.memref_slice %arg4[%dma_start3A_293, %add3A_255] : memref<4x1000000xi32, #tpu.memory_space<hbm>> -> memref<1x8960xi32, #tpu.memory_space<hbm>>
      %dma_start3A_298 = tpu.memref_squeeze %dma_start3A_297 : memref<1x8960xi32, #tpu.memory_space<hbm>> -> memref<8960xi32, #tpu.memory_space<hbm>>
      %dma_start3A_299 = tpu.memref_slice %arg4[%dma_start3A_293, %add3A_255] : memref<4x1000000xi32, #tpu.memory_space<hbm>> -> memref<1x8960xi32, #tpu.memory_space<hbm>>
      %dma_start3A_300 = tpu.memref_squeeze %dma_start3A_299 : memref<1x8960xi32, #tpu.memory_space<hbm>> -> memref<8960xi32, #tpu.memory_space<hbm>>
      %dma_start3A_301 = arith.constant 0 : i32
      %dma_start3A_302 = tpu.memref_slice %arg7[%dma_start3A_292, %dma_start3A_301] : memref<4x10432xi32, #tpu.memory_space<vmem>> -> memref<1x8960xi32, #tpu.memory_space<vmem>>
      %dma_start3A_303 = tpu.memref_squeeze %dma_start3A_302 : memref<1x8960xi32, #tpu.memory_space<vmem>> -> memref<8960xi32, #tpu.memory_space<vmem>>
      tpu.enqueue_dma source(%dma_start3A_303 : memref<8960xi32, #tpu.memory_space<vmem>>) target(%dma_start3A_300 : memref<8960xi32, #tpu.memory_space<hbm>>) target_semaphore(%arg9 : memref<!tpu.dma_semaphore, #tpu.memory_space<semaphore_mem>>)
    } else {
    }
    %ne3A_182 = arith.constant 95 : i32
    %ne3A_183 = arith.cmpi ne, %add3A_176, %ne3A_182 : i32
    %convert_element_type3A_184 = arith.extui %ne3A_183 : i1 to i32
    %cond3A_185 = arith.constant 0 : i32
    %cond3A_186 = arith.cmpi ne, %convert_element_type3A_184, %cond3A_185 : i32
    scf.if %cond3A_186 {
      %parallel_loop3A_251 = arith.constant 0 : i32
      %parallel_loop3A_252 = arith.constant 652 : i32
      %parallel_loop3A_253 = arith.constant 1 : i32
      scf.for %parallel_loop3A_304 = %parallel_loop3A_251 to %parallel_loop3A_252 step %parallel_loop3A_253  : i32 {
        %parallel_loop3A_305 = arith.constant 16 : i32
        %parallel_loop3A_306 = arith.muli %parallel_loop3A_304, %parallel_loop3A_305 : i32
        %parallel_loop3A_307 = arith.constant 20872 : i32
        %parallel_loop3A_308 = arith.addi %parallel_loop3A_307, %parallel_loop3A_306 : i32
        %parallel_loop3A_309 = arith.index_cast %parallel_loop3A_308 : i32 to index
        %parallel_loop3A_310 = tpu.vector_load %arg5[%parallel_loop3A_309] {strides = array<i32>} : memref<31304xi32, #tpu.memory_space<vmem>>, vector<16xi32>,
        %parallel_loop3A_311 = arith.constant 20871 : i32
        %parallel_loop3A_312 = arith.addi %parallel_loop3A_311, %parallel_loop3A_306 : i32
        %parallel_loop3A_313 = arith.index_cast %parallel_loop3A_312 : i32 to index
        %parallel_loop3A_314 = tpu.vector_load %arg5[%parallel_loop3A_313] {strides = array<i32>} : memref<31304xi32, #tpu.memory_space<vmem>>, vector<16xi32>,
        %parallel_loop3A_315 = arith.cmpi ne, %parallel_loop3A_310, %parallel_loop3A_314 : vector<16xi32>
        %parallel_loop3A_316 = arith.select %parallel_loop3A_315, %broadcast_in_dim3A_2, %broadcast_in_dim3A_4 : vector<16xi1>, vector<16xi32>
        %parallel_loop3A_317 = arith.cmpi eq, %parallel_loop3A_310, %broadcast_in_dim3A_4 : vector<16xi32>
        %parallel_loop3A_318 = arith.select %parallel_loop3A_317, %broadcast_in_dim3A_2, %broadcast_in_dim3A_4 : vector<16xi1>, vector<16xi32>
        %parallel_loop3A_319 = arith.cmpi eq, %parallel_loop3A_310, %get3A_1 : vector<16xi32>
        %parallel_loop3A_320 = arith.select %parallel_loop3A_319, %broadcast_in_dim3A_2, %broadcast_in_dim3A_4 : vector<16xi1>, vector<16xi32>
        %parallel_loop3A_321 = arith.subi %broadcast_in_dim3A_2, %parallel_loop3A_318 : vector<16xi32>
        %parallel_loop3A_322 = arith.subi %parallel_loop3A_321, %parallel_loop3A_320 : vector<16xi32>
        %parallel_loop3A_323 = arith.constant 0 : i32
        %parallel_loop3A_324 = arith.index_cast %parallel_loop3A_323 : i32 to index
        %parallel_loop3A_325 = arith.index_cast %parallel_loop3A_306 : i32 to index
        %parallel_loop3A_326 = tpu.vector_load %arg7[%parallel_loop3A_324, %parallel_loop3A_325] {strides = array<i32>} : memref<4x10432xi32, #tpu.memory_space<vmem>>, vector<16xi32>,
        tpu.vector_store %arg7[%parallel_loop3A_324, %parallel_loop3A_325], %parallel_loop3A_316 {strides = array<i32>} : memref<4x10432xi32, #tpu.memory_space<vmem>>, vector<16xi32>,
        %parallel_loop3A_327 = arith.constant 1 : i32
        %parallel_loop3A_328 = arith.index_cast %parallel_loop3A_327 : i32 to index
        %parallel_loop3A_329 = arith.index_cast %parallel_loop3A_306 : i32 to index
        %parallel_loop3A_330 = tpu.vector_load %arg7[%parallel_loop3A_328, %parallel_loop3A_329] {strides = array<i32>} : memref<4x10432xi32, #tpu.memory_space<vmem>>, vector<16xi32>,
        tpu.vector_store %arg7[%parallel_loop3A_328, %parallel_loop3A_329], %parallel_loop3A_318 {strides = array<i32>} : memref<4x10432xi32, #tpu.memory_space<vmem>>, vector<16xi32>,
        %parallel_loop3A_331 = arith.constant 2 : i32
        %parallel_loop3A_332 = arith.index_cast %parallel_loop3A_331 : i32 to index
        %parallel_loop3A_333 = arith.index_cast %parallel_loop3A_306 : i32 to index
        %parallel_loop3A_334 = tpu.vector_load %arg7[%parallel_loop3A_332, %parallel_loop3A_333] {strides = array<i32>} : memref<4x10432xi32, #tpu.memory_space<vmem>>, vector<16xi32>,
        tpu.vector_store %arg7[%parallel_loop3A_332, %parallel_loop3A_333], %parallel_loop3A_322 {strides = array<i32>} : memref<4x10432xi32, #tpu.memory_space<vmem>>, vector<16xi32>,
        %parallel_loop3A_335 = arith.constant 3 : i32
        %parallel_loop3A_336 = arith.index_cast %parallel_loop3A_335 : i32 to index
        %parallel_loop3A_337 = arith.index_cast %parallel_loop3A_306 : i32 to index
        %parallel_loop3A_338 = tpu.vector_load %arg7[%parallel_loop3A_336, %parallel_loop3A_337] {strides = array<i32>} : memref<4x10432xi32, #tpu.memory_space<vmem>>, vector<16xi32>,
        tpu.vector_store %arg7[%parallel_loop3A_336, %parallel_loop3A_337], %parallel_loop3A_320 {strides = array<i32>} : memref<4x10432xi32, #tpu.memory_space<vmem>>, vector<16xi32>,
      } {sc.loop_unroll_factor = 16 : i64, sc.parallel_access}
      %add3A_254 = arith.constant 20864 : i32
      %add3A_255 = arith.addi %mul3A_6, %add3A_254 : i32
      %dma_start3A_256 = arith.constant 0 : i32
      %dma_start3A_257 = arith.constant 0 : i32
      %dma_start3A_258 = arith.constant 0 : i32
      %dma_start3A_259 = tpu.memref_slice %arg7[%dma_start3A_256, %dma_start3A_258] : memref<4x10432xi32, #tpu.memory_space<vmem>> -> memref<1x10432xi32, #tpu.memory_space<vmem>>
      %dma_start3A_260 = tpu.memref_squeeze %dma_start3A_259 : memref<1x10432xi32, #tpu.memory_space<vmem>> -> memref<10432xi32, #tpu.memory_space<vmem>>
      %dma_start3A_261 = tpu.memref_slice %arg4[%dma_start3A_257, %add3A_255] : memref<4x1000000xi32, #tpu.memory_space<hbm>> -> memref<1x10432xi32, #tpu.memory_space<hbm>>
      %dma_start3A_262 = tpu.memref_squeeze %dma_start3A_261 : memref<1x10432xi32, #tpu.memory_space<hbm>> -> memref<10432xi32, #tpu.memory_space<hbm>>
      %dma_start3A_263 = tpu.memref_slice %arg4[%dma_start3A_257, %add3A_255] : memref<4x1000000xi32, #tpu.memory_space<hbm>> -> memref<1x10432xi32, #tpu.memory_space<hbm>>
      %dma_start3A_264 = tpu.memref_squeeze %dma_start3A_263 : memref<1x10432xi32, #tpu.memory_space<hbm>> -> memref<10432xi32, #tpu.memory_space<hbm>>
      %dma_start3A_265 = arith.constant 0 : i32
      %dma_start3A_266 = tpu.memref_slice %arg7[%dma_start3A_256, %dma_start3A_265] : memref<4x10432xi32, #tpu.memory_space<vmem>> -> memref<1x10432xi32, #tpu.memory_space<vmem>>
      %dma_start3A_267 = tpu.memref_squeeze %dma_start3A_266 : memref<1x10432xi32, #tpu.memory_space<vmem>> -> memref<10432xi32, #tpu.memory_space<vmem>>
      tpu.enqueue_dma source(%dma_start3A_267 : memref<10432xi32, #tpu.memory_space<vmem>>) target(%dma_start3A_264 : memref<10432xi32, #tpu.memory_space<hbm>>) target_semaphore(%arg9 : memref<!tpu.dma_semaphore, #tpu.memory_space<semaphore_mem>>)
      %dma_start3A_268 = arith.constant 1 : i32
      %dma_start3A_269 = arith.constant 1 : i32
      %dma_start3A_270 = arith.constant 0 : i32
      %dma_start3A_271 = tpu.memref_slice %arg7[%dma_start3A_268, %dma_start3A_270] : memref<4x10432xi32, #tpu.memory_space<vmem>> -> memref<1x10432xi32, #tpu.memory_space<vmem>>
      %dma_start3A_272 = tpu.memref_squeeze %dma_start3A_271 : memref<1x10432xi32, #tpu.memory_space<vmem>> -> memref<10432xi32, #tpu.memory_space<vmem>>
      %dma_start3A_273 = tpu.memref_slice %arg4[%dma_start3A_269, %add3A_255] : memref<4x1000000xi32, #tpu.memory_space<hbm>> -> memref<1x10432xi32, #tpu.memory_space<hbm>>
      %dma_start3A_274 = tpu.memref_squeeze %dma_start3A_273 : memref<1x10432xi32, #tpu.memory_space<hbm>> -> memref<10432xi32, #tpu.memory_space<hbm>>
      %dma_start3A_275 = tpu.memref_slice %arg4[%dma_start3A_269, %add3A_255] : memref<4x1000000xi32, #tpu.memory_space<hbm>> -> memref<1x10432xi32, #tpu.memory_space<hbm>>
      %dma_start3A_276 = tpu.memref_squeeze %dma_start3A_275 : memref<1x10432xi32, #tpu.memory_space<hbm>> -> memref<10432xi32, #tpu.memory_space<hbm>>
      %dma_start3A_277 = arith.constant 0 : i32
      %dma_start3A_278 = tpu.memref_slice %arg7[%dma_start3A_268, %dma_start3A_277] : memref<4x10432xi32, #tpu.memory_space<vmem>> -> memref<1x10432xi32, #tpu.memory_space<vmem>>
      %dma_start3A_279 = tpu.memref_squeeze %dma_start3A_278 : memref<1x10432xi32, #tpu.memory_space<vmem>> -> memref<10432xi32, #tpu.memory_space<vmem>>
      tpu.enqueue_dma source(%dma_start3A_279 : memref<10432xi32, #tpu.memory_space<vmem>>) target(%dma_start3A_276 : memref<10432xi32, #tpu.memory_space<hbm>>) target_semaphore(%arg9 : memref<!tpu.dma_semaphore, #tpu.memory_space<semaphore_mem>>)
      %dma_start3A_280 = arith.constant 2 : i32
      %dma_start3A_281 = arith.constant 2 : i32
      %dma_start3A_282 = arith.constant 0 : i32
      %dma_start3A_283 = tpu.memref_slice %arg7[%dma_start3A_280, %dma_start3A_282] : memref<4x10432xi32, #tpu.memory_space<vmem>> -> memref<1x10432xi32, #tpu.memory_space<vmem>>
      %dma_start3A_284 = tpu.memref_squeeze %dma_start3A_283 : memref<1x10432xi32, #tpu.memory_space<vmem>> -> memref<10432xi32, #tpu.memory_space<vmem>>
      %dma_start3A_285 = tpu.memref_slice %arg4[%dma_start3A_281, %add3A_255] : memref<4x1000000xi32, #tpu.memory_space<hbm>> -> memref<1x10432xi32, #tpu.memory_space<hbm>>
      %dma_start3A_286 = tpu.memref_squeeze %dma_start3A_285 : memref<1x10432xi32, #tpu.memory_space<hbm>> -> memref<10432xi32, #tpu.memory_space<hbm>>
      %dma_start3A_287 = tpu.memref_slice %arg4[%dma_start3A_281, %add3A_255] : memref<4x1000000xi32, #tpu.memory_space<hbm>> -> memref<1x10432xi32, #tpu.memory_space<hbm>>
      %dma_start3A_288 = tpu.memref_squeeze %dma_start3A_287 : memref<1x10432xi32, #tpu.memory_space<hbm>> -> memref<10432xi32, #tpu.memory_space<hbm>>
      %dma_start3A_289 = arith.constant 0 : i32
      %dma_start3A_290 = tpu.memref_slice %arg7[%dma_start3A_280, %dma_start3A_289] : memref<4x10432xi32, #tpu.memory_space<vmem>> -> memref<1x10432xi32, #tpu.memory_space<vmem>>
      %dma_start3A_291 = tpu.memref_squeeze %dma_start3A_290 : memref<1x10432xi32, #tpu.memory_space<vmem>> -> memref<10432xi32, #tpu.memory_space<vmem>>
      tpu.enqueue_dma source(%dma_start3A_291 : memref<10432xi32, #tpu.memory_space<vmem>>) target(%dma_start3A_288 : memref<10432xi32, #tpu.memory_space<hbm>>) target_semaphore(%arg9 : memref<!tpu.dma_semaphore, #tpu.memory_space<semaphore_mem>>)
      %dma_start3A_292 = arith.constant 3 : i32
      %dma_start3A_293 = arith.constant 3 : i32
      %dma_start3A_294 = arith.constant 0 : i32
      %dma_start3A_295 = tpu.memref_slice %arg7[%dma_start3A_292, %dma_start3A_294] : memref<4x10432xi32, #tpu.memory_space<vmem>> -> memref<1x10432xi32, #tpu.memory_space<vmem>>
      %dma_start3A_296 = tpu.memref_squeeze %dma_start3A_295 : memref<1x10432xi32, #tpu.memory_space<vmem>> -> memref<10432xi32, #tpu.memory_space<vmem>>
      %dma_start3A_297 = tpu.memref_slice %arg4[%dma_start3A_293, %add3A_255] : memref<4x1000000xi32, #tpu.memory_space<hbm>> -> memref<1x10432xi32, #tpu.memory_space<hbm>>
      %dma_start3A_298 = tpu.memref_squeeze %dma_start3A_297 : memref<1x10432xi32, #tpu.memory_space<hbm>> -> memref<10432xi32, #tpu.memory_space<hbm>>
      %dma_start3A_299 = tpu.memref_slice %arg4[%dma_start3A_293, %add3A_255] : memref<4x1000000xi32, #tpu.memory_space<hbm>> -> memref<1x10432xi32, #tpu.memory_space<hbm>>
      %dma_start3A_300 = tpu.memref_squeeze %dma_start3A_299 : memref<1x10432xi32, #tpu.memory_space<hbm>> -> memref<10432xi32, #tpu.memory_space<hbm>>
      %dma_start3A_301 = arith.constant 0 : i32
      %dma_start3A_302 = tpu.memref_slice %arg7[%dma_start3A_292, %dma_start3A_301] : memref<4x10432xi32, #tpu.memory_space<vmem>> -> memref<1x10432xi32, #tpu.memory_space<vmem>>
      %dma_start3A_303 = tpu.memref_squeeze %dma_start3A_302 : memref<1x10432xi32, #tpu.memory_space<vmem>> -> memref<10432xi32, #tpu.memory_space<vmem>>
      tpu.enqueue_dma source(%dma_start3A_303 : memref<10432xi32, #tpu.memory_space<vmem>>) target(%dma_start3A_300 : memref<10432xi32, #tpu.memory_space<hbm>>) target_semaphore(%arg9 : memref<!tpu.dma_semaphore, #tpu.memory_space<semaphore_mem>>)
    } else {
    }
    %add3A_187 = arith.constant 10432 : i32
    %add3A_188 = arith.addi %mul3A_6, %add3A_187 : i32
    %dma_wait3A_189 = arith.constant 0 : i32
    %dma_wait3A_190 = arith.constant 0 : i32
    %dma_wait3A_191 = arith.constant 0 : i32
    %dma_wait3A_192 = tpu.memref_slice %arg8[%dma_wait3A_189, %dma_wait3A_191] : memref<4x10432xi32, #tpu.memory_space<vmem>> -> memref<1x10432xi32, #tpu.memory_space<vmem>>
    %dma_wait3A_193 = tpu.memref_squeeze %dma_wait3A_192 : memref<1x10432xi32, #tpu.memory_space<vmem>> -> memref<10432xi32, #tpu.memory_space<vmem>>
    %dma_wait3A_194 = tpu.memref_slice %arg4[%dma_wait3A_190, %add3A_188] : memref<4x1000000xi32, #tpu.memory_space<hbm>> -> memref<1x10432xi32, #tpu.memory_space<hbm>>
    %dma_wait3A_195 = tpu.memref_squeeze %dma_wait3A_194 : memref<1x10432xi32, #tpu.memory_space<hbm>> -> memref<10432xi32, #tpu.memory_space<hbm>>
    %dma_wait3A_196 = tpu.memref_slice %arg4[%dma_wait3A_190, %add3A_188] : memref<4x1000000xi32, #tpu.memory_space<hbm>> -> memref<1x10432xi32, #tpu.memory_space<hbm>>
    %dma_wait3A_197 = tpu.memref_squeeze %dma_wait3A_196 : memref<1x10432xi32, #tpu.memory_space<hbm>> -> memref<10432xi32, #tpu.memory_space<hbm>>
    %dma_wait3A_198 = arith.constant 0 : i32
    %dma_wait3A_199 = tpu.memref_slice %arg8[%dma_wait3A_189, %dma_wait3A_198] : memref<4x10432xi32, #tpu.memory_space<vmem>> -> memref<1x10432xi32, #tpu.memory_space<vmem>>
    %dma_wait3A_200 = tpu.memref_squeeze %dma_wait3A_199 : memref<1x10432xi32, #tpu.memory_space<vmem>> -> memref<10432xi32, #tpu.memory_space<vmem>>
    tpu.wait_dma2 semaphore(%arg10 : memref<!tpu.dma_semaphore, #tpu.memory_space<semaphore_mem>>) src(%dma_wait3A_200 : memref<10432xi32, #tpu.memory_space<vmem>>) dst(%dma_wait3A_197 : memref<10432xi32, #tpu.memory_space<hbm>>)
    %dma_wait3A_201 = arith.constant 1 : i32
    %dma_wait3A_202 = arith.constant 1 : i32
    %dma_wait3A_203 = arith.constant 0 : i32
    %dma_wait3A_204 = tpu.memref_slice %arg8[%dma_wait3A_201, %dma_wait3A_203] : memref<4x10432xi32, #tpu.memory_space<vmem>> -> memref<1x10432xi32, #tpu.memory_space<vmem>>
    %dma_wait3A_205 = tpu.memref_squeeze %dma_wait3A_204 : memref<1x10432xi32, #tpu.memory_space<vmem>> -> memref<10432xi32, #tpu.memory_space<vmem>>
    %dma_wait3A_206 = tpu.memref_slice %arg4[%dma_wait3A_202, %add3A_188] : memref<4x1000000xi32, #tpu.memory_space<hbm>> -> memref<1x10432xi32, #tpu.memory_space<hbm>>
    %dma_wait3A_207 = tpu.memref_squeeze %dma_wait3A_206 : memref<1x10432xi32, #tpu.memory_space<hbm>> -> memref<10432xi32, #tpu.memory_space<hbm>>
    %dma_wait3A_208 = tpu.memref_slice %arg4[%dma_wait3A_202, %add3A_188] : memref<4x1000000xi32, #tpu.memory_space<hbm>> -> memref<1x10432xi32, #tpu.memory_space<hbm>>
    %dma_wait3A_209 = tpu.memref_squeeze %dma_wait3A_208 : memref<1x10432xi32, #tpu.memory_space<hbm>> -> memref<10432xi32, #tpu.memory_space<hbm>>
    %dma_wait3A_210 = arith.constant 0 : i32
    %dma_wait3A_211 = tpu.memref_slice %arg8[%dma_wait3A_201, %dma_wait3A_210] : memref<4x10432xi32, #tpu.memory_space<vmem>> -> memref<1x10432xi32, #tpu.memory_space<vmem>>
    %dma_wait3A_212 = tpu.memref_squeeze %dma_wait3A_211 : memref<1x10432xi32, #tpu.memory_space<vmem>> -> memref<10432xi32, #tpu.memory_space<vmem>>
    tpu.wait_dma2 semaphore(%arg10 : memref<!tpu.dma_semaphore, #tpu.memory_space<semaphore_mem>>) src(%dma_wait3A_212 : memref<10432xi32, #tpu.memory_space<vmem>>) dst(%dma_wait3A_209 : memref<10432xi32, #tpu.memory_space<hbm>>)
    %dma_wait3A_213 = arith.constant 2 : i32
    %dma_wait3A_214 = arith.constant 2 : i32
    %dma_wait3A_215 = arith.constant 0 : i32
    %dma_wait3A_216 = tpu.memref_slice %arg8[%dma_wait3A_213, %dma_wait3A_215] : memref<4x10432xi32, #tpu.memory_space<vmem>> -> memref<1x10432xi32, #tpu.memory_space<vmem>>
    %dma_wait3A_217 = tpu.memref_squeeze %dma_wait3A_216 : memref<1x10432xi32, #tpu.memory_space<vmem>> -> memref<10432xi32, #tpu.memory_space<vmem>>
    %dma_wait3A_218 = tpu.memref_slice %arg4[%dma_wait3A_214, %add3A_188] : memref<4x1000000xi32, #tpu.memory_space<hbm>> -> memref<1x10432xi32, #tpu.memory_space<hbm>>
    %dma_wait3A_219 = tpu.memref_squeeze %dma_wait3A_218 : memref<1x10432xi32, #tpu.memory_space<hbm>> -> memref<10432xi32, #tpu.memory_space<hbm>>
    %dma_wait3A_220 = tpu.memref_slice %arg4[%dma_wait3A_214, %add3A_188] : memref<4x1000000xi32, #tpu.memory_space<hbm>> -> memref<1x10432xi32, #tpu.memory_space<hbm>>
    %dma_wait3A_221 = tpu.memref_squeeze %dma_wait3A_220 : memref<1x10432xi32, #tpu.memory_space<hbm>> -> memref<10432xi32, #tpu.memory_space<hbm>>
    %dma_wait3A_222 = arith.constant 0 : i32
    %dma_wait3A_223 = tpu.memref_slice %arg8[%dma_wait3A_213, %dma_wait3A_222] : memref<4x10432xi32, #tpu.memory_space<vmem>> -> memref<1x10432xi32, #tpu.memory_space<vmem>>
    %dma_wait3A_224 = tpu.memref_squeeze %dma_wait3A_223 : memref<1x10432xi32, #tpu.memory_space<vmem>> -> memref<10432xi32, #tpu.memory_space<vmem>>
    tpu.wait_dma2 semaphore(%arg10 : memref<!tpu.dma_semaphore, #tpu.memory_space<semaphore_mem>>) src(%dma_wait3A_224 : memref<10432xi32, #tpu.memory_space<vmem>>) dst(%dma_wait3A_221 : memref<10432xi32, #tpu.memory_space<hbm>>)
    %dma_wait3A_225 = arith.constant 3 : i32
    %dma_wait3A_226 = arith.constant 3 : i32
    %dma_wait3A_227 = arith.constant 0 : i32
    %dma_wait3A_228 = tpu.memref_slice %arg8[%dma_wait3A_225, %dma_wait3A_227] : memref<4x10432xi32, #tpu.memory_space<vmem>> -> memref<1x10432xi32, #tpu.memory_space<vmem>>
    %dma_wait3A_229 = tpu.memref_squeeze %dma_wait3A_228 : memref<1x10432xi32, #tpu.memory_space<vmem>> -> memref<10432xi32, #tpu.memory_space<vmem>>
    %dma_wait3A_230 = tpu.memref_slice %arg4[%dma_wait3A_226, %add3A_188] : memref<4x1000000xi32, #tpu.memory_space<hbm>> -> memref<1x10432xi32, #tpu.memory_space<hbm>>
    %dma_wait3A_231 = tpu.memref_squeeze %dma_wait3A_230 : memref<1x10432xi32, #tpu.memory_space<hbm>> -> memref<10432xi32, #tpu.memory_space<hbm>>
    %dma_wait3A_232 = tpu.memref_slice %arg4[%dma_wait3A_226, %add3A_188] : memref<4x1000000xi32, #tpu.memory_space<hbm>> -> memref<1x10432xi32, #tpu.memory_space<hbm>>
    %dma_wait3A_233 = tpu.memref_squeeze %dma_wait3A_232 : memref<1x10432xi32, #tpu.memory_space<hbm>> -> memref<10432xi32, #tpu.memory_space<hbm>>
    %dma_wait3A_234 = arith.constant 0 : i32
    %dma_wait3A_235 = tpu.memref_slice %arg8[%dma_wait3A_225, %dma_wait3A_234] : memref<4x10432xi32, #tpu.memory_space<vmem>> -> memref<1x10432xi32, #tpu.memory_space<vmem>>
    %dma_wait3A_236 = tpu.memref_squeeze %dma_wait3A_235 : memref<1x10432xi32, #tpu.memory_space<vmem>> -> memref<10432xi32, #tpu.memory_space<vmem>>
    tpu.wait_dma2 semaphore(%arg10 : memref<!tpu.dma_semaphore, #tpu.memory_space<semaphore_mem>>) src(%dma_wait3A_236 : memref<10432xi32, #tpu.memory_space<vmem>>) dst(%dma_wait3A_233 : memref<10432xi32, #tpu.memory_space<hbm>>)
    %mul3A_237 = arith.constant 3 : i32
    %mul3A_238 = arith.muli %add3A, %mul3A_237 : i32
    %add3A_239 = arith.constant 2 : i32
    %add3A_240 = arith.addi %mul3A_238, %add3A_239 : i32
    %eq3A_241 = arith.constant 95 : i32
    %eq3A_242 = arith.cmpi eq, %add3A_240, %eq3A_241 : i32
    %convert_element_type3A_243 = arith.extui %eq3A_242 : i1 to i32
    %cond3A_244 = arith.constant 0 : i32
    %cond3A_245 = arith.cmpi ne, %convert_element_type3A_243, %cond3A_244 : i32
    scf.if %cond3A_245 {
      %add3A_251 = arith.constant 20864 : i32
      %add3A_252 = arith.addi %mul3A_6, %add3A_251 : i32
      %dma_wait3A_253 = arith.constant 0 : i32
      %dma_wait3A_254 = arith.constant 0 : i32
      %dma_wait3A_255 = arith.constant 0 : i32
      %dma_wait3A_256 = tpu.memref_slice %arg7[%dma_wait3A_253, %dma_wait3A_255] : memref<4x10432xi32, #tpu.memory_space<vmem>> -> memref<1x8960xi32, #tpu.memory_space<vmem>>
      %dma_wait3A_257 = tpu.memref_squeeze %dma_wait3A_256 : memref<1x8960xi32, #tpu.memory_space<vmem>> -> memref<8960xi32, #tpu.memory_space<vmem>>
      %dma_wait3A_258 = tpu.memref_slice %arg4[%dma_wait3A_254, %add3A_252] : memref<4x1000000xi32, #tpu.memory_space<hbm>> -> memref<1x8960xi32, #tpu.memory_space<hbm>>
      %dma_wait3A_259 = tpu.memref_squeeze %dma_wait3A_258 : memref<1x8960xi32, #tpu.memory_space<hbm>> -> memref<8960xi32, #tpu.memory_space<hbm>>
      %dma_wait3A_260 = tpu.memref_slice %arg4[%dma_wait3A_254, %add3A_252] : memref<4x1000000xi32, #tpu.memory_space<hbm>> -> memref<1x8960xi32, #tpu.memory_space<hbm>>
      %dma_wait3A_261 = tpu.memref_squeeze %dma_wait3A_260 : memref<1x8960xi32, #tpu.memory_space<hbm>> -> memref<8960xi32, #tpu.memory_space<hbm>>
      %dma_wait3A_262 = arith.constant 0 : i32
      %dma_wait3A_263 = tpu.memref_slice %arg7[%dma_wait3A_253, %dma_wait3A_262] : memref<4x10432xi32, #tpu.memory_space<vmem>> -> memref<1x8960xi32, #tpu.memory_space<vmem>>
      %dma_wait3A_264 = tpu.memref_squeeze %dma_wait3A_263 : memref<1x8960xi32, #tpu.memory_space<vmem>> -> memref<8960xi32, #tpu.memory_space<vmem>>
      tpu.wait_dma2 semaphore(%arg9 : memref<!tpu.dma_semaphore, #tpu.memory_space<semaphore_mem>>) src(%dma_wait3A_264 : memref<8960xi32, #tpu.memory_space<vmem>>) dst(%dma_wait3A_261 : memref<8960xi32, #tpu.memory_space<hbm>>)
      %dma_wait3A_265 = arith.constant 1 : i32
      %dma_wait3A_266 = arith.constant 1 : i32
      %dma_wait3A_267 = arith.constant 0 : i32
      %dma_wait3A_268 = tpu.memref_slice %arg7[%dma_wait3A_265, %dma_wait3A_267] : memref<4x10432xi32, #tpu.memory_space<vmem>> -> memref<1x8960xi32, #tpu.memory_space<vmem>>
      %dma_wait3A_269 = tpu.memref_squeeze %dma_wait3A_268 : memref<1x8960xi32, #tpu.memory_space<vmem>> -> memref<8960xi32, #tpu.memory_space<vmem>>
      %dma_wait3A_270 = tpu.memref_slice %arg4[%dma_wait3A_266, %add3A_252] : memref<4x1000000xi32, #tpu.memory_space<hbm>> -> memref<1x8960xi32, #tpu.memory_space<hbm>>
      %dma_wait3A_271 = tpu.memref_squeeze %dma_wait3A_270 : memref<1x8960xi32, #tpu.memory_space<hbm>> -> memref<8960xi32, #tpu.memory_space<hbm>>
      %dma_wait3A_272 = tpu.memref_slice %arg4[%dma_wait3A_266, %add3A_252] : memref<4x1000000xi32, #tpu.memory_space<hbm>> -> memref<1x8960xi32, #tpu.memory_space<hbm>>
      %dma_wait3A_273 = tpu.memref_squeeze %dma_wait3A_272 : memref<1x8960xi32, #tpu.memory_space<hbm>> -> memref<8960xi32, #tpu.memory_space<hbm>>
      %dma_wait3A_274 = arith.constant 0 : i32
      %dma_wait3A_275 = tpu.memref_slice %arg7[%dma_wait3A_265, %dma_wait3A_274] : memref<4x10432xi32, #tpu.memory_space<vmem>> -> memref<1x8960xi32, #tpu.memory_space<vmem>>
      %dma_wait3A_276 = tpu.memref_squeeze %dma_wait3A_275 : memref<1x8960xi32, #tpu.memory_space<vmem>> -> memref<8960xi32, #tpu.memory_space<vmem>>
      tpu.wait_dma2 semaphore(%arg9 : memref<!tpu.dma_semaphore, #tpu.memory_space<semaphore_mem>>) src(%dma_wait3A_276 : memref<8960xi32, #tpu.memory_space<vmem>>) dst(%dma_wait3A_273 : memref<8960xi32, #tpu.memory_space<hbm>>)
      %dma_wait3A_277 = arith.constant 2 : i32
      %dma_wait3A_278 = arith.constant 2 : i32
      %dma_wait3A_279 = arith.constant 0 : i32
      %dma_wait3A_280 = tpu.memref_slice %arg7[%dma_wait3A_277, %dma_wait3A_279] : memref<4x10432xi32, #tpu.memory_space<vmem>> -> memref<1x8960xi32, #tpu.memory_space<vmem>>
      %dma_wait3A_281 = tpu.memref_squeeze %dma_wait3A_280 : memref<1x8960xi32, #tpu.memory_space<vmem>> -> memref<8960xi32, #tpu.memory_space<vmem>>
      %dma_wait3A_282 = tpu.memref_slice %arg4[%dma_wait3A_278, %add3A_252] : memref<4x1000000xi32, #tpu.memory_space<hbm>> -> memref<1x8960xi32, #tpu.memory_space<hbm>>
      %dma_wait3A_283 = tpu.memref_squeeze %dma_wait3A_282 : memref<1x8960xi32, #tpu.memory_space<hbm>> -> memref<8960xi32, #tpu.memory_space<hbm>>
      %dma_wait3A_284 = tpu.memref_slice %arg4[%dma_wait3A_278, %add3A_252] : memref<4x1000000xi32, #tpu.memory_space<hbm>> -> memref<1x8960xi32, #tpu.memory_space<hbm>>
      %dma_wait3A_285 = tpu.memref_squeeze %dma_wait3A_284 : memref<1x8960xi32, #tpu.memory_space<hbm>> -> memref<8960xi32, #tpu.memory_space<hbm>>
      %dma_wait3A_286 = arith.constant 0 : i32
      %dma_wait3A_287 = tpu.memref_slice %arg7[%dma_wait3A_277, %dma_wait3A_286] : memref<4x10432xi32, #tpu.memory_space<vmem>> -> memref<1x8960xi32, #tpu.memory_space<vmem>>
      %dma_wait3A_288 = tpu.memref_squeeze %dma_wait3A_287 : memref<1x8960xi32, #tpu.memory_space<vmem>> -> memref<8960xi32, #tpu.memory_space<vmem>>
      tpu.wait_dma2 semaphore(%arg9 : memref<!tpu.dma_semaphore, #tpu.memory_space<semaphore_mem>>) src(%dma_wait3A_288 : memref<8960xi32, #tpu.memory_space<vmem>>) dst(%dma_wait3A_285 : memref<8960xi32, #tpu.memory_space<hbm>>)
      %dma_wait3A_289 = arith.constant 3 : i32
      %dma_wait3A_290 = arith.constant 3 : i32
      %dma_wait3A_291 = arith.constant 0 : i32
      %dma_wait3A_292 = tpu.memref_slice %arg7[%dma_wait3A_289, %dma_wait3A_291] : memref<4x10432xi32, #tpu.memory_space<vmem>> -> memref<1x8960xi32, #tpu.memory_space<vmem>>
      %dma_wait3A_293 = tpu.memref_squeeze %dma_wait3A_292 : memref<1x8960xi32, #tpu.memory_space<vmem>> -> memref<8960xi32, #tpu.memory_space<vmem>>
      %dma_wait3A_294 = tpu.memref_slice %arg4[%dma_wait3A_290, %add3A_252] : memref<4x1000000xi32, #tpu.memory_space<hbm>> -> memref<1x8960xi32, #tpu.memory_space<hbm>>
      %dma_wait3A_295 = tpu.memref_squeeze %dma_wait3A_294 : memref<1x8960xi32, #tpu.memory_space<hbm>> -> memref<8960xi32, #tpu.memory_space<hbm>>
      %dma_wait3A_296 = tpu.memref_slice %arg4[%dma_wait3A_290, %add3A_252] : memref<4x1000000xi32, #tpu.memory_space<hbm>> -> memref<1x8960xi32, #tpu.memory_space<hbm>>
      %dma_wait3A_297 = tpu.memref_squeeze %dma_wait3A_296 : memref<1x8960xi32, #tpu.memory_space<hbm>> -> memref<8960xi32, #tpu.memory_space<hbm>>
      %dma_wait3A_298 = arith.constant 0 : i32
      %dma_wait3A_299 = tpu.memref_slice %arg7[%dma_wait3A_289, %dma_wait3A_298] : memref<4x10432xi32, #tpu.memory_space<vmem>> -> memref<1x8960xi32, #tpu.memory_space<vmem>>
      %dma_wait3A_300 = tpu.memref_squeeze %dma_wait3A_299 : memref<1x8960xi32, #tpu.memory_space<vmem>> -> memref<8960xi32, #tpu.memory_space<vmem>>
      tpu.wait_dma2 semaphore(%arg9 : memref<!tpu.dma_semaphore, #tpu.memory_space<semaphore_mem>>) src(%dma_wait3A_300 : memref<8960xi32, #tpu.memory_space<vmem>>) dst(%dma_wait3A_297 : memref<8960xi32, #tpu.memory_space<hbm>>)
    } else {
    }
    %ne3A_246 = arith.constant 95 : i32
    %ne3A_247 = arith.cmpi ne, %add3A_240, %ne3A_246 : i32
    %convert_element_type3A_248 = arith.extui %ne3A_247 : i1 to i32
    %cond3A_249 = arith.constant 0 : i32
    %cond3A_250 = arith.cmpi ne, %convert_element_type3A_248, %cond3A_249 : i32
    scf.if %cond3A_250 {
      %add3A_251 = arith.constant 20864 : i32
      %add3A_252 = arith.addi %mul3A_6, %add3A_251 : i32
      %dma_wait3A_253 = arith.constant 0 : i32
      %dma_wait3A_254 = arith.constant 0 : i32
      %dma_wait3A_255 = arith.constant 0 : i32
      %dma_wait3A_256 = tpu.memref_slice %arg7[%dma_wait3A_253, %dma_wait3A_255] : memref<4x10432xi32, #tpu.memory_space<vmem>> -> memref<1x10432xi32, #tpu.memory_space<vmem>>
      %dma_wait3A_257 = tpu.memref_squeeze %dma_wait3A_256 : memref<1x10432xi32, #tpu.memory_space<vmem>> -> memref<10432xi32, #tpu.memory_space<vmem>>
      %dma_wait3A_258 = tpu.memref_slice %arg4[%dma_wait3A_254, %add3A_252] : memref<4x1000000xi32, #tpu.memory_space<hbm>> -> memref<1x10432xi32, #tpu.memory_space<hbm>>
      %dma_wait3A_259 = tpu.memref_squeeze %dma_wait3A_258 : memref<1x10432xi32, #tpu.memory_space<hbm>> -> memref<10432xi32, #tpu.memory_space<hbm>>
      %dma_wait3A_260 = tpu.memref_slice %arg4[%dma_wait3A_254, %add3A_252] : memref<4x1000000xi32, #tpu.memory_space<hbm>> -> memref<1x10432xi32, #tpu.memory_space<hbm>>
      %dma_wait3A_261 = tpu.memref_squeeze %dma_wait3A_260 : memref<1x10432xi32, #tpu.memory_space<hbm>> -> memref<10432xi32, #tpu.memory_space<hbm>>
      %dma_wait3A_262 = arith.constant 0 : i32
      %dma_wait3A_263 = tpu.memref_slice %arg7[%dma_wait3A_253, %dma_wait3A_262] : memref<4x10432xi32, #tpu.memory_space<vmem>> -> memref<1x10432xi32, #tpu.memory_space<vmem>>
      %dma_wait3A_264 = tpu.memref_squeeze %dma_wait3A_263 : memref<1x10432xi32, #tpu.memory_space<vmem>> -> memref<10432xi32, #tpu.memory_space<vmem>>
      tpu.wait_dma2 semaphore(%arg9 : memref<!tpu.dma_semaphore, #tpu.memory_space<semaphore_mem>>) src(%dma_wait3A_264 : memref<10432xi32, #tpu.memory_space<vmem>>) dst(%dma_wait3A_261 : memref<10432xi32, #tpu.memory_space<hbm>>)
      %dma_wait3A_265 = arith.constant 1 : i32
      %dma_wait3A_266 = arith.constant 1 : i32
      %dma_wait3A_267 = arith.constant 0 : i32
      %dma_wait3A_268 = tpu.memref_slice %arg7[%dma_wait3A_265, %dma_wait3A_267] : memref<4x10432xi32, #tpu.memory_space<vmem>> -> memref<1x10432xi32, #tpu.memory_space<vmem>>
      %dma_wait3A_269 = tpu.memref_squeeze %dma_wait3A_268 : memref<1x10432xi32, #tpu.memory_space<vmem>> -> memref<10432xi32, #tpu.memory_space<vmem>>
      %dma_wait3A_270 = tpu.memref_slice %arg4[%dma_wait3A_266, %add3A_252] : memref<4x1000000xi32, #tpu.memory_space<hbm>> -> memref<1x10432xi32, #tpu.memory_space<hbm>>
      %dma_wait3A_271 = tpu.memref_squeeze %dma_wait3A_270 : memref<1x10432xi32, #tpu.memory_space<hbm>> -> memref<10432xi32, #tpu.memory_space<hbm>>
      %dma_wait3A_272 = tpu.memref_slice %arg4[%dma_wait3A_266, %add3A_252] : memref<4x1000000xi32, #tpu.memory_space<hbm>> -> memref<1x10432xi32, #tpu.memory_space<hbm>>
      %dma_wait3A_273 = tpu.memref_squeeze %dma_wait3A_272 : memref<1x10432xi32, #tpu.memory_space<hbm>> -> memref<10432xi32, #tpu.memory_space<hbm>>
      %dma_wait3A_274 = arith.constant 0 : i32
      %dma_wait3A_275 = tpu.memref_slice %arg7[%dma_wait3A_265, %dma_wait3A_274] : memref<4x10432xi32, #tpu.memory_space<vmem>> -> memref<1x10432xi32, #tpu.memory_space<vmem>>
      %dma_wait3A_276 = tpu.memref_squeeze %dma_wait3A_275 : memref<1x10432xi32, #tpu.memory_space<vmem>> -> memref<10432xi32, #tpu.memory_space<vmem>>
      tpu.wait_dma2 semaphore(%arg9 : memref<!tpu.dma_semaphore, #tpu.memory_space<semaphore_mem>>) src(%dma_wait3A_276 : memref<10432xi32, #tpu.memory_space<vmem>>) dst(%dma_wait3A_273 : memref<10432xi32, #tpu.memory_space<hbm>>)
      %dma_wait3A_277 = arith.constant 2 : i32
      %dma_wait3A_278 = arith.constant 2 : i32
      %dma_wait3A_279 = arith.constant 0 : i32
      %dma_wait3A_280 = tpu.memref_slice %arg7[%dma_wait3A_277, %dma_wait3A_279] : memref<4x10432xi32, #tpu.memory_space<vmem>> -> memref<1x10432xi32, #tpu.memory_space<vmem>>
      %dma_wait3A_281 = tpu.memref_squeeze %dma_wait3A_280 : memref<1x10432xi32, #tpu.memory_space<vmem>> -> memref<10432xi32, #tpu.memory_space<vmem>>
      %dma_wait3A_282 = tpu.memref_slice %arg4[%dma_wait3A_278, %add3A_252] : memref<4x1000000xi32, #tpu.memory_space<hbm>> -> memref<1x10432xi32, #tpu.memory_space<hbm>>
      %dma_wait3A_283 = tpu.memref_squeeze %dma_wait3A_282 : memref<1x10432xi32, #tpu.memory_space<hbm>> -> memref<10432xi32, #tpu.memory_space<hbm>>
      %dma_wait3A_284 = tpu.memref_slice %arg4[%dma_wait3A_278, %add3A_252] : memref<4x1000000xi32, #tpu.memory_space<hbm>> -> memref<1x10432xi32, #tpu.memory_space<hbm>>
      %dma_wait3A_285 = tpu.memref_squeeze %dma_wait3A_284 : memref<1x10432xi32, #tpu.memory_space<hbm>> -> memref<10432xi32, #tpu.memory_space<hbm>>
      %dma_wait3A_286 = arith.constant 0 : i32
      %dma_wait3A_287 = tpu.memref_slice %arg7[%dma_wait3A_277, %dma_wait3A_286] : memref<4x10432xi32, #tpu.memory_space<vmem>> -> memref<1x10432xi32, #tpu.memory_space<vmem>>
      %dma_wait3A_288 = tpu.memref_squeeze %dma_wait3A_287 : memref<1x10432xi32, #tpu.memory_space<vmem>> -> memref<10432xi32, #tpu.memory_space<vmem>>
      tpu.wait_dma2 semaphore(%arg9 : memref<!tpu.dma_semaphore, #tpu.memory_space<semaphore_mem>>) src(%dma_wait3A_288 : memref<10432xi32, #tpu.memory_space<vmem>>) dst(%dma_wait3A_285 : memref<10432xi32, #tpu.memory_space<hbm>>)
      %dma_wait3A_289 = arith.constant 3 : i32
      %dma_wait3A_290 = arith.constant 3 : i32
      %dma_wait3A_291 = arith.constant 0 : i32
      %dma_wait3A_292 = tpu.memref_slice %arg7[%dma_wait3A_289, %dma_wait3A_291] : memref<4x10432xi32, #tpu.memory_space<vmem>> -> memref<1x10432xi32, #tpu.memory_space<vmem>>
      %dma_wait3A_293 = tpu.memref_squeeze %dma_wait3A_292 : memref<1x10432xi32, #tpu.memory_space<vmem>> -> memref<10432xi32, #tpu.memory_space<vmem>>
      %dma_wait3A_294 = tpu.memref_slice %arg4[%dma_wait3A_290, %add3A_252] : memref<4x1000000xi32, #tpu.memory_space<hbm>> -> memref<1x10432xi32, #tpu.memory_space<hbm>>
      %dma_wait3A_295 = tpu.memref_squeeze %dma_wait3A_294 : memref<1x10432xi32, #tpu.memory_space<hbm>> -> memref<10432xi32, #tpu.memory_space<hbm>>
      %dma_wait3A_296 = tpu.memref_slice %arg4[%dma_wait3A_290, %add3A_252] : memref<4x1000000xi32, #tpu.memory_space<hbm>> -> memref<1x10432xi32, #tpu.memory_space<hbm>>
      %dma_wait3A_297 = tpu.memref_squeeze %dma_wait3A_296 : memref<1x10432xi32, #tpu.memory_space<hbm>> -> memref<10432xi32, #tpu.memory_space<hbm>>
      %dma_wait3A_298 = arith.constant 0 : i32
      %dma_wait3A_299 = tpu.memref_slice %arg7[%dma_wait3A_289, %dma_wait3A_298] : memref<4x10432xi32, #tpu.memory_space<vmem>> -> memref<1x10432xi32, #tpu.memory_space<vmem>>
      %dma_wait3A_300 = tpu.memref_squeeze %dma_wait3A_299 : memref<1x10432xi32, #tpu.memory_space<vmem>> -> memref<10432xi32, #tpu.memory_space<vmem>>
      tpu.wait_dma2 semaphore(%arg9 : memref<!tpu.dma_semaphore, #tpu.memory_space<semaphore_mem>>) src(%dma_wait3A_300 : memref<10432xi32, #tpu.memory_space<vmem>>) dst(%dma_wait3A_297 : memref<10432xi32, #tpu.memory_space<hbm>>)
    } else {
    }
    return
  }
}

</mosaic_0001>

<sc_bundles>
// kernel: kernel.3.cloned.1.call-start
scs
__scs_entry_jumppad:
0x0: {  	(pc) =	sbr.rel $0x88, $3  }
0x1: {  	(tag) =	ssettag $0x0;
	lr =	simm.s32 $0x1  }
0x2: {  	[smem:$0x3F9F] =	sst lr;
	_ =	strace $0xD0000000  }
0x3: {  	_ = 	snop  }
0x4: {  	_ = 	snop  }
0x5: {  	_ = 	snop  }
0x6: {  	_ = 	snop  }
0x7: {  	_ = 	snop  }
__scs_overlays_trampoline_lowered:
0x8: {  	[smem:$0x3FAE] =	sst s0  }
0x9: {  	[smem:$0x3FAF] =	sst s1  }
0xa: {  	[smem:$0x3FB0] =	sst s2  }
0xb: {  	[smem:$0x3FB1] =	sst s3  }
0xc: {  	[smem:$0x3FB2] =	sst s4  }
0xd: {  	[smem:$0x3FB3] =	sst s5  }
0xe: {  	[smem:$0x3FB4] =	sst s6  }
0xf: {  	[smem:$0x3FB5] =	sst s7  }
0x10: {  	[smem:$0x3FB6] =	sst s8  }
0x11: {  	[smem:$0x3FB7] =	sst s9;
	s0 =	simm.s32 @!p0 $0x0  }
0x12: {  	s1 =	sld [smem:$0x3F9D];
	s0 =	simm.s32 @p0 $0x1  }
0x13: {  	[smem:$0x3FB8] =	sst s0;
	s0 =	simm.s32 @!p1 $0x0  }
0x14: {  	s2 =	sld [smem:$0x3F9C];
	s0 =	simm.s32 @p1 $0x1  }
0x15: {  	[smem:$0x3FB9] =	sst s0;
	s0 =	simm.s32 @!p2 $0x0  }
0x16: {  	s3 =	sld [smem:$0x3FDB];
	s0 =	simm.s32 @p2 $0x1  }
0x17: {  	s4 =	simm.s32 $0x1BF5;
	[smem:$0x3FBB] =	sst s0  }
0x18: {  	s0 =	sld [smem:$0x3F9E];
	_ =	swait.ge [sflag:s4], $0x0  }
0x19: {  	s7 =	sld [smem:$0x3F9F]  }
0x1a: {  	s8 =	sadd.s32 $0xFFFFE003, lr  }
0x1b: {  	s9 =	sadd.s32 $0xFFFFFEF7, lr;
	s5 =	simm.s32 $0xFFFFFFFF;
	p2 =	slt.u32 s8, $0xFFFFF086  }
0x1c: {  	p1 =	slt.u32 s9, $0xF7A;
	s5 =	simm.s32 @!p2 $0x0  }
0x1d: {  	s5 =	simm.s32 @p1 $0x1;
	p0 =	seq.s32 s7, s2  }
0x1e: {  	s7 =	smul.u32 @!p0 $0xF7A, s2;
	p2 =	seq.s32 @!p0 s5, $0x0  }
0x1f: {  	s9 =	smul.u32 $0xF7A, s1;
	s8 =	simm.s32 @!p0 $0x1BF5;
	p2 =	por !p2, p0  }
0x20: {  	[sflag:s8] =	ssyncset.s32 @!p0 $0xFFFFF086;
	s6 =	sadd.s32 @!p0 s3, s7;
	s7 =	simm.s32 @!p0 $0x108  }
0x21: {  	s3 =	sadd.s32 s3, s9;
	s6 =	sadd.s32 @!p0 $0x88, s6;
	s7 =	simm.s32 @p2 $0x1082  }
0x22: {  	[simem:s7], [sflag:s8] =	dma.local @!p0 [hbm:s6], $0xF7A  }
0x23: {  	s9 =	sor.u32 $0xD0000000, s2;
	s6 =	simm.s32 $0x108;
	_ =	swait.ge @!p0 [sflag:s8], $0x0  }
0x24: {  	s3 =	sadd.s32 $0x88, s3;
	s6 =	simm.s32 @!p1 $0x1082;
	[sflag:s4] =	ssyncset.s32 $0xFFFFF086  }
0x25: {  	[simem:s6], [sflag:s4] =	dma.local [hbm:s3], $0xF7A  }
0x26: {  	[smem:$0x3F9F] =	sst s1;
	(tag) =	ssettag s2;
	_ =	strace s9  }
0x27: {  	s1 =	sld [smem:$0x3FAF]  }
0x28: {  	s2 =	sld [smem:$0x3FB0]  }
0x29: {  	s4 =	sld [smem:$0x3FB2]  }
0x2a: {  	p0 =	seq.s32 s5, $0x0;
	s5 =	sld [smem:$0x3FB3]  }
0x2b: {  	s6 =	sld [smem:$0x3FB4]  }
0x2c: {  	s7 =	sld [smem:$0x3FB5]  }
0x2d: {  	s3 =	simm.s32 $0x108;
	s8 =	sld [smem:$0x3FB6]  }
0x2e: {  	s3 =	simm.s32 @!p0 $0x1082;
	s9 =	sld [smem:$0x3FB7]  }
0x2f: {  	lr =	sadd.s32 s0, s3;
	s0 =	sld [smem:$0x3FAE]  }
0x30: {  	s3 =	sld [smem:$0x3FB1]  }
0x31: {  	[smem:$0x3FBA] =	sst s10  }
0x32: {  	s10 =	sld [smem:$0x3FB8];
	_ =	sdelay $0x3  }
0x33: {  	p0 =	seq.s32 s10, $0x1;
	s10 =	sld [smem:$0x3FBA];
	_ =	sdelay $0x3  }
0x34: {  	[smem:$0x3FBA] =	sst s10  }
0x35: {  	s10 =	sld [smem:$0x3FB9];
	_ =	sdelay $0x3  }
0x36: {  	p1 =	seq.s32 s10, $0x1;
	s10 =	sld [smem:$0x3FBA];
	_ =	sdelay $0x3  }
0x37: {  	[smem:$0x3FBA] =	sst s10  }
0x38: {  	s10 =	sld [smem:$0x3FBB]  }
0x39: {  	_ = 	snop;
	(pc) =	sbr.ind lr, $3  }
0x3a: {  	_ = 	snop  }
0x3b: {  	_ = 	snop  }
0x3c: {  	p2 =	seq.s32 s10, $0x1;
	s10 =	sld [smem:$0x3FBA]  }
0x3d: {  	_ =	shalt  }
0x3e: {  	_ =	shalt  }
0x3f: {  	_ =	shalt  }
0x40: {  	_ =	shalt  }
0x41: {  	_ =	shalt  }
0x42: {  	_ =	shalt  }
0x43: {  	_ =	shalt  }
0x44: {  	_ =	shalt  }
0x45: {  	_ =	shalt  }
0x46: {  	_ =	shalt  }
0x47: {  	_ =	shalt  }
0x48: {  	_ =	shalt  }
0x49: {  	_ =	shalt  }
0x4a: {  	_ =	shalt  }
0x4b: {  	_ =	shalt  }
0x4c: {  	_ =	shalt  }
0x4d: {  	_ =	shalt  }
0x4e: {  	_ =	shalt  }
0x4f: {  	_ =	shalt  }
0x50: {  	_ =	shalt  }
0x51: {  	_ =	shalt  }
0x52: {  	_ =	shalt  }
0x53: {  	_ =	shalt  }
0x54: {  	_ =	shalt  }
0x55: {  	_ =	shalt  }
0x56: {  	_ =	shalt  }
0x57: {  	_ =	shalt  }
0x58: {  	_ =	shalt  }
0x59: {  	_ =	shalt  }
0x5a: {  	_ =	shalt  }
0x5b: {  	_ =	shalt  }
0x5c: {  	_ =	shalt  }
0x5d: {  	_ =	shalt  }
0x5e: {  	_ =	shalt  }
0x5f: {  	_ =	shalt  }
0x60: {  	_ =	shalt  }
0x61: {  	_ =	shalt  }
0x62: {  	_ =	shalt  }
0x63: {  	_ =	shalt  }
0x64: {  	_ =	shalt  }
0x65: {  	_ =	shalt  }
0x66: {  	_ =	shalt  }
0x67: {  	_ =	shalt  }
0x68: {  	_ =	shalt  }
0x69: {  	_ =	shalt  }
0x6a: {  	_ =	shalt  }
0x6b: {  	_ =	shalt  }
0x6c: {  	_ =	shalt  }
0x6d: {  	_ =	shalt  }
0x6e: {  	_ =	shalt  }
0x6f: {  	_ =	shalt  }
0x70: {  	_ =	shalt  }
0x71: {  	_ =	shalt  }
0x72: {  	_ =	shalt  }
0x73: {  	_ =	shalt  }
0x74: {  	_ =	shalt  }
0x75: {  	_ =	shalt  }
0x76: {  	_ =	shalt  }
0x77: {  	_ =	shalt  }
0x78: {  	_ =	shalt  }
0x79: {  	_ =	shalt  }
0x7a: {  	_ =	shalt  }
0x7b: {  	_ =	shalt  }
0x7c: {  	_ =	shalt  }
0x7d: {  	_ =	shalt  }
0x7e: {  	_ =	shalt  }
0x7f: {  	_ =	shalt  }
0x80: {  	_ =	shalt  }
0x81: {  	_ =	shalt  }
0x82: {  	_ =	shalt  }
0x83: {  	_ =	shalt  }
0x84: {  	_ =	shalt  }
0x85: {  	_ =	shalt  }
0x86: {  	_ =	shalt  }
0x87: {  	_ =	shalt  }
.Lfunc_end0:
.L_simem_size_0:
called_computation_lowered:
.L_overlay_start_0:
0x88: {  	s2 =	sld [smem:$0x3FD9]  }
0x89: {  	s3 =	sld [smem:$0x3FFE];
	_ =	sdelay $0x1  }
0x8a: {  	s1 =	srdreg.scid  }
0x8b: {  	s0 =	sand.u32 $0x1, s1  }
0x8c: {  	s17 =	sshll.u32 s0, $0xA;
	s2 =	sadd.s32 s3, s2  }
0x8d: {  	s2 =	sadd.s32 s2, s17  }
0x8e: {  	[smem:$0x3FC6] =	sst s2  }
0x8f: {  	_ = 	snop  }
0x90: {  	s2 =	sld [smem:$0x3FC9]  }
0x91: {  	s18 =	sld [smem:$0x3FD0];
	(tm) =	ssettm $0x1  }
0x92: {  	s4 =	sld [smem:$0x3FFB];
	_ =	sdelay $0x3  }
0x93: {  	_ =	strace s4  }
0x94: {  	s4 =	sld [smem:$0x3FFC];
	_ =	sdelay $0x3  }
0x95: {  	_ =	strace s4  }
0x96: {  	s4 =	sld [smem:$0x3FFD];
	_ =	sdelay $0x3  }
0x97: {  	_ =	strace s4  }
0x98: {  	_ =	strace $0x8FFFFFFF  }
0x99: {  	s19 =	sld [smem:$0x3FDB];
	_ =	sdelay $0x1  }
0x9a: {  	s5 =	simm.s32 $_scs_section_size  }
0x9b: {  	s6 =	simm.s32 $_size__tile_overlayer_lowered;
	s7 =	simm.s32 $_tile_overlayer_lowered  }
0x9c: {  	s22 =	simm.s32 $0x1BFF;
	s21 =	sshll.u32 s7, $0x1;
	s4 =	sadd.s32 s5, s19  }
0x9d: {  	s8 =	simm.s32 $0x0;
	s20 =	sshll.u32 s6, $0x1;
	s6 =	sadd.s32 s21, s4  }
0x9e: {  	[timem:s8], [sflag:s22] =	dma.local [hbm:s6], s20  }
0x9f: {  	_ =	swait.ge [sflag:s22], s20  }
0xa0: {  	s5 =	ssub.s32 $0x0, s20;
	[sflag:s22] =	ssyncset.done $0x0  }
0xa1: {  	[sflag:s22] =	ssyncadd.s32 s5;
	_ =	sdelay $0x1  }
0xa2: {  	s23 =	simm.s32 $0x1B8B  }
0xa3: {  	_ =	swait.ge [sflag:s23], $0x1  }
0xa4: {  	[sflag:s23] =	ssyncset.done $0x0  }
0xa5: {  	s25 =	simm.s32 $0x1B8E;
	s24 =	sld [smem:$0x3FFE];
	[sflag:s23] =	ssyncadd.s32 $0xFFFFFFFF  }
0xa6: {  	s26 =	simm.s32 $execute0_lowered;
	[smem:$0x3FD2] =	sst s25  }
0xa7: {  	s6 =	sshll.u32 s26, $0x1;
	_ =	strace $0x80000046;
	[dreg:$0x1] =	wrdreg $0xFFFFFFFF  }
0xa8: {  	s28 =	simm.s32 $_size_execute0_lowered;
	s4 =	sadd.s32 s4, s6;
	[dreg:$0x0] =	wrdreg $0x0  }
0xa9: {  	s6 =	sshll.u32 s28, $0x1;
	[dreg:$0x2] =	wrdreg s4  }
0xaa: {  	[dreg:$0x3] =	wrdreg s6  }
0xab: {  	[dreg:$0x4] =	wrdreg $0xC0  }
0xac: {  	_ =	task [dreg:s8], $0x5FFFF  }
0xad: {  	[dreg:$0x1] =	wrdreg $0xFFFFFFFF  }
0xae: {  	[dreg:$0x0] =	wrdreg $0x60  }
0xaf: {  	[dreg:$0x2] =	wrdreg s2  }
0xb0: {  	[dreg:$0x3] =	wrdreg s18  }
0xb1: {  	[dreg:$0x4] =	wrdreg s24  }
0xb2: {  	[dreg:$0x5] =	wrdreg $0x9  }
0xb3: {  	_ =	task.clear_ibuf [dreg:s8], $0x6FFFF;
	_ =	strace $0x90000046  }
0xb4: {  	s29 =	simm.s32 $0x9;
	_ =	strace $0x80000048  }
0xb5: {  	_ =	swait.ge [sflag:s29], $0x1  }
0xb6: {  	[sflag:s29] =	ssyncadd.s32 $0xFFFFFFFF  }
0xb7: {  	_ =	strace $0x90000048  }
0xb8: {  	_ =	sfence  }
0xb9: {  	s30 =	sld [smem:$0x0];
	_ =	sdelay $0x2  }
0xba: {  	s31 =	sshll.u32 s1, $0xD;
	s1 =	sshrl.u32 s1, $0x2  }
0xbb: {  	s3 =	sand.u32 $0x4000, s31;
	s1 =	sadd.s32 s1, s30  }
0xbc: {  	s0 =	sor.u32 s3, s0;
	s1 =	sshll.u32 s1, $0x11  }
0xbd: {  	s0 =	sor.u32 s1, s0  }
0xbe: {  	s0 =	sadd.s32 $0x8F2B, s0  }
0xbf: {  	[sflag:s0] =	ssyncadd.remote.s32 $0x1  }
0xc0: {  	_ =	sfence.sel $0xFFFF  }
0xc1: {  	[dreg:$0x0] =	wrdreg $0xFFFFFFFF;
	(pc) =	sbr.abs _section_cstart, $3  }
0xc2: {  	[dreg:$0x1] =	wrdreg $0xFFFFFFFF  }
0xc3: {  	_ =	task.clear_ibuf [dreg:s8], $0x2FFFF;
	_ =	strace $0x9FFFFFFF  }
0xc4: {  	(tm) =	ssettm $0x7FFFFFFF  }
0xc5: {  	_ =	shalt  }
tec
execute0_lowered:
.L_overlay_start_1:
0x0: {  	(tag) =	ssettag $0x1  }
0x1: {  	s7 =	rddreg [dreg:$0x0]  }
0x2: {  	s0 =	srdreg.scid;
	s2 =	stileid.u32  }
0x3: {  	s1 =	rddreg [dreg:$0x2];
	s4 =	simm.s32 $0x0;
	s24 =	simm.s32 $0x3  }
0x4: {  	s25 =	simm.s32 $0x7A58;
	s26 =	simm.s32 $0xA318;
	s28 =	simm.s32 $0xCBD8  }
0x5: {  	s29 =	simm.s32 $0xF498;
	s23 =	simm.s32 $0x2;
	s30 =	simm.s32 $0x0  }
0x6: {  	s0 =	sand.u32 $0x1, s0;
	s2 =	sshll.u32 s2, $0x1;
	[smem:$0x7FF] =	sst s4  }
0x7: {  	s18 =	sadd.s32 $0x1E7E8, s1;
	s19 =	sadd.s32 $0x3D030, s1;
	s20 =	sadd.s32 $0x5B878, s1  }
0x8: {  	s21 =	sadd.s32 $0x7A0C0, s1;
	s2 =	sor.u32 s0, s2;
	s0 =	ssub.s32 $0x2, s0  }
0x9: {  	_ =	strace $0x80000047;
	s3 =	smul.u32 $0x7A40, s2;
	s6 =	sshrl.u32 s0, $0x1  }
0xa: {  	p0 =	seq.s32 s2, $0x1F;
	p3 =	sne.s32 s2, $0x1F;
	s0 =	ssub.s32 s0, s6  }
0xb: {  	p2 =	sne.s32 @!p0 s2, $0x0;
	s5 =	sshrl.u32 s3, $0x3;
	s3 =	sadd.s32 $0xFFFFFFF8, s3  }
0xc: {  	s22 =	smax.u32 s0, $0x1;
	p1 =	por !p2, p0;
	s3 =	sshrl.u32 s3, $0x3  }
0xd: {  	p2 =	por p2, p0;
	s14 =	sadd.s32 s5, s1;
	s5 =	sadd.s32 s7, s3  }
.Ltmp0:
0xe: {  	s6 =	sadd.s32 $0x400, s14;
	s7 =	sadd.s32 $0x1EC48, s14;
	(pc) =	sbr.rel .LBB2_1-.Ltmp0, $4  }
0xf: {  	s8 =	sadd.s32 $0x3D490, s14;
	s9 =	sadd.s32 $0x5BCD8, s14;
	s10 =	sadd.s32 $0x918, s14  }
0x10: {  	s11 =	sadd.s32 $0x1F160, s14;
	s12 =	sadd.s32 $0x3D9A8, s14;
	s13 =	sadd.s32 $0x5C1F0, s14  }
0x11: {  	s31 =	sadd.s32 $0xE30, s14;
	s15 =	sadd.s32 $0x1F678, s14;
	s16 =	sadd.s32 $0x3DEC0, s14  }
0x12: {  	v0 =	vimm.s32 $0x0;
	s17 =	sadd.s32 $0x5C708, s14;
	s3 =	simm.s32 $0x1;
	[dreg:$0x4] =	wrdreg s31  }
.LBB2_18:
0x13: {  	_ =	swait.ge [sflag:s23], $0x28C0  }
0x14: {  	[sflag:s23] =	ssyncset.done $0x0  }
0x15: {  	[sflag:s23] =	ssyncadd.s32 $0xFFFFD740  }
0x16: {  	_ =	swait.ge [sflag:s23], $0x28C0  }
0x17: {  	[sflag:s23] =	ssyncset.done $0x0  }
0x18: {  	[sflag:s23] =	ssyncadd.s32 $0xFFFFD740  }
0x19: {  	_ =	swait.ge [sflag:s23], $0x28C0  }
0x1a: {  	[sflag:s23] =	ssyncset.done $0x0  }
0x1b: {  	[sflag:s23] =	ssyncadd.s32 $0xFFFFD740  }
0x1c: {  	_ =	swait.ge [sflag:s23], $0x28C0  }
0x1d: {  	[sflag:s23] =	ssyncset.done $0x0  }
0x1e: {  	s0 =	simm.s32 @p3 $0x1;
	[sflag:s23] =	ssyncadd.s32 $0xFFFFD740  }
0x1f: {  	_ =	swait.ge @p3 [sflag:s0], $0x28C0  }
0x20: {  	[sflag:s0] =	ssyncset.done @p3 $0x0  }
0x21: {  	[sflag:s0] =	ssyncadd.s32 @p3 $0xFFFFD740  }
0x22: {  	_ =	swait.ge @p3 [sflag:s0], $0x28C0  }
0x23: {  	[sflag:s0] =	ssyncset.done @p3 $0x0  }
0x24: {  	[sflag:s0] =	ssyncadd.s32 @p3 $0xFFFFD740  }
0x25: {  	_ =	swait.ge @p3 [sflag:s0], $0x28C0  }
0x26: {  	[sflag:s0] =	ssyncset.done @p3 $0x0  }
0x27: {  	[sflag:s0] =	ssyncadd.s32 @p3 $0xFFFFD740  }
0x28: {  	_ =	swait.ge @p3 [sflag:s0], $0x28C0  }
0x29: {  	[sflag:s0] =	ssyncset.done @p3 $0x0  }
0x2a: {  	[sflag:s0] =	ssyncadd.s32 @p3 $0xFFFFD740;
	s0 =	simm.s32 @!p3 $0x1  }
0x2b: {  	_ =	swait.ge @!p3 [sflag:s0], $0x2300  }
0x2c: {  	[sflag:s0] =	ssyncset.done @!p3 $0x0  }
0x2d: {  	[sflag:s0] =	ssyncadd.s32 @!p3 $0xFFFFDD00  }
0x2e: {  	_ =	swait.ge @!p3 [sflag:s0], $0x2300  }
0x2f: {  	[sflag:s0] =	ssyncset.done @!p3 $0x0  }
0x30: {  	s30 =	sadd.s32 $0x1, s30;
	[sflag:s0] =	ssyncadd.s32 @!p3 $0xFFFFDD00  }
0x31: {  	p4 =	sne.s32 s30, s22;
	_ =	swait.ge @!p3 [sflag:s0], $0x2300  }
.Ltmp1:
0x32: {  	[sflag:s0] =	ssyncset.done @!p3 $0x0;
	(pc) =	sbr.rel @!p4 .LBB2_19-.Ltmp1, $4  }
0x33: {  	[sflag:s0] =	ssyncadd.s32 @!p3 $0xFFFFDD00  }
0x34: {  	_ =	swait.ge @!p3 [sflag:s0], $0x2300  }
0x35: {  	[sflag:s0] =	ssyncset.done @!p3 $0x0  }
0x36: {  	[sflag:s0] =	ssyncadd.s32 @!p3 $0xFFFFDD00  }
.LBB2_1:
0x37: {  	s0 =	rddreg [dreg:$0x1];
	s1 =	simm.s32 $0x7A48  }
0x38: {  	[tilespmem:s1], [sflag:$0x3] =	stream.linear.gather [hbm4b:s0+s4], $0x10, $0x38;
	[tilespmem:$0x1C058] =	vst v63  }
0x39: {  	_ =	swait.ge [sflag:s24], $0x10  }
0x3a: {  	[sflag:s24] =	ssyncset.done $0x0  }
0x3b: {  	s0 =	simm.s32 @p0 $0x0;
	[sflag:s24] =	ssyncadd.s32 $0xFFFFFFF0  }
0x3c: {  	v1 =	vld [tilespmem:$0x7A48];
	[tilespmem:s0], [sflag:$0x3] =	stream.linear.gather @p0 [hbm4b:s5+s0], $0x7488, $0x38  }
0x3d: {  	s0 =	simm.s32 @p0 $0x3  }
0x3e: {  	_ =	swait.ge @p0 [sflag:s0], $0x7488  }
0x3f: {  	[sflag:s0] =	ssyncset.done @p0 $0x0  }
0x40: {  	[sflag:s0] =	ssyncadd.s32 @p0 $0xFFFF8B78;
	s0 =	simm.s32 @!p1 $0x0  }
0x41: {  	[tilespmem:s0], [sflag:$0x3] =	stream.linear.gather @!p1 [hbm4b:s5+s0], $0x7A48, $0x38;
	[tilespmem:$0x1C058] =	vst v63  }
0x42: {  	s0 =	simm.s32 @!p1 $0x3  }
0x43: {  	_ =	swait.ge @!p1 [sflag:s0], $0x7A48  }
0x44: {  	[sflag:s0] =	ssyncset.done @!p1 $0x0  }
0x45: {  	v2 =	vimm.s32 @!p2 $0xFFFFFFFF;
	[sflag:s0] =	ssyncadd.s32 @!p1 $0xFFFF85B8  }
0x46: {  	s1 =	simm.s32 @!p2 $0x8;
	s0 =	simm.s32 @!p2 $0x0;
	[tilespmem:$0x0] =	vst @!p2 v2;
	s2 =	rddreg [dreg:$0x0]  }
0x47: {  	[tilespmem:s1], [sflag:$0x3] =	stream.linear.gather @!p2 [hbm4b:s2+s0], $0x7A40, $0x38;
	[tilespmem:$0x1C058] =	vst v63  }
0x48: {  	s0 =	simm.s32 @!p2 $0x3  }
0x49: {  	_ =	swait.ge @!p2 [sflag:s0], $0x7A40  }
0x4a: {  	[sflag:s0] =	ssyncset.done @!p2 $0x0  }
0x4b: {  	s31 =	simm.s32 $0x0;
	[sflag:s0] =	ssyncadd.s32 @!p2 $0xFFFF85C0  }
0x4c: {  	v2 =	vld [tilespmem:s31+$0xF8]  }
0x4d: {  	v15 =	vld [tilespmem:s31+$0x8]  }
0x4e: {  	v16 =	vld [tilespmem:s31+$0x18]  }
0x4f: {  	v17 =	vld [tilespmem:s31+$0x28]  }
0x50: {  	v14 =	vld [tilespmem:s31+$0x38]  }
0x51: {  	v13 =	vld [tilespmem:s31+$0x48]  }
0x52: {  	v12 =	vld [tilespmem:s31+$0x58]  }
0x53: {  	v11 =	vld [tilespmem:s31+$0x68]  }
0x54: {  	vm0 =	vne.s32 v2, $0x0;
	vm1 =	veq.s32 v2, v1;
	vm2 =	vne.s32 v15, $0x0  }
0x55: {  	vm5 =	veq.s32 v15, v1;
	vm6 =	vne.s32 v16, $0x0;
	vm7 =	veq.s32 v16, v1  }
0x56: {  	vm8 =	vne.s32 v17, $0x0;
	vm9 =	veq.s32 v17, v1;
	vm10 =	vne.s32 v14, $0x0  }
0x57: {  	vm11 =	veq.s32 v14, v1;
	vm12 =	vne.s32 v13, $0x0;
	vm13 =	veq.s32 v13, v1  }
0x58: {  	vm14 =	vne.s32 v12, $0x0;
	vm15 =	veq.s32 v12, v1;
	vm4 =	vne.s32 v11, $0x0  }
0x59: {  	v10 =	vld [tilespmem:s31+$0x78];
	vm3 =	veq.s32 v15, $0x0;
	v18 =	vsel vm1, $0x1, v0;
	v19 =	vsel vm5, $0x1, v0  }
0x5a: {  	v9 =	vld [tilespmem:s31+$0x88];
	v3 =	vsel vm0, $0x1, v0;
	v20 =	vsel vm2, $0x1, v0;
	v21 =	vsel vm7, $0x1, v0;
	[tilespmem:s31+$0xF498] =	vst v19  }
0x5b: {  	v8 =	vld [tilespmem:s31+$0x98];
	v22 =	vsel vm6, $0x1, v0;
	v23 =	vsel vm9, $0x1, v0;
	v24 =	vsel vm8, $0x1, v0;
	[tilespmem:s31+$0xF4A8] =	vst v21  }
0x5c: {  	v7 =	vld [tilespmem:s31+$0xA8];
	v25 =	vsel vm11, $0x1, v0;
	v26 =	vsel vm10, $0x1, v0;
	v27 =	vsel vm13, $0x1, v0;
	[tilespmem:s31+$0xF4B8] =	vst v23  }
0x5d: {  	v5 =	vld [tilespmem:s31+$0xB8];
	v28 =	vsel vm12, $0x1, v0;
	v29 =	vsel vm15, $0x1, v0;
	vm5 =	veq.s32 v11, v1;
	[tilespmem:s31+$0xF4C8] =	vst v25  }
0x5e: {  	v4 =	vld [tilespmem:s31+$0xC8];
	v31 =	vsel vm14, $0x1, v0;
	vm6 =	vne.s32 v10, $0x0;
	vm7 =	veq.s32 v10, v1;
	[tilespmem:s31+$0xF4D8] =	vst v27  }
0x5f: {  	v34 =	vsel vm4, $0x1, v0;
	vm8 =	vne.s32 v9, $0x0;
	vm9 =	veq.s32 v9, v1;
	[tilespmem:s31+$0xF4E8] =	vst v29  }
0x60: {  	vm10 =	vne.s32 v8, $0x0;
	vm11 =	veq.s32 v8, v1;
	v3 =	vsub.s32 v3, v18;
	[tilespmem:s31+$0xF588] =	vst v18  }
0x61: {  	vm12 =	vne.s32 v7, $0x0;
	vm13 =	veq.s32 v7, v1;
	v33 =	vsel vm5, $0x1, v0;
	[tilespmem:s31+$0xCCC8] =	vst v3  }
0x62: {  	v6 =	vld [tilespmem:s31+$0xD8];
	vm14 =	vne.s32 v5, $0x0;
	vm15 =	veq.s32 v5, v1;
	v36 =	vsel vm7, $0x1, v0;
	[tilespmem:s31+$0xF4F8] =	vst v33  }
0x63: {  	v30 =	vld [tilespmem:s31+$0x7];
	vm4 =	vne.s32 v4, $0x0;
	vm0 =	veq.s32 v2, $0x0;
	v39 =	vsel vm9, $0x1, v0;
	[tilespmem:s31+$0xF508] =	vst v36  }
0x64: {  	v32 =	vld [tilespmem:s31+$0x17];
	v38 =	vsel vm6, $0x1, v0;
	v41 =	vsel vm8, $0x1, v0;
	v42 =	vsel vm11, $0x1, v0;
	[tilespmem:s31+$0xF518] =	vst v39  }
0x65: {  	v35 =	vld [tilespmem:s31+$0x27];
	v44 =	vsel vm10, $0x1, v0;
	v46 =	vsel vm13, $0x1, v0;
	v47 =	vsel vm12, $0x1, v0;
	[tilespmem:s31+$0xF528] =	vst v42  }
0x66: {  	v49 =	vsel vm15, $0x1, v0;
	vm5 =	veq.s32 v4, v1;
	v51 =	vsel vm14, $0x1, v0;
	[tilespmem:s31+$0xF538] =	vst v46  }
0x67: {  	vm6 =	veq.s32 v6, v1;
	vm7 =	vne.s32 v6, $0x0;
	v19 =	vsub.s32 v20, v19;
	[tilespmem:s31+$0xF548] =	vst v49  }
0x68: {  	v56 =	vsel vm4, $0x1, v0;
	vm10 =	vne.s32 v15, v30;
	v18 =	vsub.s32 v22, v21;
	[tilespmem:s31+$0xCBD8] =	vst v19  }
0x69: {  	vm11 =	vne.s32 v16, v32;
	vm12 =	veq.s32 v16, $0x0;
	v16 =	vsub.s32 v24, v23;
	[tilespmem:s31+$0xCBE8] =	vst v18  }
0x6a: {  	v40 =	vld [tilespmem:s31+$0x77];
	vm13 =	vne.s32 v17, v35;
	vm14 =	veq.s32 v17, $0x0;
	v17 =	vsub.s32 v28, v27;
	[tilespmem:s31+$0xCBF8] =	vst v16  }
0x6b: {  	v43 =	vld [tilespmem:s31+$0x87];
	v21 =	vsel vm3, $0x1, v0;
	vm4 =	veq.s32 v14, $0x0;
	v52 =	vsel vm5, $0x1, v0;
	[tilespmem:s31+$0xCC18] =	vst v17  }
0x6c: {  	v54 =	vsel vm6, $0x1, v0;
	v59 =	vsel vm7, $0x1, v0;
	v60 =	vsel vm10, $0x1, v0;
	[tilespmem:s31+$0xA318] =	vst v21  }
0x6d: {  	v23 =	vsel vm11, $0x1, v0;
	v18 =	vsub.s32 v26, v25;
	v32 =	vsel vm12, $0x1, v0;
	[tilespmem:s31+$0xF558] =	vst v52  }
0x6e: {  	v55 =	vld [tilespmem:s31+$0xD7];
	v27 =	vsel vm13, $0x1, v0;
	v17 =	vsub.s32 v38, v36;
	v61 =	vsel vm4, $0x1, v0;
	[tilespmem:s31+$0xF568] =	vst v54  }
0x6f: {  	v20 =	vld [tilespmem:s31+$0x37];
	vm6 =	veq.s32 v13, $0x0;
	vm10 =	veq.s32 v11, $0x0;
	vm11 =	vne.s32 v10, v40;
	[tilespmem:s31+$0xCC08] =	vst v18  }
0x70: {  	v3 =	vld [tilespmem:s31+$0xE8];
	vm12 =	veq.s32 v10, $0x0;
	vm13 =	vne.s32 v9, v43;
	vm4 =	veq.s32 v8, $0x0;
	[tilespmem:s31+$0xCC48] =	vst v17  }
0x71: {  	v19 =	vld [tilespmem:s31+$0x47];
	v18 =	vsub.s32 v31, v29;
	v63 =	vsel vm6, $0x1, v0;
	v22 =	vsel vm10, $0x1, v0;
	[tilespmem:s31+$0x7A58] =	vst v60  }
0x72: {  	v16 =	vld [tilespmem:s31+$0x57];
	v26 =	vsel vm11, $0x1, v0;
	v25 =	vsel vm12, $0x1, v0;
	vm6 =	veq.s32 v7, $0x0;
	[tilespmem:s31+$0x7A68] =	vst v23  }
0x73: {  	v45 =	vld [tilespmem:s31+$0x97];
	[tilespmem:s31+$0xA328] =	vst v32;
	vm10 =	veq.s32 v4, $0x0;
	vm11 =	vne.s32 v6, v55;
	vm12 =	veq.s32 v6, $0x0  }
0x74: {  	[tilespmem:s31+$0x7A78] =	vst v27;
	v6 =	vsel vm12, $0x1, v0;
	vm15 =	vne.s32 v14, v20;
	v20 =	vsel vm14, $0x1, v0  }
0x75: {  	[tilespmem:s31+$0xA348] =	vst v61;
	v14 =	vsub.s32 v34, v33;
	vm14 =	veq.s32 v9, $0x0;
	v9 =	vsel vm10, $0x1, v0  }
0x76: {  	v37 =	vld [tilespmem:s31+$0x67];
	[tilespmem:s31+$0xCC28] =	vst v18;
	vm8 =	veq.s32 v3, v1;
	vm9 =	vne.s32 v3, $0x0;
	v28 =	vsel vm15, $0x1, v0  }
0x77: {  	v48 =	vld [tilespmem:s31+$0xA7];
	[tilespmem:s31+$0xA358] =	vst v63;
	vm5 =	vne.s32 v13, v19;
	v13 =	vsub.s32 v41, v39;
	vm7 =	vne.s32 v12, v16  }
0x78: {  	v50 =	vld [tilespmem:s31+$0xB7];
	[tilespmem:s31+$0xCC38] =	vst v14;
	v14 =	vsub.s32 v44, v42;
	vm15 =	vne.s32 v8, v45;
	v24 =	vsel vm14, $0x1, v0  }
0x79: {  	v30 =	vld [tilespmem:s31+$0xF7];
	v16 =	vsel vm6, $0x1, v0;
	[tilespmem:s31+$0xA338] =	vst v20;
	vm14 =	veq.s32 v3, $0x0;
	v39 =	vsel vm0, $0x1, v0  }
0x7a: {  	v57 =	vsel vm8, $0x1, v0;
	v15 =	vsel vm9, $0x1, v0;
	v62 =	vsel vm5, $0x1, v0;
	[tilespmem:s31+$0xCC58] =	vst v13  }
0x7b: {  	vm8 =	veq.s32 v12, $0x0;
	v12 =	vsub.s32 v47, v46;
	[tilespmem:s31+$0xCC68] =	vst v14;
	v17 =	vsel vm7, $0x1, v0  }
0x7c: {  	v53 =	vld [tilespmem:s31+$0xC7];
	vm9 =	vne.s32 v11, v37;
	v13 =	vsub.s32 v51, v49;
	v11 =	vsub.s32 v56, v52;
	[tilespmem:s31+$0x7A88] =	vst v28  }
0x7d: {  	v58 =	vld [tilespmem:s31+$0xE7];
	v14 =	vsel vm15, $0x1, v0;
	vm5 =	vne.s32 v7, v48;
	vm7 =	vne.s32 v5, v50;
	[tilespmem:s31+$0xF578] =	vst v57  }
0x7e: {  	v7 =	vsel vm11, $0x1, v0;
	vm15 =	vne.s32 v2, v30;
	[tilespmem:s31+$0xCC78] =	vst v12;
	v18 =	vsel vm8, $0x1, v0  }
0x7f: {  	[tilespmem:s31+$0xCC88] =	vst v13;
	v19 =	vsel vm9, $0x1, v0;
	v12 =	vsub.s32 v59, v54;
	v10 =	vsub.s32 v15, v57  }
0x80: {  	[tilespmem:s31+$0xCC98] =	vst v11;
	v15 =	vsel vm4, $0x1, v0;
	v21 =	vsel vm5, $0x1, v0;
	vm8 =	veq.s32 v5, $0x0  }
0x81: {  	v13 =	vsel vm7, $0x1, v0;
	vm9 =	vne.s32 v4, v53;
	v4 =	vsel vm14, $0x1, v0;
	[tilespmem:s31+$0xCCA8] =	vst v12  }
0x82: {  	[tilespmem:s31+$0xCCB8] =	vst v10;
	v10 =	vsel vm13, $0x1, v0;
	v12 =	vsel vm8, $0x1, v0;
	vm13 =	vne.s32 v3, v58  }
0x83: {  	s2 =	simm.s32 $0x0;
	s0 =	simm.s32 $0x400;
	[tilespmem:s31+$0x7A98] =	vst v62;
	v11 =	vsel vm9, $0x1, v0;
	v3 =	vsel vm15, $0x1, v0;
	v5 =	vsel vm13, $0x1, v0  }
.LBB2_2:
0x84: {  	s14 =	sshra.s32 s0, $0x2  }
0x85: {  	[tilespmem:s31+$0x7AA8] =	vst v17;
	v8 =	vld [tilespmem:s14+$0xF8]  }
0x86: {  	[tilespmem:s31+$0xA368] =	vst v18;
	v23 =	vld [tilespmem:s14+$0x8]  }
0x87: {  	[tilespmem:s31+$0x7AB8] =	vst v19;
	v20 =	vld [tilespmem:s14+$0x18]  }
0x88: {  	[tilespmem:s31+$0xA378] =	vst v22;
	v22 =	vld [tilespmem:s14+$0x28]  }
0x89: {  	[tilespmem:s31+$0x7AC8] =	vst v26;
	v19 =	vld [tilespmem:s14+$0x38]  }
0x8a: {  	[tilespmem:s31+$0xA388] =	vst v25;
	v18 =	vld [tilespmem:s14+$0x48]  }
0x8b: {  	[tilespmem:s31+$0x7AD8] =	vst v10;
	v25 =	vld [tilespmem:s14+$0x58]  }
0x8c: {  	[tilespmem:s31+$0xA398] =	vst v24;
	v26 =	vld [tilespmem:s14+$0x68]  }
0x8d: {  	[tilespmem:s31+$0x7AE8] =	vst v14;
	v27 =	vld [tilespmem:s14+$0x78]  }
0x8e: {  	[tilespmem:s31+$0xA3A8] =	vst v15;
	v28 =	vld [tilespmem:s14+$0x88]  }
0x8f: {  	v2 =	vimm.s32 $0x0;
	v30 =	vld [tilespmem:s14+$0x98];
	vm0 =	vne.s32 v8, $0x0  }
0x90: {  	vm1 =	veq.s32 v8, $0x0;
	vm12 =	veq.s32 v8, v1;
	vm3 =	vne.s32 v23, $0x0  }
0x91: {  	vm13 =	veq.s32 v23, v1;
	vm4 =	vne.s32 v20, $0x0;
	vm5 =	veq.s32 v20, v1  }
0x92: {  	vm6 =	veq.s32 v22, v1;
	vm11 =	vne.s32 v19, $0x0;
	vm2 =	veq.s32 v19, v1  }
0x93: {  	v31 =	vld [tilespmem:s14+$0xA8];
	[tilespmem:s31+$0x7AF8] =	vst v21;
	vm9 =	vne.s32 v18, $0x0;
	vm10 =	veq.s32 v25, v1;
	vm14 =	vne.s32 v26, $0x0  }
0x94: {  	v32 =	vld [tilespmem:s14+$0xB8];
	[tilespmem:s31+$0xA3B8] =	vst v16;
	vm15 =	vne.s32 v27, $0x0;
	vm7 =	veq.s32 v28, v1;
	vm8 =	veq.s32 v30, v1  }
0x95: {  	v33 =	vld [tilespmem:s14+$0xC8];
	[tilespmem:s31+$0x7B08] =	vst v13;
	v2 =	vsel vm1, $0xFFFFFFFF, v2;
	v10 =	vsel vm12, $0x1, v0;
	v17 =	vsel vm0, $0x1, v0  }
0x96: {  	v34 =	vld [tilespmem:s14+$0xD8];
	[tilespmem:s31+$0xA3C8] =	vst v12;
	vm0 =	vne.s32 v22, $0x0;
	v14 =	vsel vm13, $0x1, v0;
	vm12 =	veq.s32 v18, v1  }
0x97: {  	[tilespmem:s31+$0x7B18] =	vst v11;
	v24 =	vsel vm6, $0x1, v0;
	vm6 =	veq.s32 v27, v1;
	v29 =	vsel vm2, $0x1, v0  }
0x98: {  	v13 =	vld [tilespmem:s14+$0x7];
	v16 =	vsel vm11, $0x1, v0;
	vm11 =	vne.s32 v31, $0x0;
	[tilespmem:$0x1FFF0] =	vst v2;
	v2 =	vsel vm3, $0x1, v0  }
0x99: {  	v37 =	vld [tilespmem:s14+$0x17];
	vm13 =	veq.s32 v31, v1;
	v15 =	vsel vm9, $0x1, v0;
	[tilespmem:$0x1FEE0] =	vst v2;
	v2 =	vsel vm4, $0x1, v0  }
0x9a: {  	vm9 =	vne.s32 v33, $0x0;
	v41 =	vsel vm10, $0x1, v0;
	[tilespmem:$0x1FEF0] =	vst v2;
	v2 =	vimm.s32 $0x0  }
0x9b: {  	[tilespmem:s31+$0xA3D8] =	vst v9;
	vm10 =	vne.s32 v34, $0x0;
	v48 =	vsel vm7, $0x1, v0;
	v2 =	vsel vm14, $0xFFFFFFFF, v2  }
0x9c: {  	v11 =	vld [tilespmem:s14+$0x47];
	vm7 =	veq.s32 v23, $0x0;
	v53 =	vsel vm13, $0x1, v0;
	[tilespmem:$0x1FEC0] =	vst v2;
	v2 =	vimm.s32 $0x0  }
0x9d: {  	v35 =	vld [tilespmem:s14+$0xE8];
	[tilespmem:s14+$0xF4C8] =	vst v29;
	vm13 =	vne.s32 v23, v13;
	v13 =	vimm.s32 $0x0;
	v2 =	vsel vm15, $0xFFFFFFFF, v2  }
0x9e: {  	v51 =	vsel vm8, $0x1, v0;
	vm8 =	vne.s32 v20, v37;
	v13 =	vsel vm7, $0xFFFFFFFF, v13;
	[tilespmem:$0x1FED0] =	vst v2;
	v2 =	vld [tilespmem:$0x1FEC0]  }
0x9f: {  	v17 =	vsub.s32 v17, v10;
	vm3 =	veq.s32 v26, v1;
	[tilespmem:$0x1FF00] =	vst v13;
	v13 =	vimm.s32 $0x0  }
0xa0: {  	v50 =	vld [tilespmem:s14+$0x77];
	v38 =	vsel vm12, $0x1, v0;
	[tilespmem:s14+$0xCCC8] =	vst v17;
	v13 =	vsel vm8, $0xFFFFFFFF, v13;
	vm15 =	veq.s32 v33, v1  }
0xa1: {  	[tilespmem:s14+$0xF4D8] =	vst v38;
	v59 =	vsel vm15, $0x1, v0;
	vm15 =	vne.s32 v18, v11;
	v11 =	vimm.s32 $0x0  }
0xa2: {  	v43 =	vld [tilespmem:s14+$0x57];
	v21 =	vsel vm0, $0x1, v0;
	vm0 =	veq.s32 v35, v1;
	[tilespmem:$0x1FF10] =	vst v13;
	v11 =	vsel vm15, $0xFFFFFFFF, v11  }
0xa3: {  	vm4 =	vne.s32 v28, $0x0;
	v44 =	vsel vm3, $0x1, v0;
	[tilespmem:$0x1FF70] =	vst v11;
	vm3 =	vnez.u8 v2;
	v2 =	vld [tilespmem:$0x1FED0]  }
0xa4: {  	v49 =	vsel vm4, $0x1, v0;
	vm4 =	veq.s32 v18, $0x0;
	v11 =	vld [tilespmem:s14+$0xD7];
	[tilespmem:s31+$0x7B28] =	vst v7;
	v7 =	vimm.s32 $0x0  }
0xa5: {  	vm7 =	vne.s32 v27, v50;
	[tilespmem:s31+$0xA3E8] =	vst v6;
	v6 =	vimm.s32 $0x0;
	v7 =	vsel vm4, $0xFFFFFFFF, v7  }
0xa6: {  	v17 =	vsel vm5, $0x1, v0;
	vm5 =	vne.s32 v30, $0x0;
	v6 =	vsel vm7, $0xFFFFFFFF, v6;
	[tilespmem:$0x1FF80] =	vst v7  }
0xa7: {  	v12 =	vld [tilespmem:s14+$0x27];
	v52 =	vsel vm5, $0x1, v0;
	vm5 =	vne.s32 v25, v43;
	v7 =	vimm.s32 $0x0;
	[tilespmem:$0x1FFB0] =	vst v6  }
0xa8: {  	v46 =	vsel vm6, $0x1, v0;
	v6 =	vld [tilespmem:s14+$0xF7];
	[tilespmem:s31+$0x7B48] =	vst v3;
	v7 =	vsel vm5, $0xFFFFFFFF, v7;
	vm6 =	vnez.u8 v2  }
0xa9: {  	[tilespmem:$0x1FF90] =	vst v7;
	v7 =	vimm.s32 $0x0;
	v47 =	vsel vm6, $0x1, v0;
	vm6 =	veq.s32 v25, $0x0  }
0xaa: {  	v55 =	vsel vm11, $0x1, v0;
	v60 =	vsel vm9, $0x1, v0;
	[tilespmem:s31+$0xA408] =	vst v39;
	v7 =	vsel vm6, $0xFFFFFFFF, v7  }
0xab: {  	v63 =	vsel vm10, $0x1, v0;
	vm9 =	veq.s32 v20, $0x0;
	v20 =	vimm.s32 $0x0;
	[tilespmem:$0x1FFA0] =	vst v7  }
0xac: {  	vm10 =	vne.s32 v22, v12;
	v12 =	vimm.s32 $0x0;
	vm11 =	veq.s32 v22, $0x0;
	v7 =	vld [tilespmem:s14+$0xE7];
	[tilespmem:s31+$0x7B38] =	vst v5  }
0xad: {  	v3 =	vimm.s32 $0x0;
	v2 =	vsel vm0, $0x1, v0;
	vm0 =	veq.s32 v35, $0x0;
	[tilespmem:s31+$0xA3F8] =	vst v4;
	s31 =	smov.u32 s14  }
0xae: {  	v3 =	vsel vm0, $0xFFFFFFFF, v3;
	vm0 =	vne.s32 v8, v6;
	v6 =	vsub.s32 v15, v38;
	[tilespmem:s31+$0xF588] =	vst v10;
	v10 =	vld [tilespmem:$0x1FF00]  }
0xaf: {  	v12 =	vsel vm10, $0xFFFFFFFF, v12;
	vm8 =	veq.s32 v32, $0x0;
	v4 =	vimm.s32 $0x0;
	[tilespmem:s31+$0xCC18] =	vst v6;
	v6 =	vld [tilespmem:$0x1FF10]  }
0xb0: {  	v20 =	vsel vm9, $0xFFFFFFFF, v20;
	[tilespmem:$0x1FF30] =	vst v12;
	v12 =	vimm.s32 $0x0;
	v4 =	vsel vm8, $0xFFFFFFFF, v4  }
0xb1: {  	v12 =	vsel vm11, $0xFFFFFFFF, v12;
	vm11 =	vne.s32 v34, v11;
	[tilespmem:$0x1FFC0] =	vst v4;
	v4 =	vimm.s32 $0x0  }
0xb2: {  	[tilespmem:$0x1FF20] =	vst v20;
	v4 =	vsel vm11, $0xFFFFFFFF, v4  }
0xb3: {  	vm9 =	veq.s32 v27, $0x0;
	v27 =	vsel vm13, $0x1, v0;
	[tilespmem:$0x1FFD0] =	vst v4;
	v4 =	vld [tilespmem:$0x1FEF0];
	vm13 =	vnez.u8 v10  }
0xb4: {  	[tilespmem:s14+$0xF4E8] =	vst v41;
	v11 =	vsub.s32 v55, v53;
	v55 =	vsel vm13, $0x1, v0;
	vm13 =	vnez.u8 v6;
	v6 =	vld [tilespmem:$0x1FF20]  }
0xb5: {  	[tilespmem:s14+$0xF4A8] =	vst v17;
	vm14 =	veq.s32 v32, v1  }
0xb6: {  	vm12 =	vne.s32 v32, $0x0;
	v56 =	vsel vm14, $0x1, v0;
	[tilespmem:$0x1FF40] =	vst v12  }
0xb7: {  	v40 =	vld [tilespmem:s14+$0x37];
	vm1 =	vne.s32 v25, $0x0;
	v57 =	vsel vm12, $0x1, v0;
	[tilespmem:s14+$0xF548] =	vst v56;
	v5 =	vsub.s32 v16, v29  }
0xb8: {  	v58 =	vld [tilespmem:s14+$0x97];
	v42 =	vsel vm1, $0x1, v0;
	[tilespmem:s31+$0xCC08] =	vst v5;
	v5 =	vsub.s32 v57, v56;
	v4 =	vsub.s32 v4, v17  }
0xb9: {  	v56 =	vsel vm13, $0x1, v0;
	[tilespmem:s31+$0xCBE8] =	vst v4;
	v4 =	vsub.s32 v42, v41;
	vm13 =	vnez.u8 v6;
	v6 =	vld [tilespmem:$0x1FF30]  }
0xba: {  	[tilespmem:s31+$0xCC28] =	vst v4;
	v4 =	vld [tilespmem:$0x1FF40];
	_ =	sdelay $0x1  }
0xbb: {  	vm12 =	vne.s32 v19, v40;
	v20 =	vimm.s32 $0x0  }
0xbc: {  	vm2 =	veq.s32 v34, v1;
	v20 =	vsel vm12, $0xFFFFFFFF, v20  }
0xbd: {  	v61 =	vsel vm2, $0x1, v0;
	[tilespmem:$0x1FF50] =	vst v20;
	v57 =	vsel vm13, $0x1, v0;
	vm13 =	vnez.u8 v6  }
0xbe: {  	vm2 =	vne.s32 v30, v58;
	v58 =	vsel vm13, $0x1, v0;
	vm13 =	vnez.u8 v4;
	v4 =	vld [tilespmem:$0x1FF50];
	_ =	sdelay $0x1  }
0xbf: {  	vm14 =	veq.s32 v19, $0x0;
	v19 =	vimm.s32 $0x0  }
0xc0: {  	v19 =	vsel vm14, $0xFFFFFFFF, v19  }
0xc1: {  	[tilespmem:$0x1FF60] =	vst v19  }
0xc2: {  	[tilespmem:s14+$0xF558] =	vst v59;
	v20 =	vsub.s32 v60, v59;
	v59 =	vsel vm13, $0x1, v0;
	vm13 =	vnez.u8 v4;
	v4 =	vld [tilespmem:$0x1FF60];
	_ =	sdelay $0x4  }
0xc3: {  	v60 =	vsel vm13, $0x1, v0;
	vm13 =	vnez.u8 v4;
	v4 =	vld [tilespmem:$0x1FF70];
	_ =	sdelay $0x3  }
0xc4: {  	v62 =	vld [tilespmem:s14+$0xA7]  }
0xc5: {  	v23 =	vsub.s32 v63, v61;
	[tilespmem:s14+$0xF568] =	vst v61;
	v61 =	vsel vm13, $0x1, v0;
	vm13 =	vnez.u8 v4;
	v4 =	vld [tilespmem:$0x1FF80];
	_ =	sdelay $0x2  }
0xc6: {  	[tilespmem:$0x1FFE0] =	vst v3;
	v3 =	vld [tilespmem:$0x1FEE0]  }
0xc7: {  	[tilespmem:s14+$0xF498] =	vst v14  }
0xc8: {  	[tilespmem:s14+$0xF4B8] =	vst v24;
	vm15 =	vne.s32 v31, v62;
	v62 =	vsel vm13, $0x1, v0;
	vm13 =	vnez.u8 v4;
	v4 =	vld [tilespmem:$0x1FF90]  }
0xc9: {  	[tilespmem:s14+$0xF518] =	vst v48  }
0xca: {  	[tilespmem:s14+$0xF528] =	vst v51  }
0xcb: {  	v9 =	vld [tilespmem:s14+$0x67];
	[tilespmem:s14+$0xF508] =	vst v46;
	v3 =	vsub.s32 v3, v14  }
0xcc: {  	v54 =	vld [tilespmem:s14+$0x87];
	[tilespmem:s31+$0xCBD8] =	vst v3;
	v3 =	vsub.s32 v21, v24  }
0xcd: {  	[tilespmem:s31+$0xCBF8] =	vst v3;
	v3 =	vsub.s32 v49, v48;
	v63 =	vsel vm13, $0x1, v0;
	vm13 =	vnez.u8 v4;
	v4 =	vld [tilespmem:$0x1FFA0]  }
0xce: {  	[tilespmem:s31+$0xCC58] =	vst v3;
	v3 =	vld [tilespmem:$0x1FFB0]  }
0xcf: {  	[tilespmem:s14+$0xF538] =	vst v53  }
0xd0: {  	[tilespmem:s14+$0xF4F8] =	vst v44  }
0xd1: {  	vm12 =	vne.s32 v26, v9;
	v8 =	vsub.s32 v47, v46;
	[tilespmem:s14+$0xF578] =	vst v2  }
0xd2: {  	v9 =	vsub.s32 v52, v51;
	[tilespmem:s31+$0xCC48] =	vst v8;
	v17 =	vsel vm13, $0x1, v0;
	vm13 =	vnez.u8 v4  }
0xd3: {  	[tilespmem:s31+$0xCC68] =	vst v9;
	v18 =	vsel vm13, $0x1, v0;
	vm13 =	vnez.u8 v3;
	v3 =	vld [tilespmem:$0x1FFC0]  }
0xd4: {  	[tilespmem:s31+$0xCC78] =	vst v11  }
0xd5: {  	v12 =	vld [tilespmem:s14+$0xC7];
	[tilespmem:s31+$0xCC98] =	vst v20  }
0xd6: {  	vm1 =	vne.s32 v35, $0x0;
	v13 =	vld [tilespmem:s14+$0xB7];
	[tilespmem:s31+$0xCCA8] =	vst v23  }
0xd7: {  	v36 =	vsel vm1, $0x1, v0;
	v19 =	vsel vm12, $0x1, v0;
	[tilespmem:s31+$0x7A58] =	vst v27  }
0xd8: {  	v45 =	vsel vm3, $0x1, v0;
	v2 =	vsub.s32 v36, v2;
	[tilespmem:s31+$0xCC88] =	vst v5;
	vm12 =	vnez.u8 v3;
	v3 =	vld [tilespmem:$0x1FFD0]  }
0xd9: {  	vm10 =	veq.s32 v26, $0x0;
	[tilespmem:s31+$0xCCB8] =	vst v2;
	vm11 =	vne.s32 v35, v7;
	v7 =	vsub.s32 v45, v44  }
0xda: {  	vm1 =	vne.s32 v28, v54;
	v22 =	vsel vm10, $0x1, v0;
	vm14 =	veq.s32 v28, $0x0;
	[tilespmem:s31+$0xCC38] =	vst v7  }
0xdb: {  	vm4 =	veq.s32 v31, $0x0;
	vm7 =	veq.s32 v33, $0x0;
	vm5 =	vne.s32 v32, v13;
	v2 =	vld [tilespmem:$0x1FFF0];
	[tilespmem:s31+$0xA318] =	vst v55  }
0xdc: {  	vm3 =	veq.s32 v30, $0x0;
	v13 =	vsel vm5, $0x1, v0;
	v25 =	vsel vm9, $0x1, v0;
	[tilespmem:s31+$0x7A68] =	vst v56  }
0xdd: {  	s2 =	sadd.s32 $0x10, s2;
	v15 =	vsel vm3, $0x1, v0;
	[tilespmem:s31+$0xA328] =	vst v57;
	v26 =	vsel vm13, $0x1, v0;
	vm13 =	vnez.u8 v3;
	v3 =	vld [tilespmem:$0x1FFE0]  }
0xde: {  	p4 =	slt.u32 s2, $0x270;
	vm6 =	vne.s32 v33, v12;
	v16 =	vsel vm4, $0x1, v0;
	vm8 =	veq.s32 v34, $0x0;
	[tilespmem:s31+$0x7A78] =	vst v58  }
.Ltmp2:
0xdf: {  	v11 =	vsel vm6, $0x1, v0;
	v9 =	vsel vm7, $0x1, v0;
	v14 =	vsel vm2, $0x1, v0;
	[tilespmem:s31+$0xA338] =	vst v59;
	(pc) =	sbr.rel @p4 .LBB2_2-.Ltmp2, $4  }
0xe0: {  	v24 =	vsel vm14, $0x1, v0;
	v21 =	vsel vm15, $0x1, v0;
	vm15 =	vnez.u8 v2;
	[tilespmem:s31+$0x7A88] =	vst v60  }
0xe1: {  	v10 =	vsel vm1, $0x1, v0;
	v5 =	vsel vm11, $0x1, v0;
	v39 =	vsel vm15, $0x1, v0;
	[tilespmem:s31+$0xA348] =	vst v61  }
0xe2: {  	v6 =	vsel vm8, $0x1, v0;
	[tilespmem:s31+$0x7A98] =	vst v62;
	v12 =	vsel vm12, $0x1, v0;
	vm14 =	vnez.u8 v3  }
0xe3: {  	s1 =	simm.s32 $0x0;
	s0 =	sadd.s32 $0x400, s0;
	[tilespmem:s31+$0xA358] =	vst v63;
	v7 =	vsel vm13, $0x1, v0;
	v3 =	vsel vm0, $0x1, v0;
	v4 =	vsel vm14, $0x1, v0  }
0xe4: {  	[tilespmem:s31+$0x7AA8] =	vst v17  }
0xe5: {  	[tilespmem:s31+$0xA368] =	vst v18  }
0xe6: {  	[tilespmem:s31+$0x7AB8] =	vst v19  }
0xe7: {  	[tilespmem:s31+$0xA378] =	vst v22  }
0xe8: {  	[tilespmem:s31+$0x7AC8] =	vst v26  }
0xe9: {  	[tilespmem:s31+$0xA388] =	vst v25  }
0xea: {  	[tilespmem:s31+$0x7AD8] =	vst v10  }
0xeb: {  	[tilespmem:s31+$0xA398] =	vst v24  }
0xec: {  	[tilespmem:s31+$0x7AE8] =	vst v14  }
0xed: {  	[tilespmem:s31+$0xA3A8] =	vst v15  }
0xee: {  	[tilespmem:s31+$0x7AF8] =	vst v21  }
0xef: {  	[tilespmem:s31+$0xA3B8] =	vst v16  }
0xf0: {  	[tilespmem:s31+$0x7B08] =	vst v13  }
0xf1: {  	[tilespmem:s31+$0xA3C8] =	vst v12  }
0xf2: {  	[tilespmem:s31+$0x7B18] =	vst v11  }
0xf3: {  	[tilespmem:s31+$0xA3D8] =	vst v9  }
0xf4: {  	[tilespmem:s31+$0x7B28] =	vst v7  }
0xf5: {  	[tilespmem:s31+$0xA3E8] =	vst v6  }
0xf6: {  	[tilespmem:s31+$0x7B38] =	vst v5  }
0xf7: {  	[tilespmem:s31+$0xA3F8] =	vst v4  }
0xf8: {  	[tilespmem:s31+$0x7B48] =	vst v3  }
0xf9: {  	[tilespmem:s31+$0xA408] =	vst v39  }
.LBB2_4:
0xfa: {  	s0 =	sshra.s32 s1, $0x2  }
0xfb: {  	v2 =	vld [tilespmem:s0+$0x2808]  }
0xfc: {  	v3 =	vld [tilespmem:s0+$0x2807];
	_ =	sdelay $0x4  }
0xfd: {  	p4 =	sne.s32 s1, $0x2C0;
	vm0 =	vne.s32 v2, v3  }
.Ltmp3:
0xfe: {  	vm1 =	veq.s32 v2, $0x0;
	v3 =	vsel vm0, $0x1, v0;
	(pc) =	sbr.rel @p4 .LBB2_4-.Ltmp3, $4  }
0xff: {  	vm15 =	vne.s32 v2, $0x0;
	vm2 =	veq.s32 v2, v1;
	v2 =	vsel vm1, $0x1, v0;
	[tilespmem:s0+$0xA258] =	vst v3  }
0x100: {  	v4 =	vsel vm2, $0x1, v0;
	v5 =	vsel vm15, $0x1, v0;
	[tilespmem:s0+$0xCB18] =	vst v2  }
0x101: {  	v3 =	vsub.s32 v5, v4;
	[tilespmem:s0+$0x11C98] =	vst v4  }
0x102: {  	s1 =	sadd.s32 $0x40, s1;
	[tilespmem:s0+$0xF3D8] =	vst v3  }
0x103: {  	s31 =	simm.s32 $0x0  }
0x104: {  	[hbm4b:s6+s31] =	stream.linear.scatter [tilespmem:s25], [sflag:$0x1], $0x28C0, $0x38;
	[tilespmem:$0x1C058] =	vst v63  }
0x105: {  	_ = 	snop  }
0x106: {  	[hbm4b:s7+s31] =	stream.linear.scatter [tilespmem:s26], [sflag:$0x1], $0x28C0, $0x38;
	[tilespmem:$0x1C058] =	vst v63  }
0x107: {  	_ = 	snop  }
0x108: {  	[hbm4b:s8+s31] =	stream.linear.scatter [tilespmem:s28], [sflag:$0x1], $0x28C0, $0x38;
	[tilespmem:$0x1C058] =	vst v63  }
0x109: {  	s2 =	simm.s32 $0x0  }
0x10a: {  	[hbm4b:s9+s31] =	stream.linear.scatter [tilespmem:s29], [sflag:$0x1], $0x28C0, $0x38;
	[tilespmem:$0x1C058] =	vst v63  }
0x10b: {  	v2 =	vld [tilespmem:s2+$0x29B8]  }
0x10c: {  	v15 =	vld [tilespmem:s2+$0x28C8]  }
0x10d: {  	v16 =	vld [tilespmem:s2+$0x28D8]  }
0x10e: {  	v17 =	vld [tilespmem:s2+$0x28E8]  }
0x10f: {  	v14 =	vld [tilespmem:s2+$0x28F8]  }
0x110: {  	v13 =	vld [tilespmem:s2+$0x2908]  }
0x111: {  	v12 =	vld [tilespmem:s2+$0x2918]  }
0x112: {  	v11 =	vld [tilespmem:s2+$0x2928]  }
0x113: {  	vm0 =	vne.s32 v2, $0x0;
	vm1 =	veq.s32 v2, v1;
	vm2 =	vne.s32 v15, $0x0  }
0x114: {  	vm5 =	veq.s32 v15, v1;
	vm6 =	vne.s32 v16, $0x0;
	vm7 =	veq.s32 v16, v1  }
0x115: {  	vm8 =	vne.s32 v17, $0x0;
	vm9 =	veq.s32 v17, v1;
	vm10 =	vne.s32 v14, $0x0  }
0x116: {  	vm11 =	veq.s32 v14, v1;
	vm12 =	vne.s32 v13, $0x0;
	vm13 =	veq.s32 v13, v1  }
0x117: {  	vm14 =	vne.s32 v12, $0x0;
	vm15 =	veq.s32 v12, v1;
	vm4 =	vne.s32 v11, $0x0  }
0x118: {  	v10 =	vld [tilespmem:s2+$0x2938];
	vm3 =	veq.s32 v15, $0x0;
	v18 =	vsel vm1, $0x1, v0;
	v19 =	vsel vm5, $0x1, v0  }
0x119: {  	v9 =	vld [tilespmem:s2+$0x2948];
	v3 =	vsel vm0, $0x1, v0;
	v20 =	vsel vm2, $0x1, v0;
	v21 =	vsel vm7, $0x1, v0;
	[tilespmem:s2+$0x19798] =	vst v19  }
0x11a: {  	v8 =	vld [tilespmem:s2+$0x2958];
	v22 =	vsel vm6, $0x1, v0;
	v23 =	vsel vm9, $0x1, v0;
	v24 =	vsel vm8, $0x1, v0;
	[tilespmem:s2+$0x197A8] =	vst v21  }
0x11b: {  	v7 =	vld [tilespmem:s2+$0x2968];
	v25 =	vsel vm11, $0x1, v0;
	v26 =	vsel vm10, $0x1, v0;
	v27 =	vsel vm13, $0x1, v0;
	[tilespmem:s2+$0x197B8] =	vst v23  }
0x11c: {  	v5 =	vld [tilespmem:s2+$0x2978];
	v28 =	vsel vm12, $0x1, v0;
	v29 =	vsel vm15, $0x1, v0;
	vm5 =	veq.s32 v11, v1;
	[tilespmem:s2+$0x197C8] =	vst v25  }
0x11d: {  	v4 =	vld [tilespmem:s2+$0x2988];
	v31 =	vsel vm14, $0x1, v0;
	vm6 =	vne.s32 v10, $0x0;
	vm7 =	veq.s32 v10, v1;
	[tilespmem:s2+$0x197D8] =	vst v27  }
0x11e: {  	v34 =	vsel vm4, $0x1, v0;
	vm8 =	vne.s32 v9, $0x0;
	vm9 =	veq.s32 v9, v1;
	[tilespmem:s2+$0x197E8] =	vst v29  }
0x11f: {  	vm10 =	vne.s32 v8, $0x0;
	vm11 =	veq.s32 v8, v1;
	v3 =	vsub.s32 v3, v18;
	[tilespmem:s2+$0x19888] =	vst v18  }
0x120: {  	vm12 =	vne.s32 v7, $0x0;
	vm13 =	veq.s32 v7, v1;
	v33 =	vsel vm5, $0x1, v0;
	[tilespmem:s2+$0x16FC8] =	vst v3  }
0x121: {  	v6 =	vld [tilespmem:s2+$0x2998];
	vm14 =	vne.s32 v5, $0x0;
	vm15 =	veq.s32 v5, v1;
	v36 =	vsel vm7, $0x1, v0;
	[tilespmem:s2+$0x197F8] =	vst v33  }
0x122: {  	v30 =	vld [tilespmem:s2+$0x28C7];
	vm4 =	vne.s32 v4, $0x0;
	vm0 =	veq.s32 v2, $0x0;
	v39 =	vsel vm9, $0x1, v0;
	[tilespmem:s2+$0x19808] =	vst v36  }
0x123: {  	v32 =	vld [tilespmem:s2+$0x28D7];
	v38 =	vsel vm6, $0x1, v0;
	v41 =	vsel vm8, $0x1, v0;
	v42 =	vsel vm11, $0x1, v0;
	[tilespmem:s2+$0x19818] =	vst v39  }
0x124: {  	v35 =	vld [tilespmem:s2+$0x28E7];
	v44 =	vsel vm10, $0x1, v0;
	v46 =	vsel vm13, $0x1, v0;
	v47 =	vsel vm12, $0x1, v0;
	[tilespmem:s2+$0x19828] =	vst v42  }
0x125: {  	v49 =	vsel vm15, $0x1, v0;
	vm5 =	veq.s32 v4, v1;
	v51 =	vsel vm14, $0x1, v0;
	[tilespmem:s2+$0x19838] =	vst v46  }
0x126: {  	vm6 =	veq.s32 v6, v1;
	vm7 =	vne.s32 v6, $0x0;
	v19 =	vsub.s32 v20, v19;
	[tilespmem:s2+$0x19848] =	vst v49  }
0x127: {  	v56 =	vsel vm4, $0x1, v0;
	vm10 =	vne.s32 v15, v30;
	v18 =	vsub.s32 v22, v21;
	[tilespmem:s2+$0x16ED8] =	vst v19  }
0x128: {  	vm11 =	vne.s32 v16, v32;
	vm12 =	veq.s32 v16, $0x0;
	v16 =	vsub.s32 v24, v23;
	[tilespmem:s2+$0x16EE8] =	vst v18  }
0x129: {  	v40 =	vld [tilespmem:s2+$0x2937];
	vm13 =	vne.s32 v17, v35;
	vm14 =	veq.s32 v17, $0x0;
	v17 =	vsub.s32 v28, v27;
	[tilespmem:s2+$0x16EF8] =	vst v16  }
0x12a: {  	v43 =	vld [tilespmem:s2+$0x2947];
	v21 =	vsel vm3, $0x1, v0;
	vm4 =	veq.s32 v14, $0x0;
	v52 =	vsel vm5, $0x1, v0;
	[tilespmem:s2+$0x16F18] =	vst v17  }
0x12b: {  	v54 =	vsel vm6, $0x1, v0;
	v59 =	vsel vm7, $0x1, v0;
	v60 =	vsel vm10, $0x1, v0;
	[tilespmem:s2+$0x14618] =	vst v21  }
0x12c: {  	v24 =	vsel vm11, $0x1, v0;
	v18 =	vsub.s32 v26, v25;
	v32 =	vsel vm12, $0x1, v0;
	[tilespmem:s2+$0x19858] =	vst v52  }
0x12d: {  	v55 =	vld [tilespmem:s2+$0x2997];
	v27 =	vsel vm13, $0x1, v0;
	v17 =	vsub.s32 v38, v36;
	v61 =	vsel vm4, $0x1, v0;
	[tilespmem:s2+$0x19868] =	vst v54  }
0x12e: {  	v20 =	vld [tilespmem:s2+$0x28F7];
	vm6 =	veq.s32 v13, $0x0;
	vm10 =	veq.s32 v11, $0x0;
	vm11 =	vne.s32 v10, v40;
	[tilespmem:s2+$0x16F08] =	vst v18  }
0x12f: {  	v3 =	vld [tilespmem:s2+$0x29A8];
	vm12 =	veq.s32 v10, $0x0;
	vm13 =	vne.s32 v9, v43;
	vm4 =	veq.s32 v8, $0x0;
	[tilespmem:s2+$0x16F48] =	vst v17  }
0x130: {  	v19 =	vld [tilespmem:s2+$0x2907];
	v18 =	vsub.s32 v31, v29;
	v63 =	vsel vm6, $0x1, v0;
	v22 =	vsel vm10, $0x1, v0;
	[tilespmem:s2+$0x11D58] =	vst v60  }
0x131: {  	v16 =	vld [tilespmem:s2+$0x2917];
	v26 =	vsel vm11, $0x1, v0;
	v25 =	vsel vm12, $0x1, v0;
	vm6 =	veq.s32 v7, $0x0;
	[tilespmem:s2+$0x11D68] =	vst v24  }
0x132: {  	v45 =	vld [tilespmem:s2+$0x2957];
	[tilespmem:s2+$0x14628] =	vst v32;
	vm10 =	veq.s32 v4, $0x0;
	vm11 =	vne.s32 v6, v55;
	vm12 =	veq.s32 v6, $0x0  }
0x133: {  	[tilespmem:s2+$0x11D78] =	vst v27;
	v6 =	vsel vm12, $0x1, v0;
	vm15 =	vne.s32 v14, v20;
	v20 =	vsel vm14, $0x1, v0  }
0x134: {  	[tilespmem:s2+$0x14648] =	vst v61;
	v14 =	vsub.s32 v34, v33;
	vm14 =	veq.s32 v9, $0x0;
	v9 =	vsel vm10, $0x1, v0  }
0x135: {  	v37 =	vld [tilespmem:s2+$0x2927];
	[tilespmem:s2+$0x16F28] =	vst v18;
	vm8 =	veq.s32 v3, v1;
	vm9 =	vne.s32 v3, $0x0;
	v28 =	vsel vm15, $0x1, v0  }
0x136: {  	v48 =	vld [tilespmem:s2+$0x2967];
	[tilespmem:s2+$0x14658] =	vst v63;
	vm5 =	vne.s32 v13, v19;
	v13 =	vsub.s32 v41, v39;
	vm7 =	vne.s32 v12, v16  }
0x137: {  	v50 =	vld [tilespmem:s2+$0x2977];
	[tilespmem:s2+$0x16F38] =	vst v14;
	v14 =	vsub.s32 v44, v42;
	vm15 =	vne.s32 v8, v45;
	v23 =	vsel vm14, $0x1, v0  }
0x138: {  	v16 =	vsel vm6, $0x1, v0;
	[tilespmem:s2+$0x14638] =	vst v20;
	vm14 =	veq.s32 v3, $0x0;
	v39 =	vsel vm0, $0x1, v0  }
0x139: {  	v57 =	vsel vm8, $0x1, v0;
	v15 =	vsel vm9, $0x1, v0;
	v62 =	vsel vm5, $0x1, v0;
	[tilespmem:s2+$0x16F58] =	vst v13  }
0x13a: {  	v53 =	vld [tilespmem:s2+$0x2987];
	vm8 =	veq.s32 v12, $0x0;
	v12 =	vsub.s32 v47, v46;
	[tilespmem:s2+$0x16F68] =	vst v14;
	v17 =	vsel vm7, $0x1, v0  }
0x13b: {  	v30 =	vld [tilespmem:s2+$0x29B7];
	vm9 =	vne.s32 v11, v37;
	v13 =	vsub.s32 v51, v49;
	v11 =	vsub.s32 v56, v52;
	[tilespmem:s2+$0x11D88] =	vst v28  }
0x13c: {  	v58 =	vld [tilespmem:s2+$0x29A7];
	vm5 =	vne.s32 v7, v48;
	vm7 =	vne.s32 v5, v50;
	v7 =	vsel vm11, $0x1, v0;
	[tilespmem:s2+$0x19878] =	vst v57  }
0x13d: {  	[tilespmem:s2+$0x16F78] =	vst v12;
	v18 =	vsel vm8, $0x1, v0;
	v19 =	vsel vm9, $0x1, v0;
	v12 =	vsub.s32 v59, v54  }
0x13e: {  	[tilespmem:s2+$0x16F88] =	vst v13;
	v10 =	vsub.s32 v15, v57;
	v13 =	vsel vm15, $0x1, v0;
	v15 =	vsel vm4, $0x1, v0  }
0x13f: {  	[tilespmem:s2+$0x16F98] =	vst v11;
	v21 =	vsel vm5, $0x1, v0;
	vm8 =	veq.s32 v5, $0x0;
	v14 =	vsel vm7, $0x1, v0  }
0x140: {  	vm9 =	vne.s32 v4, v53;
	vm15 =	vne.s32 v2, v30;
	v4 =	vsel vm14, $0x1, v0;
	[tilespmem:s2+$0x16FA8] =	vst v12  }
0x141: {  	[tilespmem:s2+$0x16FB8] =	vst v10;
	v10 =	vsel vm13, $0x1, v0;
	v12 =	vsel vm8, $0x1, v0;
	vm13 =	vne.s32 v3, v58  }
0x142: {  	s0 =	simm.s32 $0x0;
	s1 =	simm.s32 $0x400;
	[tilespmem:s2+$0x11D98] =	vst v62;
	v11 =	vsel vm9, $0x1, v0;
	v3 =	vsel vm15, $0x1, v0;
	v5 =	vsel vm13, $0x1, v0  }
.LBB2_6:
0x143: {  	s14 =	sshra.s32 s1, $0x2  }
0x144: {  	[tilespmem:s2+$0x11DA8] =	vst v17;
	v8 =	vld [tilespmem:s14+$0x29B8]  }
0x145: {  	[tilespmem:s2+$0x14668] =	vst v18;
	v24 =	vld [tilespmem:s14+$0x28C8]  }
0x146: {  	[tilespmem:s2+$0x11DB8] =	vst v19;
	v20 =	vld [tilespmem:s14+$0x28D8]  }
0x147: {  	[tilespmem:s2+$0x14678] =	vst v22;
	v22 =	vld [tilespmem:s14+$0x28E8]  }
0x148: {  	[tilespmem:s2+$0x11DC8] =	vst v26;
	v19 =	vld [tilespmem:s14+$0x28F8]  }
0x149: {  	[tilespmem:s2+$0x14688] =	vst v25;
	v18 =	vld [tilespmem:s14+$0x2908]  }
0x14a: {  	[tilespmem:s2+$0x11DD8] =	vst v10;
	v25 =	vld [tilespmem:s14+$0x2918]  }
0x14b: {  	[tilespmem:s2+$0x14698] =	vst v23;
	v26 =	vld [tilespmem:s14+$0x2928]  }
0x14c: {  	[tilespmem:s2+$0x11DE8] =	vst v13;
	v27 =	vld [tilespmem:s14+$0x2938]  }
0x14d: {  	[tilespmem:s2+$0x146A8] =	vst v15;
	v28 =	vld [tilespmem:s14+$0x2948]  }
0x14e: {  	v2 =	vimm.s32 $0x0;
	v30 =	vld [tilespmem:s14+$0x2958];
	vm0 =	vne.s32 v8, $0x0  }
0x14f: {  	vm1 =	veq.s32 v8, $0x0;
	vm12 =	veq.s32 v8, v1;
	vm3 =	vne.s32 v24, $0x0  }
0x150: {  	vm13 =	veq.s32 v24, v1;
	vm4 =	vne.s32 v20, $0x0;
	vm5 =	veq.s32 v20, v1  }
0x151: {  	vm6 =	veq.s32 v22, v1;
	vm11 =	vne.s32 v19, $0x0;
	vm2 =	veq.s32 v19, v1  }
0x152: {  	v31 =	vld [tilespmem:s14+$0x2968];
	[tilespmem:s2+$0x11DF8] =	vst v21;
	vm9 =	vne.s32 v18, $0x0;
	vm10 =	veq.s32 v25, v1;
	vm14 =	vne.s32 v26, $0x0  }
0x153: {  	v32 =	vld [tilespmem:s14+$0x2978];
	[tilespmem:s2+$0x146B8] =	vst v16;
	vm15 =	vne.s32 v27, $0x0;
	vm7 =	veq.s32 v28, v1;
	vm8 =	veq.s32 v30, v1  }
0x154: {  	v33 =	vld [tilespmem:s14+$0x2988];
	[tilespmem:s2+$0x11E08] =	vst v14;
	v2 =	vsel vm1, $0xFFFFFFFF, v2;
	v10 =	vsel vm12, $0x1, v0;
	v17 =	vsel vm0, $0x1, v0  }
0x155: {  	v34 =	vld [tilespmem:s14+$0x2998];
	[tilespmem:s2+$0x146C8] =	vst v12;
	vm0 =	vne.s32 v22, $0x0;
	v13 =	vsel vm13, $0x1, v0;
	vm12 =	veq.s32 v18, v1  }
0x156: {  	[tilespmem:s2+$0x11E18] =	vst v11;
	v23 =	vsel vm6, $0x1, v0;
	vm6 =	veq.s32 v27, v1;
	v29 =	vsel vm2, $0x1, v0  }
0x157: {  	v14 =	vld [tilespmem:s14+$0x28C7];
	v16 =	vsel vm11, $0x1, v0;
	vm11 =	vne.s32 v31, $0x0;
	[tilespmem:$0x1FEB0] =	vst v2;
	v2 =	vsel vm3, $0x1, v0  }
0x158: {  	v37 =	vld [tilespmem:s14+$0x28D7];
	vm13 =	veq.s32 v31, v1;
	v15 =	vsel vm9, $0x1, v0;
	[tilespmem:$0x1FDA0] =	vst v2;
	v2 =	vsel vm4, $0x1, v0  }
0x159: {  	vm9 =	vne.s32 v33, $0x0;
	v41 =	vsel vm10, $0x1, v0;
	[tilespmem:$0x1FDB0] =	vst v2;
	v2 =	vimm.s32 $0x0  }
0x15a: {  	[tilespmem:s2+$0x146D8] =	vst v9;
	vm10 =	vne.s32 v34, $0x0;
	v48 =	vsel vm7, $0x1, v0;
	v2 =	vsel vm14, $0xFFFFFFFF, v2  }
0x15b: {  	v11 =	vld [tilespmem:s14+$0x2907];
	vm7 =	veq.s32 v24, $0x0;
	v53 =	vsel vm13, $0x1, v0;
	[tilespmem:$0x1FD80] =	vst v2;
	v2 =	vimm.s32 $0x0  }
0x15c: {  	v35 =	vld [tilespmem:s14+$0x29A8];
	[tilespmem:s14+$0x197C8] =	vst v29;
	vm13 =	vne.s32 v24, v14;
	v14 =	vimm.s32 $0x0;
	v2 =	vsel vm15, $0xFFFFFFFF, v2  }
0x15d: {  	v51 =	vsel vm8, $0x1, v0;
	vm8 =	vne.s32 v20, v37;
	v14 =	vsel vm7, $0xFFFFFFFF, v14;
	[tilespmem:$0x1FD90] =	vst v2;
	v2 =	vld [tilespmem:$0x1FD80]  }
0x15e: {  	v17 =	vsub.s32 v17, v10;
	vm3 =	veq.s32 v26, v1;
	[tilespmem:$0x1FDC0] =	vst v14;
	v14 =	vimm.s32 $0x0  }
0x15f: {  	v50 =	vld [tilespmem:s14+$0x2937];
	v38 =	vsel vm12, $0x1, v0;
	[tilespmem:s14+$0x16FC8] =	vst v17;
	v14 =	vsel vm8, $0xFFFFFFFF, v14;
	vm15 =	veq.s32 v33, v1  }
0x160: {  	[tilespmem:s14+$0x197D8] =	vst v38;
	v59 =	vsel vm15, $0x1, v0;
	vm15 =	vne.s32 v18, v11;
	v11 =	vimm.s32 $0x0  }
0x161: {  	v43 =	vld [tilespmem:s14+$0x2917];
	v21 =	vsel vm0, $0x1, v0;
	vm0 =	veq.s32 v35, v1;
	[tilespmem:$0x1FDD0] =	vst v14;
	v11 =	vsel vm15, $0xFFFFFFFF, v11  }
0x162: {  	vm4 =	vne.s32 v28, $0x0;
	v44 =	vsel vm3, $0x1, v0;
	[tilespmem:$0x1FE30] =	vst v11;
	vm3 =	vnez.u8 v2;
	v2 =	vld [tilespmem:$0x1FD90]  }
0x163: {  	v49 =	vsel vm4, $0x1, v0;
	vm4 =	veq.s32 v18, $0x0;
	v11 =	vld [tilespmem:s14+$0x2997];
	[tilespmem:s2+$0x11E28] =	vst v7;
	v7 =	vimm.s32 $0x0  }
0x164: {  	vm7 =	vne.s32 v27, v50;
	[tilespmem:s2+$0x146E8] =	vst v6;
	v6 =	vimm.s32 $0x0;
	v7 =	vsel vm4, $0xFFFFFFFF, v7  }
0x165: {  	v17 =	vsel vm5, $0x1, v0;
	vm5 =	vne.s32 v30, $0x0;
	v6 =	vsel vm7, $0xFFFFFFFF, v6;
	[tilespmem:$0x1FE40] =	vst v7  }
0x166: {  	v12 =	vld [tilespmem:s14+$0x28E7];
	v52 =	vsel vm5, $0x1, v0;
	vm5 =	vne.s32 v25, v43;
	v7 =	vimm.s32 $0x0;
	[tilespmem:$0x1FE70] =	vst v6  }
0x167: {  	v46 =	vsel vm6, $0x1, v0;
	v6 =	vld [tilespmem:s14+$0x29B7];
	[tilespmem:s2+$0x11E48] =	vst v3;
	v7 =	vsel vm5, $0xFFFFFFFF, v7;
	vm6 =	vnez.u8 v2  }
0x168: {  	[tilespmem:$0x1FE50] =	vst v7;
	v7 =	vimm.s32 $0x0;
	v47 =	vsel vm6, $0x1, v0;
	vm6 =	veq.s32 v25, $0x0  }
0x169: {  	v55 =	vsel vm11, $0x1, v0;
	v60 =	vsel vm9, $0x1, v0;
	[tilespmem:s2+$0x14708] =	vst v39;
	v7 =	vsel vm6, $0xFFFFFFFF, v7  }
0x16a: {  	v63 =	vsel vm10, $0x1, v0;
	vm9 =	veq.s32 v20, $0x0;
	v20 =	vimm.s32 $0x0;
	[tilespmem:$0x1FE60] =	vst v7  }
0x16b: {  	vm10 =	vne.s32 v22, v12;
	v12 =	vimm.s32 $0x0;
	vm11 =	veq.s32 v22, $0x0;
	v7 =	vld [tilespmem:s14+$0x29A7];
	[tilespmem:s2+$0x11E38] =	vst v5  }
0x16c: {  	v3 =	vimm.s32 $0x0;
	v2 =	vsel vm0, $0x1, v0;
	vm0 =	veq.s32 v35, $0x0;
	[tilespmem:s2+$0x146F8] =	vst v4;
	s2 =	smov.u32 s14  }
0x16d: {  	v3 =	vsel vm0, $0xFFFFFFFF, v3;
	vm0 =	vne.s32 v8, v6;
	v6 =	vsub.s32 v15, v38;
	[tilespmem:s2+$0x19888] =	vst v10;
	v10 =	vld [tilespmem:$0x1FDC0]  }
0x16e: {  	v12 =	vsel vm10, $0xFFFFFFFF, v12;
	vm8 =	veq.s32 v32, $0x0;
	v4 =	vimm.s32 $0x0;
	[tilespmem:s2+$0x16F18] =	vst v6;
	v6 =	vld [tilespmem:$0x1FDD0]  }
0x16f: {  	v20 =	vsel vm9, $0xFFFFFFFF, v20;
	[tilespmem:$0x1FDF0] =	vst v12;
	v12 =	vimm.s32 $0x0;
	v4 =	vsel vm8, $0xFFFFFFFF, v4  }
0x170: {  	v12 =	vsel vm11, $0xFFFFFFFF, v12;
	vm11 =	vne.s32 v34, v11;
	[tilespmem:$0x1FE80] =	vst v4;
	v4 =	vimm.s32 $0x0  }
0x171: {  	[tilespmem:$0x1FDE0] =	vst v20;
	v4 =	vsel vm11, $0xFFFFFFFF, v4  }
0x172: {  	vm9 =	veq.s32 v27, $0x0;
	v27 =	vsel vm13, $0x1, v0;
	[tilespmem:$0x1FE90] =	vst v4;
	v4 =	vld [tilespmem:$0x1FDB0];
	vm13 =	vnez.u8 v10  }
0x173: {  	[tilespmem:s14+$0x197E8] =	vst v41;
	v11 =	vsub.s32 v55, v53;
	v55 =	vsel vm13, $0x1, v0;
	vm13 =	vnez.u8 v6;
	v6 =	vld [tilespmem:$0x1FDE0]  }
0x174: {  	[tilespmem:s14+$0x197A8] =	vst v17;
	vm14 =	veq.s32 v32, v1  }
0x175: {  	vm12 =	vne.s32 v32, $0x0;
	v56 =	vsel vm14, $0x1, v0;
	[tilespmem:$0x1FE00] =	vst v12  }
0x176: {  	v40 =	vld [tilespmem:s14+$0x28F7];
	vm1 =	vne.s32 v25, $0x0;
	v57 =	vsel vm12, $0x1, v0;
	[tilespmem:s14+$0x19848] =	vst v56;
	v5 =	vsub.s32 v16, v29  }
0x177: {  	v58 =	vld [tilespmem:s14+$0x2957];
	v42 =	vsel vm1, $0x1, v0;
	[tilespmem:s2+$0x16F08] =	vst v5;
	v5 =	vsub.s32 v57, v56;
	v4 =	vsub.s32 v4, v17  }
0x178: {  	v56 =	vsel vm13, $0x1, v0;
	[tilespmem:s2+$0x16EE8] =	vst v4;
	v4 =	vsub.s32 v42, v41;
	vm13 =	vnez.u8 v6;
	v6 =	vld [tilespmem:$0x1FDF0]  }
0x179: {  	[tilespmem:s2+$0x16F28] =	vst v4;
	v4 =	vld [tilespmem:$0x1FE00];
	_ =	sdelay $0x1  }
0x17a: {  	vm12 =	vne.s32 v19, v40;
	v20 =	vimm.s32 $0x0  }
0x17b: {  	vm2 =	veq.s32 v34, v1;
	v20 =	vsel vm12, $0xFFFFFFFF, v20  }
0x17c: {  	v61 =	vsel vm2, $0x1, v0;
	[tilespmem:$0x1FE10] =	vst v20;
	v57 =	vsel vm13, $0x1, v0;
	vm13 =	vnez.u8 v6  }
0x17d: {  	vm2 =	vne.s32 v30, v58;
	v58 =	vsel vm13, $0x1, v0;
	vm13 =	vnez.u8 v4;
	v4 =	vld [tilespmem:$0x1FE10];
	_ =	sdelay $0x1  }
0x17e: {  	vm14 =	veq.s32 v19, $0x0;
	v19 =	vimm.s32 $0x0  }
0x17f: {  	v19 =	vsel vm14, $0xFFFFFFFF, v19  }
0x180: {  	[tilespmem:$0x1FE20] =	vst v19  }
0x181: {  	[tilespmem:s14+$0x19858] =	vst v59;
	v20 =	vsub.s32 v60, v59;
	v59 =	vsel vm13, $0x1, v0;
	vm13 =	vnez.u8 v4;
	v4 =	vld [tilespmem:$0x1FE20];
	_ =	sdelay $0x4  }
0x182: {  	v60 =	vsel vm13, $0x1, v0;
	vm13 =	vnez.u8 v4;
	v4 =	vld [tilespmem:$0x1FE30];
	_ =	sdelay $0x3  }
0x183: {  	v62 =	vld [tilespmem:s14+$0x2967]  }
0x184: {  	v24 =	vsub.s32 v63, v61;
	[tilespmem:s14+$0x19868] =	vst v61;
	v61 =	vsel vm13, $0x1, v0;
	vm13 =	vnez.u8 v4;
	v4 =	vld [tilespmem:$0x1FE40];
	_ =	sdelay $0x2  }
0x185: {  	[tilespmem:$0x1FEA0] =	vst v3;
	v3 =	vld [tilespmem:$0x1FDA0]  }
0x186: {  	[tilespmem:s14+$0x19798] =	vst v13  }
0x187: {  	[tilespmem:s14+$0x197B8] =	vst v23;
	vm15 =	vne.s32 v31, v62;
	v62 =	vsel vm13, $0x1, v0;
	vm13 =	vnez.u8 v4;
	v4 =	vld [tilespmem:$0x1FE50]  }
0x188: {  	[tilespmem:s14+$0x19818] =	vst v48  }
0x189: {  	[tilespmem:s14+$0x19828] =	vst v51  }
0x18a: {  	v9 =	vld [tilespmem:s14+$0x2927];
	[tilespmem:s14+$0x19808] =	vst v46;
	v3 =	vsub.s32 v3, v13  }
0x18b: {  	v54 =	vld [tilespmem:s14+$0x2947];
	[tilespmem:s2+$0x16ED8] =	vst v3;
	v3 =	vsub.s32 v21, v23  }
0x18c: {  	[tilespmem:s2+$0x16EF8] =	vst v3;
	v3 =	vsub.s32 v49, v48;
	v63 =	vsel vm13, $0x1, v0;
	vm13 =	vnez.u8 v4;
	v4 =	vld [tilespmem:$0x1FE60]  }
0x18d: {  	[tilespmem:s2+$0x16F58] =	vst v3;
	v3 =	vld [tilespmem:$0x1FE70]  }
0x18e: {  	[tilespmem:s14+$0x19838] =	vst v53  }
0x18f: {  	[tilespmem:s14+$0x197F8] =	vst v44  }
0x190: {  	vm12 =	vne.s32 v26, v9;
	v8 =	vsub.s32 v47, v46;
	[tilespmem:s14+$0x19878] =	vst v2  }
0x191: {  	v9 =	vsub.s32 v52, v51;
	[tilespmem:s2+$0x16F48] =	vst v8;
	v17 =	vsel vm13, $0x1, v0;
	vm13 =	vnez.u8 v4  }
0x192: {  	[tilespmem:s2+$0x16F68] =	vst v9;
	v18 =	vsel vm13, $0x1, v0;
	vm13 =	vnez.u8 v3;
	v3 =	vld [tilespmem:$0x1FE80]  }
0x193: {  	[tilespmem:s2+$0x16F78] =	vst v11  }
0x194: {  	v12 =	vld [tilespmem:s14+$0x2987];
	[tilespmem:s2+$0x16F98] =	vst v20  }
0x195: {  	vm1 =	vne.s32 v35, $0x0;
	v14 =	vld [tilespmem:s14+$0x2977];
	[tilespmem:s2+$0x16FA8] =	vst v24  }
0x196: {  	v36 =	vsel vm1, $0x1, v0;
	v19 =	vsel vm12, $0x1, v0;
	[tilespmem:s2+$0x11D58] =	vst v27  }
0x197: {  	v45 =	vsel vm3, $0x1, v0;
	v2 =	vsub.s32 v36, v2;
	[tilespmem:s2+$0x16F88] =	vst v5;
	vm12 =	vnez.u8 v3;
	v3 =	vld [tilespmem:$0x1FE90]  }
0x198: {  	vm10 =	veq.s32 v26, $0x0;
	[tilespmem:s2+$0x16FB8] =	vst v2;
	vm11 =	vne.s32 v35, v7;
	v7 =	vsub.s32 v45, v44  }
0x199: {  	vm1 =	vne.s32 v28, v54;
	v22 =	vsel vm10, $0x1, v0;
	vm14 =	veq.s32 v28, $0x0;
	[tilespmem:s2+$0x16F38] =	vst v7  }
0x19a: {  	vm4 =	veq.s32 v31, $0x0;
	vm7 =	veq.s32 v33, $0x0;
	vm5 =	vne.s32 v32, v14;
	v2 =	vld [tilespmem:$0x1FEB0];
	[tilespmem:s2+$0x14618] =	vst v55  }
0x19b: {  	vm3 =	veq.s32 v30, $0x0;
	v14 =	vsel vm5, $0x1, v0;
	v25 =	vsel vm9, $0x1, v0;
	[tilespmem:s2+$0x11D68] =	vst v56  }
0x19c: {  	s0 =	sadd.s32 $0x10, s0;
	v15 =	vsel vm3, $0x1, v0;
	[tilespmem:s2+$0x14628] =	vst v57;
	v26 =	vsel vm13, $0x1, v0;
	vm13 =	vnez.u8 v3;
	v3 =	vld [tilespmem:$0x1FEA0]  }
0x19d: {  	p4 =	slt.u32 s0, $0x270;
	vm6 =	vne.s32 v33, v12;
	v16 =	vsel vm4, $0x1, v0;
	vm8 =	veq.s32 v34, $0x0;
	[tilespmem:s2+$0x11D78] =	vst v58  }
.Ltmp4:
0x19e: {  	v11 =	vsel vm6, $0x1, v0;
	v9 =	vsel vm7, $0x1, v0;
	v13 =	vsel vm2, $0x1, v0;
	[tilespmem:s2+$0x14638] =	vst v59;
	(pc) =	sbr.rel @p4 .LBB2_6-.Ltmp4, $4  }
0x19f: {  	v23 =	vsel vm14, $0x1, v0;
	v21 =	vsel vm15, $0x1, v0;
	vm15 =	vnez.u8 v2;
	[tilespmem:s2+$0x11D88] =	vst v60  }
0x1a0: {  	v10 =	vsel vm1, $0x1, v0;
	v5 =	vsel vm11, $0x1, v0;
	v39 =	vsel vm15, $0x1, v0;
	[tilespmem:s2+$0x14648] =	vst v61  }
0x1a1: {  	v6 =	vsel vm8, $0x1, v0;
	[tilespmem:s2+$0x11D98] =	vst v62;
	v12 =	vsel vm12, $0x1, v0;
	vm14 =	vnez.u8 v3  }
0x1a2: {  	s1 =	sadd.s32 $0x400, s1;
	[tilespmem:s2+$0x14658] =	vst v63;
	v7 =	vsel vm13, $0x1, v0;
	v3 =	vsel vm0, $0x1, v0;
	v4 =	vsel vm14, $0x1, v0  }
0x1a3: {  	[tilespmem:s2+$0x11DA8] =	vst v17  }
0x1a4: {  	[tilespmem:s2+$0x14668] =	vst v18  }
0x1a5: {  	[tilespmem:s2+$0x11DB8] =	vst v19  }
0x1a6: {  	[tilespmem:s2+$0x14678] =	vst v22  }
0x1a7: {  	[tilespmem:s2+$0x11DC8] =	vst v26  }
0x1a8: {  	[tilespmem:s2+$0x14688] =	vst v25  }
0x1a9: {  	[tilespmem:s2+$0x11DD8] =	vst v10  }
0x1aa: {  	[tilespmem:s2+$0x14698] =	vst v23  }
0x1ab: {  	[tilespmem:s2+$0x11DE8] =	vst v13  }
0x1ac: {  	[tilespmem:s2+$0x146A8] =	vst v15  }
0x1ad: {  	[tilespmem:s2+$0x11DF8] =	vst v21  }
0x1ae: {  	[tilespmem:s2+$0x146B8] =	vst v16  }
0x1af: {  	[tilespmem:s2+$0x11E08] =	vst v14  }
0x1b0: {  	[tilespmem:s2+$0x146C8] =	vst v12  }
0x1b1: {  	[tilespmem:s2+$0x11E18] =	vst v11  }
0x1b2: {  	[tilespmem:s2+$0x146D8] =	vst v9  }
0x1b3: {  	[tilespmem:s2+$0x11E28] =	vst v7  }
0x1b4: {  	[tilespmem:s2+$0x146E8] =	vst v6  }
0x1b5: {  	[tilespmem:s2+$0x11E38] =	vst v5  }
0x1b6: {  	[tilespmem:s2+$0x146F8] =	vst v4  }
0x1b7: {  	[tilespmem:s2+$0x11E48] =	vst v3  }
0x1b8: {  	[tilespmem:s2+$0x14708] =	vst v39  }
.LBB2_8:
0x1b9: {  	s0 =	sshra.s32 s31, $0x2  }
0x1ba: {  	v2 =	vld [tilespmem:s0+$0x50C8]  }
0x1bb: {  	v3 =	vld [tilespmem:s0+$0x50C7];
	_ =	sdelay $0x4  }
0x1bc: {  	p4 =	sne.s32 s31, $0x2C0;
	vm0 =	vne.s32 v2, v3  }
.Ltmp5:
0x1bd: {  	vm1 =	veq.s32 v2, $0x0;
	v3 =	vsel vm0, $0x1, v0;
	(pc) =	sbr.rel @p4 .LBB2_8-.Ltmp5, $4  }
0x1be: {  	vm15 =	vne.s32 v2, $0x0;
	vm2 =	veq.s32 v2, v1;
	v2 =	vsel vm1, $0x1, v0;
	[tilespmem:s0+$0x14558] =	vst v3  }
0x1bf: {  	v4 =	vsel vm2, $0x1, v0;
	v5 =	vsel vm15, $0x1, v0;
	[tilespmem:s0+$0x16E18] =	vst v2  }
0x1c0: {  	v3 =	vsub.s32 v5, v4;
	[tilespmem:s0+$0x1BF98] =	vst v4  }
0x1c1: {  	s31 =	sadd.s32 $0x40, s31;
	[tilespmem:s0+$0x196D8] =	vst v3  }
0x1c2: {  	s31 =	simm.s32 $0x0;
	s0 =	simm.s32 $0x11D58  }
0x1c3: {  	[hbm4b:s10+s31] =	stream.linear.scatter [tilespmem:s0], [sflag:$0x2], $0x28C0, $0x38;
	[tilespmem:$0x1C058] =	vst v63  }
0x1c4: {  	s1 =	simm.s32 $0x14618  }
0x1c5: {  	[hbm4b:s11+s31] =	stream.linear.scatter [tilespmem:s1], [sflag:$0x2], $0x28C0, $0x38;
	[tilespmem:$0x1C058] =	vst v63  }
0x1c6: {  	s2 =	simm.s32 $0x16ED8  }
0x1c7: {  	[hbm4b:s12+s31] =	stream.linear.scatter [tilespmem:s2], [sflag:$0x2], $0x28C0, $0x38;
	[tilespmem:$0x1C058] =	vst v63  }
0x1c8: {  	s14 =	simm.s32 $0x19798  }
0x1c9: {  	[hbm4b:s13+s31] =	stream.linear.scatter [tilespmem:s14], [sflag:$0x2], $0x28C0, $0x38;
	[tilespmem:$0x1C058] =	vst v63  }
0x1ca: {  	_ =	swait.ge [sflag:s3], $0x28C0  }
0x1cb: {  	[sflag:s3] =	ssyncset.done $0x0  }
0x1cc: {  	[sflag:s3] =	ssyncadd.s32 $0xFFFFD740  }
0x1cd: {  	_ =	swait.ge [sflag:s3], $0x28C0  }
0x1ce: {  	[sflag:s3] =	ssyncset.done $0x0  }
0x1cf: {  	[sflag:s3] =	ssyncadd.s32 $0xFFFFD740  }
0x1d0: {  	_ =	swait.ge [sflag:s3], $0x28C0  }
.Ltmp6:
0x1d1: {  	[sflag:s3] =	ssyncset.done $0x0;
	(pc) =	sbr.rel @p3 .LBB2_13-.Ltmp6, $4  }
0x1d2: {  	[sflag:s3] =	ssyncadd.s32 $0xFFFFD740  }
0x1d3: {  	_ =	swait.ge [sflag:s3], $0x28C0  }
0x1d4: {  	[sflag:s3] =	ssyncset.done $0x0  }
0x1d5: {  	s2 =	simm.s32 $0x0;
	[sflag:s3] =	ssyncadd.s32 $0xFFFFD740  }
0x1d6: {  	v2 =	vld [tilespmem:s2+$0x5278]  }
0x1d7: {  	v15 =	vld [tilespmem:s2+$0x5188]  }
0x1d8: {  	v16 =	vld [tilespmem:s2+$0x5198]  }
0x1d9: {  	v17 =	vld [tilespmem:s2+$0x51A8]  }
0x1da: {  	v14 =	vld [tilespmem:s2+$0x51B8]  }
0x1db: {  	v13 =	vld [tilespmem:s2+$0x51C8]  }
0x1dc: {  	v12 =	vld [tilespmem:s2+$0x51D8]  }
0x1dd: {  	v11 =	vld [tilespmem:s2+$0x51E8]  }
0x1de: {  	vm0 =	vne.s32 v2, $0x0;
	vm1 =	veq.s32 v2, v1;
	vm2 =	vne.s32 v15, $0x0  }
0x1df: {  	vm5 =	veq.s32 v15, v1;
	vm6 =	vne.s32 v16, $0x0;
	vm7 =	veq.s32 v16, v1  }
0x1e0: {  	vm8 =	vne.s32 v17, $0x0;
	vm9 =	veq.s32 v17, v1;
	vm10 =	vne.s32 v14, $0x0  }
0x1e1: {  	vm11 =	veq.s32 v14, v1;
	vm12 =	vne.s32 v13, $0x0;
	vm13 =	veq.s32 v13, v1  }
0x1e2: {  	vm14 =	vne.s32 v12, $0x0;
	vm15 =	veq.s32 v12, v1;
	vm4 =	vne.s32 v11, $0x0  }
0x1e3: {  	v10 =	vld [tilespmem:s2+$0x51F8];
	vm3 =	veq.s32 v15, $0x0;
	v18 =	vsel vm1, $0x1, v0;
	v19 =	vsel vm5, $0x1, v0  }
0x1e4: {  	v9 =	vld [tilespmem:s2+$0x5208];
	v3 =	vsel vm0, $0x1, v0;
	v20 =	vsel vm2, $0x1, v0;
	v21 =	vsel vm7, $0x1, v0;
	[tilespmem:s2+$0xF498] =	vst v19  }
0x1e5: {  	v8 =	vld [tilespmem:s2+$0x5218];
	v22 =	vsel vm6, $0x1, v0;
	v23 =	vsel vm9, $0x1, v0;
	v24 =	vsel vm8, $0x1, v0;
	[tilespmem:s2+$0xF4A8] =	vst v21  }
0x1e6: {  	v7 =	vld [tilespmem:s2+$0x5228];
	v25 =	vsel vm11, $0x1, v0;
	v26 =	vsel vm10, $0x1, v0;
	v27 =	vsel vm13, $0x1, v0;
	[tilespmem:s2+$0xF4B8] =	vst v23  }
0x1e7: {  	v5 =	vld [tilespmem:s2+$0x5238];
	v28 =	vsel vm12, $0x1, v0;
	v29 =	vsel vm15, $0x1, v0;
	vm5 =	veq.s32 v11, v1;
	[tilespmem:s2+$0xF4C8] =	vst v25  }
0x1e8: {  	v4 =	vld [tilespmem:s2+$0x5248];
	v31 =	vsel vm14, $0x1, v0;
	vm6 =	vne.s32 v10, $0x0;
	vm7 =	veq.s32 v10, v1;
	[tilespmem:s2+$0xF4D8] =	vst v27  }
0x1e9: {  	v34 =	vsel vm4, $0x1, v0;
	vm8 =	vne.s32 v9, $0x0;
	vm9 =	veq.s32 v9, v1;
	[tilespmem:s2+$0xF4E8] =	vst v29  }
0x1ea: {  	vm10 =	vne.s32 v8, $0x0;
	vm11 =	veq.s32 v8, v1;
	v3 =	vsub.s32 v3, v18;
	[tilespmem:s2+$0xF588] =	vst v18  }
0x1eb: {  	vm12 =	vne.s32 v7, $0x0;
	vm13 =	veq.s32 v7, v1;
	v33 =	vsel vm5, $0x1, v0;
	[tilespmem:s2+$0xCCC8] =	vst v3  }
0x1ec: {  	v6 =	vld [tilespmem:s2+$0x5258];
	vm14 =	vne.s32 v5, $0x0;
	vm15 =	veq.s32 v5, v1;
	v36 =	vsel vm7, $0x1, v0;
	[tilespmem:s2+$0xF4F8] =	vst v33  }
0x1ed: {  	v30 =	vld [tilespmem:s2+$0x5187];
	vm4 =	vne.s32 v4, $0x0;
	vm0 =	veq.s32 v2, $0x0;
	v39 =	vsel vm9, $0x1, v0;
	[tilespmem:s2+$0xF508] =	vst v36  }
0x1ee: {  	v32 =	vld [tilespmem:s2+$0x5197];
	v38 =	vsel vm6, $0x1, v0;
	v41 =	vsel vm8, $0x1, v0;
	v42 =	vsel vm11, $0x1, v0;
	[tilespmem:s2+$0xF518] =	vst v39  }
0x1ef: {  	v35 =	vld [tilespmem:s2+$0x51A7];
	v44 =	vsel vm10, $0x1, v0;
	v46 =	vsel vm13, $0x1, v0;
	v47 =	vsel vm12, $0x1, v0;
	[tilespmem:s2+$0xF528] =	vst v42  }
0x1f0: {  	v49 =	vsel vm15, $0x1, v0;
	vm5 =	veq.s32 v4, v1;
	v51 =	vsel vm14, $0x1, v0;
	[tilespmem:s2+$0xF538] =	vst v46  }
0x1f1: {  	vm6 =	veq.s32 v6, v1;
	vm7 =	vne.s32 v6, $0x0;
	v19 =	vsub.s32 v20, v19;
	[tilespmem:s2+$0xF548] =	vst v49  }
0x1f2: {  	v56 =	vsel vm4, $0x1, v0;
	vm10 =	vne.s32 v15, v30;
	v18 =	vsub.s32 v22, v21;
	[tilespmem:s2+$0xCBD8] =	vst v19  }
0x1f3: {  	vm11 =	vne.s32 v16, v32;
	vm12 =	veq.s32 v16, $0x0;
	v16 =	vsub.s32 v24, v23;
	[tilespmem:s2+$0xCBE8] =	vst v18  }
0x1f4: {  	v40 =	vld [tilespmem:s2+$0x51F7];
	vm13 =	vne.s32 v17, v35;
	vm14 =	veq.s32 v17, $0x0;
	v17 =	vsub.s32 v28, v27;
	[tilespmem:s2+$0xCBF8] =	vst v16  }
0x1f5: {  	v43 =	vld [tilespmem:s2+$0x5207];
	v21 =	vsel vm3, $0x1, v0;
	vm4 =	veq.s32 v14, $0x0;
	v52 =	vsel vm5, $0x1, v0;
	[tilespmem:s2+$0xCC18] =	vst v17  }
0x1f6: {  	v54 =	vsel vm6, $0x1, v0;
	v59 =	vsel vm7, $0x1, v0;
	v60 =	vsel vm10, $0x1, v0;
	[tilespmem:s2+$0xA318] =	vst v21  }
0x1f7: {  	v24 =	vsel vm11, $0x1, v0;
	v18 =	vsub.s32 v26, v25;
	v32 =	vsel vm12, $0x1, v0;
	[tilespmem:s2+$0xF558] =	vst v52  }
0x1f8: {  	v55 =	vld [tilespmem:s2+$0x5257];
	v27 =	vsel vm13, $0x1, v0;
	v17 =	vsub.s32 v38, v36;
	v61 =	vsel vm4, $0x1, v0;
	[tilespmem:s2+$0xF568] =	vst v54  }
0x1f9: {  	v20 =	vld [tilespmem:s2+$0x51B7];
	vm6 =	veq.s32 v13, $0x0;
	vm10 =	veq.s32 v11, $0x0;
	vm11 =	vne.s32 v10, v40;
	[tilespmem:s2+$0xCC08] =	vst v18  }
0x1fa: {  	v3 =	vld [tilespmem:s2+$0x5268];
	vm12 =	veq.s32 v10, $0x0;
	vm13 =	vne.s32 v9, v43;
	vm4 =	veq.s32 v8, $0x0;
	[tilespmem:s2+$0xCC48] =	vst v17  }
0x1fb: {  	v19 =	vld [tilespmem:s2+$0x51C7];
	v18 =	vsub.s32 v31, v29;
	v63 =	vsel vm6, $0x1, v0;
	v22 =	vsel vm10, $0x1, v0;
	[tilespmem:s2+$0x7A58] =	vst v60  }
0x1fc: {  	v16 =	vld [tilespmem:s2+$0x51D7];
	v26 =	vsel vm11, $0x1, v0;
	v25 =	vsel vm12, $0x1, v0;
	vm6 =	veq.s32 v7, $0x0;
	[tilespmem:s2+$0x7A68] =	vst v24  }
0x1fd: {  	v45 =	vld [tilespmem:s2+$0x5217];
	[tilespmem:s2+$0xA328] =	vst v32;
	vm10 =	veq.s32 v4, $0x0;
	vm11 =	vne.s32 v6, v55;
	vm12 =	veq.s32 v6, $0x0  }
0x1fe: {  	[tilespmem:s2+$0x7A78] =	vst v27;
	v6 =	vsel vm12, $0x1, v0;
	vm15 =	vne.s32 v14, v20;
	v20 =	vsel vm14, $0x1, v0  }
0x1ff: {  	[tilespmem:s2+$0xA348] =	vst v61;
	v14 =	vsub.s32 v34, v33;
	vm14 =	veq.s32 v9, $0x0;
	v9 =	vsel vm10, $0x1, v0  }
0x200: {  	v37 =	vld [tilespmem:s2+$0x51E7];
	[tilespmem:s2+$0xCC28] =	vst v18;
	vm8 =	veq.s32 v3, v1;
	vm9 =	vne.s32 v3, $0x0;
	v28 =	vsel vm15, $0x1, v0  }
0x201: {  	v48 =	vld [tilespmem:s2+$0x5227];
	[tilespmem:s2+$0xA358] =	vst v63;
	vm5 =	vne.s32 v13, v19;
	v13 =	vsub.s32 v41, v39;
	vm7 =	vne.s32 v12, v16  }
0x202: {  	v50 =	vld [tilespmem:s2+$0x5237];
	[tilespmem:s2+$0xCC38] =	vst v14;
	v14 =	vsub.s32 v44, v42;
	vm15 =	vne.s32 v8, v45;
	v23 =	vsel vm14, $0x1, v0  }
0x203: {  	v16 =	vsel vm6, $0x1, v0;
	[tilespmem:s2+$0xA338] =	vst v20;
	vm14 =	veq.s32 v3, $0x0;
	v39 =	vsel vm0, $0x1, v0  }
0x204: {  	v57 =	vsel vm8, $0x1, v0;
	v15 =	vsel vm9, $0x1, v0;
	v62 =	vsel vm5, $0x1, v0;
	[tilespmem:s2+$0xCC58] =	vst v13  }
0x205: {  	v53 =	vld [tilespmem:s2+$0x5247];
	vm8 =	veq.s32 v12, $0x0;
	v12 =	vsub.s32 v47, v46;
	[tilespmem:s2+$0xCC68] =	vst v14;
	v17 =	vsel vm7, $0x1, v0  }
0x206: {  	v30 =	vld [tilespmem:s2+$0x5277];
	vm9 =	vne.s32 v11, v37;
	v13 =	vsub.s32 v51, v49;
	v11 =	vsub.s32 v56, v52;
	[tilespmem:s2+$0x7A88] =	vst v28  }
0x207: {  	v58 =	vld [tilespmem:s2+$0x5267];
	vm5 =	vne.s32 v7, v48;
	vm7 =	vne.s32 v5, v50;
	v7 =	vsel vm11, $0x1, v0;
	[tilespmem:s2+$0xF578] =	vst v57  }
0x208: {  	[tilespmem:s2+$0xCC78] =	vst v12;
	v18 =	vsel vm8, $0x1, v0;
	v19 =	vsel vm9, $0x1, v0;
	v12 =	vsub.s32 v59, v54  }
0x209: {  	[tilespmem:s2+$0xCC88] =	vst v13;
	v10 =	vsub.s32 v15, v57;
	v13 =	vsel vm15, $0x1, v0;
	v15 =	vsel vm4, $0x1, v0  }
0x20a: {  	[tilespmem:s2+$0xCC98] =	vst v11;
	v21 =	vsel vm5, $0x1, v0;
	vm8 =	veq.s32 v5, $0x0;
	v14 =	vsel vm7, $0x1, v0  }
0x20b: {  	vm9 =	vne.s32 v4, v53;
	vm15 =	vne.s32 v2, v30;
	v4 =	vsel vm14, $0x1, v0;
	[tilespmem:s2+$0xCCA8] =	vst v12  }
0x20c: {  	[tilespmem:s2+$0xCCB8] =	vst v10;
	v10 =	vsel vm13, $0x1, v0;
	v12 =	vsel vm8, $0x1, v0;
	vm13 =	vne.s32 v3, v58  }
0x20d: {  	s0 =	simm.s32 $0x0;
	s1 =	simm.s32 $0x400;
	[tilespmem:s2+$0x7A98] =	vst v62;
	v11 =	vsel vm9, $0x1, v0;
	v3 =	vsel vm15, $0x1, v0;
	v5 =	vsel vm13, $0x1, v0  }
.LBB2_11:
0x20e: {  	s14 =	sshra.s32 s1, $0x2  }
0x20f: {  	[tilespmem:s2+$0x7AA8] =	vst v17;
	v8 =	vld [tilespmem:s14+$0x5278]  }
0x210: {  	[tilespmem:s2+$0xA368] =	vst v18;
	v24 =	vld [tilespmem:s14+$0x5188]  }
0x211: {  	[tilespmem:s2+$0x7AB8] =	vst v19;
	v20 =	vld [tilespmem:s14+$0x5198]  }
0x212: {  	[tilespmem:s2+$0xA378] =	vst v22;
	v22 =	vld [tilespmem:s14+$0x51A8]  }
0x213: {  	[tilespmem:s2+$0x7AC8] =	vst v26;
	v19 =	vld [tilespmem:s14+$0x51B8]  }
0x214: {  	[tilespmem:s2+$0xA388] =	vst v25;
	v18 =	vld [tilespmem:s14+$0x51C8]  }
0x215: {  	[tilespmem:s2+$0x7AD8] =	vst v10;
	v25 =	vld [tilespmem:s14+$0x51D8]  }
0x216: {  	[tilespmem:s2+$0xA398] =	vst v23;
	v26 =	vld [tilespmem:s14+$0x51E8]  }
0x217: {  	[tilespmem:s2+$0x7AE8] =	vst v13;
	v27 =	vld [tilespmem:s14+$0x51F8]  }
0x218: {  	[tilespmem:s2+$0xA3A8] =	vst v15;
	v28 =	vld [tilespmem:s14+$0x5208]  }
0x219: {  	v2 =	vimm.s32 $0x0;
	v30 =	vld [tilespmem:s14+$0x5218];
	vm0 =	vne.s32 v8, $0x0  }
0x21a: {  	vm1 =	veq.s32 v8, $0x0;
	vm12 =	veq.s32 v8, v1;
	vm3 =	vne.s32 v24, $0x0  }
0x21b: {  	vm13 =	veq.s32 v24, v1;
	vm4 =	vne.s32 v20, $0x0;
	vm5 =	veq.s32 v20, v1  }
0x21c: {  	vm6 =	veq.s32 v22, v1;
	vm11 =	vne.s32 v19, $0x0;
	vm2 =	veq.s32 v19, v1  }
0x21d: {  	v31 =	vld [tilespmem:s14+$0x5228];
	[tilespmem:s2+$0x7AF8] =	vst v21;
	vm9 =	vne.s32 v18, $0x0;
	vm10 =	veq.s32 v25, v1;
	vm14 =	vne.s32 v26, $0x0  }
0x21e: {  	v32 =	vld [tilespmem:s14+$0x5238];
	[tilespmem:s2+$0xA3B8] =	vst v16;
	vm15 =	vne.s32 v27, $0x0;
	vm7 =	veq.s32 v28, v1;
	vm8 =	veq.s32 v30, v1  }
0x21f: {  	v33 =	vld [tilespmem:s14+$0x5248];
	[tilespmem:s2+$0x7B08] =	vst v14;
	v2 =	vsel vm1, $0xFFFFFFFF, v2;
	v10 =	vsel vm12, $0x1, v0;
	v17 =	vsel vm0, $0x1, v0  }
0x220: {  	v34 =	vld [tilespmem:s14+$0x5258];
	[tilespmem:s2+$0xA3C8] =	vst v12;
	vm0 =	vne.s32 v22, $0x0;
	v13 =	vsel vm13, $0x1, v0;
	vm12 =	veq.s32 v18, v1  }
0x221: {  	[tilespmem:s2+$0x7B18] =	vst v11;
	v23 =	vsel vm6, $0x1, v0;
	vm6 =	veq.s32 v27, v1;
	v29 =	vsel vm2, $0x1, v0  }
0x222: {  	v14 =	vld [tilespmem:s14+$0x5187];
	v16 =	vsel vm11, $0x1, v0;
	vm11 =	vne.s32 v31, $0x0;
	[tilespmem:$0x1FD70] =	vst v2;
	v2 =	vsel vm3, $0x1, v0  }
0x223: {  	v37 =	vld [tilespmem:s14+$0x5197];
	vm13 =	veq.s32 v31, v1;
	v15 =	vsel vm9, $0x1, v0;
	[tilespmem:$0x1FC60] =	vst v2;
	v2 =	vsel vm4, $0x1, v0  }
0x224: {  	vm9 =	vne.s32 v33, $0x0;
	v41 =	vsel vm10, $0x1, v0;
	[tilespmem:$0x1FC70] =	vst v2;
	v2 =	vimm.s32 $0x0  }
0x225: {  	[tilespmem:s2+$0xA3D8] =	vst v9;
	vm10 =	vne.s32 v34, $0x0;
	v48 =	vsel vm7, $0x1, v0;
	v2 =	vsel vm14, $0xFFFFFFFF, v2  }
0x226: {  	v11 =	vld [tilespmem:s14+$0x51C7];
	vm7 =	veq.s32 v24, $0x0;
	v53 =	vsel vm13, $0x1, v0;
	[tilespmem:$0x1FC40] =	vst v2;
	v2 =	vimm.s32 $0x0  }
0x227: {  	v35 =	vld [tilespmem:s14+$0x5268];
	[tilespmem:s14+$0xF4C8] =	vst v29;
	vm13 =	vne.s32 v24, v14;
	v14 =	vimm.s32 $0x0;
	v2 =	vsel vm15, $0xFFFFFFFF, v2  }
0x228: {  	v51 =	vsel vm8, $0x1, v0;
	vm8 =	vne.s32 v20, v37;
	v14 =	vsel vm7, $0xFFFFFFFF, v14;
	[tilespmem:$0x1FC50] =	vst v2;
	v2 =	vld [tilespmem:$0x1FC40]  }
0x229: {  	v17 =	vsub.s32 v17, v10;
	vm3 =	veq.s32 v26, v1;
	[tilespmem:$0x1FC80] =	vst v14;
	v14 =	vimm.s32 $0x0  }
0x22a: {  	v50 =	vld [tilespmem:s14+$0x51F7];
	v38 =	vsel vm12, $0x1, v0;
	[tilespmem:s14+$0xCCC8] =	vst v17;
	v14 =	vsel vm8, $0xFFFFFFFF, v14;
	vm15 =	veq.s32 v33, v1  }
0x22b: {  	[tilespmem:s14+$0xF4D8] =	vst v38;
	v59 =	vsel vm15, $0x1, v0;
	vm15 =	vne.s32 v18, v11;
	v11 =	vimm.s32 $0x0  }
0x22c: {  	v43 =	vld [tilespmem:s14+$0x51D7];
	v21 =	vsel vm0, $0x1, v0;
	vm0 =	veq.s32 v35, v1;
	[tilespmem:$0x1FC90] =	vst v14;
	v11 =	vsel vm15, $0xFFFFFFFF, v11  }
0x22d: {  	vm4 =	vne.s32 v28, $0x0;
	v44 =	vsel vm3, $0x1, v0;
	[tilespmem:$0x1FCF0] =	vst v11;
	vm3 =	vnez.u8 v2;
	v2 =	vld [tilespmem:$0x1FC50]  }
0x22e: {  	v49 =	vsel vm4, $0x1, v0;
	vm4 =	veq.s32 v18, $0x0;
	v11 =	vld [tilespmem:s14+$0x5257];
	[tilespmem:s2+$0x7B28] =	vst v7;
	v7 =	vimm.s32 $0x0  }
0x22f: {  	vm7 =	vne.s32 v27, v50;
	[tilespmem:s2+$0xA3E8] =	vst v6;
	v6 =	vimm.s32 $0x0;
	v7 =	vsel vm4, $0xFFFFFFFF, v7  }
0x230: {  	v17 =	vsel vm5, $0x1, v0;
	vm5 =	vne.s32 v30, $0x0;
	v6 =	vsel vm7, $0xFFFFFFFF, v6;
	[tilespmem:$0x1FD00] =	vst v7  }
0x231: {  	v12 =	vld [tilespmem:s14+$0x51A7];
	v52 =	vsel vm5, $0x1, v0;
	vm5 =	vne.s32 v25, v43;
	v7 =	vimm.s32 $0x0;
	[tilespmem:$0x1FD30] =	vst v6  }
0x232: {  	v46 =	vsel vm6, $0x1, v0;
	v6 =	vld [tilespmem:s14+$0x5277];
	[tilespmem:s2+$0x7B48] =	vst v3;
	v7 =	vsel vm5, $0xFFFFFFFF, v7;
	vm6 =	vnez.u8 v2  }
0x233: {  	[tilespmem:$0x1FD10] =	vst v7;
	v7 =	vimm.s32 $0x0;
	v47 =	vsel vm6, $0x1, v0;
	vm6 =	veq.s32 v25, $0x0  }
0x234: {  	v55 =	vsel vm11, $0x1, v0;
	v60 =	vsel vm9, $0x1, v0;
	[tilespmem:s2+$0xA408] =	vst v39;
	v7 =	vsel vm6, $0xFFFFFFFF, v7  }
0x235: {  	v63 =	vsel vm10, $0x1, v0;
	vm9 =	veq.s32 v20, $0x0;
	v20 =	vimm.s32 $0x0;
	[tilespmem:$0x1FD20] =	vst v7  }
0x236: {  	vm10 =	vne.s32 v22, v12;
	v12 =	vimm.s32 $0x0;
	vm11 =	veq.s32 v22, $0x0;
	v7 =	vld [tilespmem:s14+$0x5267];
	[tilespmem:s2+$0x7B38] =	vst v5  }
0x237: {  	v3 =	vimm.s32 $0x0;
	v2 =	vsel vm0, $0x1, v0;
	vm0 =	veq.s32 v35, $0x0;
	[tilespmem:s2+$0xA3F8] =	vst v4;
	s2 =	smov.u32 s14  }
0x238: {  	v3 =	vsel vm0, $0xFFFFFFFF, v3;
	vm0 =	vne.s32 v8, v6;
	v6 =	vsub.s32 v15, v38;
	[tilespmem:s2+$0xF588] =	vst v10;
	v10 =	vld [tilespmem:$0x1FC80]  }
0x239: {  	v12 =	vsel vm10, $0xFFFFFFFF, v12;
	vm8 =	veq.s32 v32, $0x0;
	v4 =	vimm.s32 $0x0;
	[tilespmem:s2+$0xCC18] =	vst v6;
	v6 =	vld [tilespmem:$0x1FC90]  }
0x23a: {  	v20 =	vsel vm9, $0xFFFFFFFF, v20;
	[tilespmem:$0x1FCB0] =	vst v12;
	v12 =	vimm.s32 $0x0;
	v4 =	vsel vm8, $0xFFFFFFFF, v4  }
0x23b: {  	v12 =	vsel vm11, $0xFFFFFFFF, v12;
	vm11 =	vne.s32 v34, v11;
	[tilespmem:$0x1FD40] =	vst v4;
	v4 =	vimm.s32 $0x0  }
0x23c: {  	[tilespmem:$0x1FCA0] =	vst v20;
	v4 =	vsel vm11, $0xFFFFFFFF, v4  }
0x23d: {  	vm9 =	veq.s32 v27, $0x0;
	v27 =	vsel vm13, $0x1, v0;
	[tilespmem:$0x1FD50] =	vst v4;
	v4 =	vld [tilespmem:$0x1FC70];
	vm13 =	vnez.u8 v10  }
0x23e: {  	[tilespmem:s14+$0xF4E8] =	vst v41;
	v11 =	vsub.s32 v55, v53;
	v55 =	vsel vm13, $0x1, v0;
	vm13 =	vnez.u8 v6;
	v6 =	vld [tilespmem:$0x1FCA0]  }
0x23f: {  	[tilespmem:s14+$0xF4A8] =	vst v17;
	vm14 =	veq.s32 v32, v1  }
0x240: {  	vm12 =	vne.s32 v32, $0x0;
	v56 =	vsel vm14, $0x1, v0;
	[tilespmem:$0x1FCC0] =	vst v12  }
0x241: {  	v40 =	vld [tilespmem:s14+$0x51B7];
	vm1 =	vne.s32 v25, $0x0;
	v57 =	vsel vm12, $0x1, v0;
	[tilespmem:s14+$0xF548] =	vst v56;
	v5 =	vsub.s32 v16, v29  }
0x242: {  	v58 =	vld [tilespmem:s14+$0x5217];
	v42 =	vsel vm1, $0x1, v0;
	[tilespmem:s2+$0xCC08] =	vst v5;
	v5 =	vsub.s32 v57, v56;
	v4 =	vsub.s32 v4, v17  }
0x243: {  	v56 =	vsel vm13, $0x1, v0;
	[tilespmem:s2+$0xCBE8] =	vst v4;
	v4 =	vsub.s32 v42, v41;
	vm13 =	vnez.u8 v6;
	v6 =	vld [tilespmem:$0x1FCB0]  }
0x244: {  	[tilespmem:s2+$0xCC28] =	vst v4;
	v4 =	vld [tilespmem:$0x1FCC0];
	_ =	sdelay $0x1  }
0x245: {  	vm12 =	vne.s32 v19, v40;
	v20 =	vimm.s32 $0x0  }
0x246: {  	vm2 =	veq.s32 v34, v1;
	v20 =	vsel vm12, $0xFFFFFFFF, v20  }
0x247: {  	v61 =	vsel vm2, $0x1, v0;
	[tilespmem:$0x1FCD0] =	vst v20;
	v57 =	vsel vm13, $0x1, v0;
	vm13 =	vnez.u8 v6  }
0x248: {  	vm2 =	vne.s32 v30, v58;
	v58 =	vsel vm13, $0x1, v0;
	vm13 =	vnez.u8 v4;
	v4 =	vld [tilespmem:$0x1FCD0];
	_ =	sdelay $0x1  }
0x249: {  	vm14 =	veq.s32 v19, $0x0;
	v19 =	vimm.s32 $0x0  }
0x24a: {  	v19 =	vsel vm14, $0xFFFFFFFF, v19  }
0x24b: {  	[tilespmem:$0x1FCE0] =	vst v19  }
0x24c: {  	[tilespmem:s14+$0xF558] =	vst v59;
	v20 =	vsub.s32 v60, v59;
	v59 =	vsel vm13, $0x1, v0;
	vm13 =	vnez.u8 v4;
	v4 =	vld [tilespmem:$0x1FCE0];
	_ =	sdelay $0x4  }
0x24d: {  	v60 =	vsel vm13, $0x1, v0;
	vm13 =	vnez.u8 v4;
	v4 =	vld [tilespmem:$0x1FCF0];
	_ =	sdelay $0x3  }
0x24e: {  	v62 =	vld [tilespmem:s14+$0x5227]  }
0x24f: {  	v24 =	vsub.s32 v63, v61;
	[tilespmem:s14+$0xF568] =	vst v61;
	v61 =	vsel vm13, $0x1, v0;
	vm13 =	vnez.u8 v4;
	v4 =	vld [tilespmem:$0x1FD00];
	_ =	sdelay $0x2  }
0x250: {  	[tilespmem:$0x1FD60] =	vst v3;
	v3 =	vld [tilespmem:$0x1FC60]  }
0x251: {  	[tilespmem:s14+$0xF498] =	vst v13  }
0x252: {  	[tilespmem:s14+$0xF4B8] =	vst v23;
	vm15 =	vne.s32 v31, v62;
	v62 =	vsel vm13, $0x1, v0;
	vm13 =	vnez.u8 v4;
	v4 =	vld [tilespmem:$0x1FD10]  }
0x253: {  	[tilespmem:s14+$0xF518] =	vst v48  }
0x254: {  	[tilespmem:s14+$0xF528] =	vst v51  }
0x255: {  	v9 =	vld [tilespmem:s14+$0x51E7];
	[tilespmem:s14+$0xF508] =	vst v46;
	v3 =	vsub.s32 v3, v13  }
0x256: {  	v54 =	vld [tilespmem:s14+$0x5207];
	[tilespmem:s2+$0xCBD8] =	vst v3;
	v3 =	vsub.s32 v21, v23  }
0x257: {  	[tilespmem:s2+$0xCBF8] =	vst v3;
	v3 =	vsub.s32 v49, v48;
	v63 =	vsel vm13, $0x1, v0;
	vm13 =	vnez.u8 v4;
	v4 =	vld [tilespmem:$0x1FD20]  }
0x258: {  	[tilespmem:s2+$0xCC58] =	vst v3;
	v3 =	vld [tilespmem:$0x1FD30]  }
0x259: {  	[tilespmem:s14+$0xF538] =	vst v53  }
0x25a: {  	[tilespmem:s14+$0xF4F8] =	vst v44  }
0x25b: {  	vm12 =	vne.s32 v26, v9;
	v8 =	vsub.s32 v47, v46;
	[tilespmem:s14+$0xF578] =	vst v2  }
0x25c: {  	v9 =	vsub.s32 v52, v51;
	[tilespmem:s2+$0xCC48] =	vst v8;
	v17 =	vsel vm13, $0x1, v0;
	vm13 =	vnez.u8 v4  }
0x25d: {  	[tilespmem:s2+$0xCC68] =	vst v9;
	v18 =	vsel vm13, $0x1, v0;
	vm13 =	vnez.u8 v3;
	v3 =	vld [tilespmem:$0x1FD40]  }
0x25e: {  	[tilespmem:s2+$0xCC78] =	vst v11  }
0x25f: {  	v12 =	vld [tilespmem:s14+$0x5247];
	[tilespmem:s2+$0xCC98] =	vst v20  }
0x260: {  	vm1 =	vne.s32 v35, $0x0;
	v14 =	vld [tilespmem:s14+$0x5237];
	[tilespmem:s2+$0xCCA8] =	vst v24  }
0x261: {  	v36 =	vsel vm1, $0x1, v0;
	v19 =	vsel vm12, $0x1, v0;
	[tilespmem:s2+$0x7A58] =	vst v27  }
0x262: {  	v45 =	vsel vm3, $0x1, v0;
	v2 =	vsub.s32 v36, v2;
	[tilespmem:s2+$0xCC88] =	vst v5;
	vm12 =	vnez.u8 v3;
	v3 =	vld [tilespmem:$0x1FD50]  }
0x263: {  	vm10 =	veq.s32 v26, $0x0;
	[tilespmem:s2+$0xCCB8] =	vst v2;
	vm11 =	vne.s32 v35, v7;
	v7 =	vsub.s32 v45, v44  }
0x264: {  	vm1 =	vne.s32 v28, v54;
	v22 =	vsel vm10, $0x1, v0;
	vm14 =	veq.s32 v28, $0x0;
	[tilespmem:s2+$0xCC38] =	vst v7  }
0x265: {  	vm4 =	veq.s32 v31, $0x0;
	vm7 =	veq.s32 v33, $0x0;
	vm5 =	vne.s32 v32, v14;
	v2 =	vld [tilespmem:$0x1FD70];
	[tilespmem:s2+$0xA318] =	vst v55  }
0x266: {  	vm3 =	veq.s32 v30, $0x0;
	v14 =	vsel vm5, $0x1, v0;
	v25 =	vsel vm9, $0x1, v0;
	[tilespmem:s2+$0x7A68] =	vst v56  }
0x267: {  	s0 =	sadd.s32 $0x10, s0;
	v15 =	vsel vm3, $0x1, v0;
	[tilespmem:s2+$0xA328] =	vst v57;
	v26 =	vsel vm13, $0x1, v0;
	vm13 =	vnez.u8 v3;
	v3 =	vld [tilespmem:$0x1FD60]  }
0x268: {  	p4 =	slt.u32 s0, $0x220;
	vm6 =	vne.s32 v33, v12;
	v16 =	vsel vm4, $0x1, v0;
	vm8 =	veq.s32 v34, $0x0;
	[tilespmem:s2+$0x7A78] =	vst v58  }
.Ltmp7:
0x269: {  	v11 =	vsel vm6, $0x1, v0;
	v9 =	vsel vm7, $0x1, v0;
	v13 =	vsel vm2, $0x1, v0;
	[tilespmem:s2+$0xA338] =	vst v59;
	(pc) =	sbr.rel @p4 .LBB2_11-.Ltmp7, $4  }
0x26a: {  	v23 =	vsel vm14, $0x1, v0;
	v21 =	vsel vm15, $0x1, v0;
	vm15 =	vnez.u8 v2;
	[tilespmem:s2+$0x7A88] =	vst v60  }
0x26b: {  	v10 =	vsel vm1, $0x1, v0;
	v5 =	vsel vm11, $0x1, v0;
	v39 =	vsel vm15, $0x1, v0;
	[tilespmem:s2+$0xA348] =	vst v61  }
0x26c: {  	v6 =	vsel vm8, $0x1, v0;
	[tilespmem:s2+$0x7A98] =	vst v62;
	v12 =	vsel vm12, $0x1, v0;
	vm14 =	vnez.u8 v3  }
0x26d: {  	s1 =	sadd.s32 $0x400, s1;
	[tilespmem:s2+$0xA358] =	vst v63;
	v7 =	vsel vm13, $0x1, v0;
	v3 =	vsel vm0, $0x1, v0;
	v4 =	vsel vm14, $0x1, v0  }
0x26e: {  	[tilespmem:s2+$0x7AA8] =	vst v17  }
0x26f: {  	[tilespmem:s2+$0xA368] =	vst v18  }
0x270: {  	[tilespmem:s2+$0x7AB8] =	vst v19  }
0x271: {  	[tilespmem:s2+$0xA378] =	vst v22  }
0x272: {  	[tilespmem:s2+$0x7AC8] =	vst v26  }
0x273: {  	[tilespmem:s2+$0xA388] =	vst v25  }
0x274: {  	[tilespmem:s2+$0x7AD8] =	vst v10  }
0x275: {  	[tilespmem:s2+$0xA398] =	vst v23  }
0x276: {  	[tilespmem:s2+$0x7AE8] =	vst v13  }
0x277: {  	[tilespmem:s2+$0xA3A8] =	vst v15  }
0x278: {  	[tilespmem:s2+$0x7AF8] =	vst v21  }
0x279: {  	[tilespmem:s2+$0xA3B8] =	vst v16  }
0x27a: {  	[tilespmem:s2+$0x7B08] =	vst v14  }
0x27b: {  	[tilespmem:s2+$0xA3C8] =	vst v12  }
0x27c: {  	[tilespmem:s2+$0x7B18] =	vst v11  }
0x27d: {  	[tilespmem:s2+$0xA3D8] =	vst v9  }
0x27e: {  	[tilespmem:s2+$0x7B28] =	vst v7  }
0x27f: {  	[tilespmem:s2+$0xA3E8] =	vst v6  }
0x280: {  	[tilespmem:s2+$0x7B38] =	vst v5  }
0x281: {  	[tilespmem:s2+$0xA3F8] =	vst v4  }
0x282: {  	[tilespmem:s2+$0x7B48] =	vst v3  }
0x283: {  	[tilespmem:s2+$0xA408] =	vst v39  }
0x284: {  	[hbm4b:s18+s4] =	stream.linear.scatter [tilespmem:s25], [sflag:$0x1], $0x2300, $0x38;
	[tilespmem:$0x1C058] =	vst v63  }
0x285: {  	_ = 	snop  }
0x286: {  	[hbm4b:s19+s4] =	stream.linear.scatter [tilespmem:s26], [sflag:$0x1], $0x2300, $0x38;
	[tilespmem:$0x1C058] =	vst v63  }
.Ltmp8:
0x287: {  	_ = 	snop;
	(pc) =	sbr.rel .LBB2_18-.Ltmp8, $4  }
0x288: {  	_ = 	snop  }
0x289: {  	[hbm4b:s20+s4] =	stream.linear.scatter [tilespmem:s28], [sflag:$0x1], $0x2300, $0x38;
	[tilespmem:$0x1C058] =	vst v63  }
0x28a: {  	_ = 	snop  }
0x28b: {  	[hbm4b:s21+s4] =	stream.linear.scatter [tilespmem:s29], [sflag:$0x1], $0x2300, $0x38;
	[tilespmem:$0x1C058] =	vst v63  }
.LBB2_13:
0x28c: {  	v2 =	vld [tilespmem:s2+$0x5278]  }
0x28d: {  	v15 =	vld [tilespmem:s2+$0x5188]  }
0x28e: {  	v16 =	vld [tilespmem:s2+$0x5198]  }
0x28f: {  	v17 =	vld [tilespmem:s2+$0x51A8]  }
0x290: {  	v14 =	vld [tilespmem:s2+$0x51B8]  }
0x291: {  	v13 =	vld [tilespmem:s2+$0x51C8]  }
0x292: {  	v12 =	vld [tilespmem:s2+$0x51D8]  }
0x293: {  	v11 =	vld [tilespmem:s2+$0x51E8]  }
0x294: {  	vm0 =	vne.s32 v2, $0x0;
	vm1 =	veq.s32 v2, v1;
	vm2 =	vne.s32 v15, $0x0  }
0x295: {  	vm5 =	veq.s32 v15, v1;
	vm6 =	vne.s32 v16, $0x0;
	vm7 =	veq.s32 v16, v1  }
0x296: {  	vm8 =	vne.s32 v17, $0x0;
	vm9 =	veq.s32 v17, v1;
	vm10 =	vne.s32 v14, $0x0  }
0x297: {  	vm11 =	veq.s32 v14, v1;
	vm12 =	vne.s32 v13, $0x0;
	vm13 =	veq.s32 v13, v1  }
0x298: {  	vm14 =	vne.s32 v12, $0x0;
	vm15 =	veq.s32 v12, v1;
	vm4 =	vne.s32 v11, $0x0  }
0x299: {  	v10 =	vld [tilespmem:s2+$0x51F8];
	vm3 =	veq.s32 v15, $0x0;
	v18 =	vsel vm1, $0x1, v0;
	v19 =	vsel vm5, $0x1, v0  }
0x29a: {  	v9 =	vld [tilespmem:s2+$0x5208];
	v3 =	vsel vm0, $0x1, v0;
	v20 =	vsel vm2, $0x1, v0;
	v21 =	vsel vm7, $0x1, v0;
	[tilespmem:s2+$0xF498] =	vst v19  }
0x29b: {  	v8 =	vld [tilespmem:s2+$0x5218];
	v22 =	vsel vm6, $0x1, v0;
	v23 =	vsel vm9, $0x1, v0;
	v24 =	vsel vm8, $0x1, v0;
	[tilespmem:s2+$0xF4A8] =	vst v21  }
0x29c: {  	v7 =	vld [tilespmem:s2+$0x5228];
	v25 =	vsel vm11, $0x1, v0;
	v26 =	vsel vm10, $0x1, v0;
	v27 =	vsel vm13, $0x1, v0;
	[tilespmem:s2+$0xF4B8] =	vst v23  }
0x29d: {  	v5 =	vld [tilespmem:s2+$0x5238];
	v28 =	vsel vm12, $0x1, v0;
	v29 =	vsel vm15, $0x1, v0;
	vm5 =	veq.s32 v11, v1;
	[tilespmem:s2+$0xF4C8] =	vst v25  }
0x29e: {  	v4 =	vld [tilespmem:s2+$0x5248];
	v31 =	vsel vm14, $0x1, v0;
	vm6 =	vne.s32 v10, $0x0;
	vm7 =	veq.s32 v10, v1;
	[tilespmem:s2+$0xF4D8] =	vst v27  }
0x29f: {  	v34 =	vsel vm4, $0x1, v0;
	vm8 =	vne.s32 v9, $0x0;
	vm9 =	veq.s32 v9, v1;
	[tilespmem:s2+$0xF4E8] =	vst v29  }
0x2a0: {  	vm10 =	vne.s32 v8, $0x0;
	vm11 =	veq.s32 v8, v1;
	v3 =	vsub.s32 v3, v18;
	[tilespmem:s2+$0xF588] =	vst v18  }
0x2a1: {  	vm12 =	vne.s32 v7, $0x0;
	vm13 =	veq.s32 v7, v1;
	v33 =	vsel vm5, $0x1, v0;
	[tilespmem:s2+$0xCCC8] =	vst v3  }
0x2a2: {  	v6 =	vld [tilespmem:s2+$0x5258];
	vm14 =	vne.s32 v5, $0x0;
	vm15 =	veq.s32 v5, v1;
	v36 =	vsel vm7, $0x1, v0;
	[tilespmem:s2+$0xF4F8] =	vst v33  }
0x2a3: {  	v30 =	vld [tilespmem:s2+$0x5187];
	vm4 =	vne.s32 v4, $0x0;
	vm0 =	veq.s32 v2, $0x0;
	v39 =	vsel vm9, $0x1, v0;
	[tilespmem:s2+$0xF508] =	vst v36  }
0x2a4: {  	v32 =	vld [tilespmem:s2+$0x5197];
	v38 =	vsel vm6, $0x1, v0;
	v41 =	vsel vm8, $0x1, v0;
	v42 =	vsel vm11, $0x1, v0;
	[tilespmem:s2+$0xF518] =	vst v39  }
0x2a5: {  	v35 =	vld [tilespmem:s2+$0x51A7];
	v44 =	vsel vm10, $0x1, v0;
	v46 =	vsel vm13, $0x1, v0;
	v47 =	vsel vm12, $0x1, v0;
	[tilespmem:s2+$0xF528] =	vst v42  }
0x2a6: {  	v49 =	vsel vm15, $0x1, v0;
	vm5 =	veq.s32 v4, v1;
	v51 =	vsel vm14, $0x1, v0;
	[tilespmem:s2+$0xF538] =	vst v46  }
0x2a7: {  	vm6 =	veq.s32 v6, v1;
	vm7 =	vne.s32 v6, $0x0;
	v19 =	vsub.s32 v20, v19;
	[tilespmem:s2+$0xF548] =	vst v49  }
0x2a8: {  	v56 =	vsel vm4, $0x1, v0;
	vm10 =	vne.s32 v15, v30;
	v18 =	vsub.s32 v22, v21;
	[tilespmem:s2+$0xCBD8] =	vst v19  }
0x2a9: {  	vm11 =	vne.s32 v16, v32;
	vm12 =	veq.s32 v16, $0x0;
	v16 =	vsub.s32 v24, v23;
	[tilespmem:s2+$0xCBE8] =	vst v18  }
0x2aa: {  	v40 =	vld [tilespmem:s2+$0x51F7];
	vm13 =	vne.s32 v17, v35;
	vm14 =	veq.s32 v17, $0x0;
	v17 =	vsub.s32 v28, v27;
	[tilespmem:s2+$0xCBF8] =	vst v16  }
0x2ab: {  	v43 =	vld [tilespmem:s2+$0x5207];
	v21 =	vsel vm3, $0x1, v0;
	vm4 =	veq.s32 v14, $0x0;
	v52 =	vsel vm5, $0x1, v0;
	[tilespmem:s2+$0xCC18] =	vst v17  }
0x2ac: {  	v54 =	vsel vm6, $0x1, v0;
	v59 =	vsel vm7, $0x1, v0;
	v60 =	vsel vm10, $0x1, v0;
	[tilespmem:s2+$0xA318] =	vst v21  }
0x2ad: {  	v24 =	vsel vm11, $0x1, v0;
	v18 =	vsub.s32 v26, v25;
	v32 =	vsel vm12, $0x1, v0;
	[tilespmem:s2+$0xF558] =	vst v52  }
0x2ae: {  	v55 =	vld [tilespmem:s2+$0x5257];
	v27 =	vsel vm13, $0x1, v0;
	v17 =	vsub.s32 v38, v36;
	v61 =	vsel vm4, $0x1, v0;
	[tilespmem:s2+$0xF568] =	vst v54  }
0x2af: {  	v20 =	vld [tilespmem:s2+$0x51B7];
	vm6 =	veq.s32 v13, $0x0;
	vm10 =	veq.s32 v11, $0x0;
	vm11 =	vne.s32 v10, v40;
	[tilespmem:s2+$0xCC08] =	vst v18  }
0x2b0: {  	v3 =	vld [tilespmem:s2+$0x5268];
	vm12 =	veq.s32 v10, $0x0;
	vm13 =	vne.s32 v9, v43;
	vm4 =	veq.s32 v8, $0x0;
	[tilespmem:s2+$0xCC48] =	vst v17  }
0x2b1: {  	v19 =	vld [tilespmem:s2+$0x51C7];
	v18 =	vsub.s32 v31, v29;
	v63 =	vsel vm6, $0x1, v0;
	v22 =	vsel vm10, $0x1, v0;
	[tilespmem:s2+$0x7A58] =	vst v60  }
0x2b2: {  	v16 =	vld [tilespmem:s2+$0x51D7];
	v26 =	vsel vm11, $0x1, v0;
	v25 =	vsel vm12, $0x1, v0;
	vm6 =	veq.s32 v7, $0x0;
	[tilespmem:s2+$0x7A68] =	vst v24  }
0x2b3: {  	v45 =	vld [tilespmem:s2+$0x5217];
	[tilespmem:s2+$0xA328] =	vst v32;
	vm10 =	veq.s32 v4, $0x0;
	vm11 =	vne.s32 v6, v55;
	vm12 =	veq.s32 v6, $0x0  }
0x2b4: {  	[tilespmem:s2+$0x7A78] =	vst v27;
	v6 =	vsel vm12, $0x1, v0;
	vm15 =	vne.s32 v14, v20;
	v20 =	vsel vm14, $0x1, v0  }
0x2b5: {  	[tilespmem:s2+$0xA348] =	vst v61;
	v14 =	vsub.s32 v34, v33;
	vm14 =	veq.s32 v9, $0x0;
	v9 =	vsel vm10, $0x1, v0  }
0x2b6: {  	v37 =	vld [tilespmem:s2+$0x51E7];
	[tilespmem:s2+$0xCC28] =	vst v18;
	vm8 =	veq.s32 v3, v1;
	vm9 =	vne.s32 v3, $0x0;
	v28 =	vsel vm15, $0x1, v0  }
0x2b7: {  	v48 =	vld [tilespmem:s2+$0x5227];
	[tilespmem:s2+$0xA358] =	vst v63;
	vm5 =	vne.s32 v13, v19;
	v13 =	vsub.s32 v41, v39;
	vm7 =	vne.s32 v12, v16  }
0x2b8: {  	v50 =	vld [tilespmem:s2+$0x5237];
	[tilespmem:s2+$0xCC38] =	vst v14;
	v14 =	vsub.s32 v44, v42;
	vm15 =	vne.s32 v8, v45;
	v23 =	vsel vm14, $0x1, v0  }
0x2b9: {  	v16 =	vsel vm6, $0x1, v0;
	[tilespmem:s2+$0xA338] =	vst v20;
	vm14 =	veq.s32 v3, $0x0;
	v39 =	vsel vm0, $0x1, v0  }
0x2ba: {  	v57 =	vsel vm8, $0x1, v0;
	v15 =	vsel vm9, $0x1, v0;
	v62 =	vsel vm5, $0x1, v0;
	[tilespmem:s2+$0xCC58] =	vst v13  }
0x2bb: {  	v53 =	vld [tilespmem:s2+$0x5247];
	vm8 =	veq.s32 v12, $0x0;
	v12 =	vsub.s32 v47, v46;
	[tilespmem:s2+$0xCC68] =	vst v14;
	v17 =	vsel vm7, $0x1, v0  }
0x2bc: {  	v30 =	vld [tilespmem:s2+$0x5277];
	vm9 =	vne.s32 v11, v37;
	v13 =	vsub.s32 v51, v49;
	v11 =	vsub.s32 v56, v52;
	[tilespmem:s2+$0x7A88] =	vst v28  }
0x2bd: {  	v58 =	vld [tilespmem:s2+$0x5267];
	vm5 =	vne.s32 v7, v48;
	vm7 =	vne.s32 v5, v50;
	v7 =	vsel vm11, $0x1, v0;
	[tilespmem:s2+$0xF578] =	vst v57  }
0x2be: {  	[tilespmem:s2+$0xCC78] =	vst v12;
	v18 =	vsel vm8, $0x1, v0;
	v19 =	vsel vm9, $0x1, v0;
	v12 =	vsub.s32 v59, v54  }
0x2bf: {  	[tilespmem:s2+$0xCC88] =	vst v13;
	v10 =	vsub.s32 v15, v57;
	v13 =	vsel vm15, $0x1, v0;
	v15 =	vsel vm4, $0x1, v0  }
0x2c0: {  	[tilespmem:s2+$0xCC98] =	vst v11;
	v21 =	vsel vm5, $0x1, v0;
	vm8 =	veq.s32 v5, $0x0;
	v14 =	vsel vm7, $0x1, v0  }
0x2c1: {  	vm9 =	vne.s32 v4, v53;
	vm15 =	vne.s32 v2, v30;
	v4 =	vsel vm14, $0x1, v0;
	[tilespmem:s2+$0xCCA8] =	vst v12  }
0x2c2: {  	[tilespmem:s2+$0xCCB8] =	vst v10;
	v10 =	vsel vm13, $0x1, v0;
	v12 =	vsel vm8, $0x1, v0;
	vm13 =	vne.s32 v3, v58  }
0x2c3: {  	s0 =	simm.s32 $0x0;
	s1 =	simm.s32 $0x400;
	[tilespmem:s2+$0x7A98] =	vst v62;
	v11 =	vsel vm9, $0x1, v0;
	v3 =	vsel vm15, $0x1, v0;
	v5 =	vsel vm13, $0x1, v0  }
.LBB2_14:
0x2c4: {  	s14 =	sshra.s32 s1, $0x2  }
0x2c5: {  	[tilespmem:s2+$0x7AA8] =	vst v17;
	v8 =	vld [tilespmem:s14+$0x5278]  }
0x2c6: {  	[tilespmem:s2+$0xA368] =	vst v18;
	v24 =	vld [tilespmem:s14+$0x5188]  }
0x2c7: {  	[tilespmem:s2+$0x7AB8] =	vst v19;
	v20 =	vld [tilespmem:s14+$0x5198]  }
0x2c8: {  	[tilespmem:s2+$0xA378] =	vst v22;
	v22 =	vld [tilespmem:s14+$0x51A8]  }
0x2c9: {  	[tilespmem:s2+$0x7AC8] =	vst v26;
	v19 =	vld [tilespmem:s14+$0x51B8]  }
0x2ca: {  	[tilespmem:s2+$0xA388] =	vst v25;
	v18 =	vld [tilespmem:s14+$0x51C8]  }
0x2cb: {  	[tilespmem:s2+$0x7AD8] =	vst v10;
	v25 =	vld [tilespmem:s14+$0x51D8]  }
0x2cc: {  	[tilespmem:s2+$0xA398] =	vst v23;
	v26 =	vld [tilespmem:s14+$0x51E8]  }
0x2cd: {  	[tilespmem:s2+$0x7AE8] =	vst v13;
	v27 =	vld [tilespmem:s14+$0x51F8]  }
0x2ce: {  	[tilespmem:s2+$0xA3A8] =	vst v15;
	v28 =	vld [tilespmem:s14+$0x5208]  }
0x2cf: {  	v2 =	vimm.s32 $0x0;
	v30 =	vld [tilespmem:s14+$0x5218];
	vm0 =	vne.s32 v8, $0x0  }
0x2d0: {  	vm1 =	veq.s32 v8, $0x0;
	vm12 =	veq.s32 v8, v1;
	vm3 =	vne.s32 v24, $0x0  }
0x2d1: {  	vm13 =	veq.s32 v24, v1;
	vm4 =	vne.s32 v20, $0x0;
	vm5 =	veq.s32 v20, v1  }
0x2d2: {  	vm6 =	veq.s32 v22, v1;
	vm11 =	vne.s32 v19, $0x0;
	vm2 =	veq.s32 v19, v1  }
0x2d3: {  	v31 =	vld [tilespmem:s14+$0x5228];
	[tilespmem:s2+$0x7AF8] =	vst v21;
	vm9 =	vne.s32 v18, $0x0;
	vm10 =	veq.s32 v25, v1;
	vm14 =	vne.s32 v26, $0x0  }
0x2d4: {  	v32 =	vld [tilespmem:s14+$0x5238];
	[tilespmem:s2+$0xA3B8] =	vst v16;
	vm15 =	vne.s32 v27, $0x0;
	vm7 =	veq.s32 v28, v1;
	vm8 =	veq.s32 v30, v1  }
0x2d5: {  	v33 =	vld [tilespmem:s14+$0x5248];
	[tilespmem:s2+$0x7B08] =	vst v14;
	v2 =	vsel vm1, $0xFFFFFFFF, v2;
	v10 =	vsel vm12, $0x1, v0;
	v17 =	vsel vm0, $0x1, v0  }
0x2d6: {  	v34 =	vld [tilespmem:s14+$0x5258];
	[tilespmem:s2+$0xA3C8] =	vst v12;
	vm0 =	vne.s32 v22, $0x0;
	v13 =	vsel vm13, $0x1, v0;
	vm12 =	veq.s32 v18, v1  }
0x2d7: {  	[tilespmem:s2+$0x7B18] =	vst v11;
	v23 =	vsel vm6, $0x1, v0;
	vm6 =	veq.s32 v27, v1;
	v29 =	vsel vm2, $0x1, v0  }
0x2d8: {  	v14 =	vld [tilespmem:s14+$0x5187];
	v16 =	vsel vm11, $0x1, v0;
	vm11 =	vne.s32 v31, $0x0;
	[tilespmem:$0x1FC30] =	vst v2;
	v2 =	vsel vm3, $0x1, v0  }
0x2d9: {  	v37 =	vld [tilespmem:s14+$0x5197];
	vm13 =	veq.s32 v31, v1;
	v15 =	vsel vm9, $0x1, v0;
	[tilespmem:$0x1FB20] =	vst v2;
	v2 =	vsel vm4, $0x1, v0  }
0x2da: {  	vm9 =	vne.s32 v33, $0x0;
	v41 =	vsel vm10, $0x1, v0;
	[tilespmem:$0x1FB30] =	vst v2;
	v2 =	vimm.s32 $0x0  }
0x2db: {  	[tilespmem:s2+$0xA3D8] =	vst v9;
	vm10 =	vne.s32 v34, $0x0;
	v48 =	vsel vm7, $0x1, v0;
	v2 =	vsel vm14, $0xFFFFFFFF, v2  }
0x2dc: {  	v11 =	vld [tilespmem:s14+$0x51C7];
	vm7 =	veq.s32 v24, $0x0;
	v53 =	vsel vm13, $0x1, v0;
	[tilespmem:$0x1FB00] =	vst v2;
	v2 =	vimm.s32 $0x0  }
0x2dd: {  	v35 =	vld [tilespmem:s14+$0x5268];
	[tilespmem:s14+$0xF4C8] =	vst v29;
	vm13 =	vne.s32 v24, v14;
	v14 =	vimm.s32 $0x0;
	v2 =	vsel vm15, $0xFFFFFFFF, v2  }
0x2de: {  	v51 =	vsel vm8, $0x1, v0;
	vm8 =	vne.s32 v20, v37;
	v14 =	vsel vm7, $0xFFFFFFFF, v14;
	[tilespmem:$0x1FB10] =	vst v2;
	v2 =	vld [tilespmem:$0x1FB00]  }
0x2df: {  	v17 =	vsub.s32 v17, v10;
	vm3 =	veq.s32 v26, v1;
	[tilespmem:$0x1FB40] =	vst v14;
	v14 =	vimm.s32 $0x0  }
0x2e0: {  	v50 =	vld [tilespmem:s14+$0x51F7];
	v38 =	vsel vm12, $0x1, v0;
	[tilespmem:s14+$0xCCC8] =	vst v17;
	v14 =	vsel vm8, $0xFFFFFFFF, v14;
	vm15 =	veq.s32 v33, v1  }
0x2e1: {  	[tilespmem:s14+$0xF4D8] =	vst v38;
	v59 =	vsel vm15, $0x1, v0;
	vm15 =	vne.s32 v18, v11;
	v11 =	vimm.s32 $0x0  }
0x2e2: {  	v43 =	vld [tilespmem:s14+$0x51D7];
	v21 =	vsel vm0, $0x1, v0;
	vm0 =	veq.s32 v35, v1;
	[tilespmem:$0x1FB50] =	vst v14;
	v11 =	vsel vm15, $0xFFFFFFFF, v11  }
0x2e3: {  	vm4 =	vne.s32 v28, $0x0;
	v44 =	vsel vm3, $0x1, v0;
	[tilespmem:$0x1FBB0] =	vst v11;
	vm3 =	vnez.u8 v2;
	v2 =	vld [tilespmem:$0x1FB10]  }
0x2e4: {  	v49 =	vsel vm4, $0x1, v0;
	vm4 =	veq.s32 v18, $0x0;
	v11 =	vld [tilespmem:s14+$0x5257];
	[tilespmem:s2+$0x7B28] =	vst v7;
	v7 =	vimm.s32 $0x0  }
0x2e5: {  	vm7 =	vne.s32 v27, v50;
	[tilespmem:s2+$0xA3E8] =	vst v6;
	v6 =	vimm.s32 $0x0;
	v7 =	vsel vm4, $0xFFFFFFFF, v7  }
0x2e6: {  	v17 =	vsel vm5, $0x1, v0;
	vm5 =	vne.s32 v30, $0x0;
	v6 =	vsel vm7, $0xFFFFFFFF, v6;
	[tilespmem:$0x1FBC0] =	vst v7  }
0x2e7: {  	v12 =	vld [tilespmem:s14+$0x51A7];
	v52 =	vsel vm5, $0x1, v0;
	vm5 =	vne.s32 v25, v43;
	v7 =	vimm.s32 $0x0;
	[tilespmem:$0x1FBF0] =	vst v6  }
0x2e8: {  	v46 =	vsel vm6, $0x1, v0;
	v6 =	vld [tilespmem:s14+$0x5277];
	[tilespmem:s2+$0x7B48] =	vst v3;
	v7 =	vsel vm5, $0xFFFFFFFF, v7;
	vm6 =	vnez.u8 v2  }
0x2e9: {  	[tilespmem:$0x1FBD0] =	vst v7;
	v7 =	vimm.s32 $0x0;
	v47 =	vsel vm6, $0x1, v0;
	vm6 =	veq.s32 v25, $0x0  }
0x2ea: {  	v55 =	vsel vm11, $0x1, v0;
	v60 =	vsel vm9, $0x1, v0;
	[tilespmem:s2+$0xA408] =	vst v39;
	v7 =	vsel vm6, $0xFFFFFFFF, v7  }
0x2eb: {  	v63 =	vsel vm10, $0x1, v0;
	vm9 =	veq.s32 v20, $0x0;
	v20 =	vimm.s32 $0x0;
	[tilespmem:$0x1FBE0] =	vst v7  }
0x2ec: {  	vm10 =	vne.s32 v22, v12;
	v12 =	vimm.s32 $0x0;
	vm11 =	veq.s32 v22, $0x0;
	v7 =	vld [tilespmem:s14+$0x5267];
	[tilespmem:s2+$0x7B38] =	vst v5  }
0x2ed: {  	v3 =	vimm.s32 $0x0;
	v2 =	vsel vm0, $0x1, v0;
	vm0 =	veq.s32 v35, $0x0;
	[tilespmem:s2+$0xA3F8] =	vst v4;
	s2 =	smov.u32 s14  }
0x2ee: {  	v3 =	vsel vm0, $0xFFFFFFFF, v3;
	vm0 =	vne.s32 v8, v6;
	v6 =	vsub.s32 v15, v38;
	[tilespmem:s2+$0xF588] =	vst v10;
	v10 =	vld [tilespmem:$0x1FB40]  }
0x2ef: {  	v12 =	vsel vm10, $0xFFFFFFFF, v12;
	vm8 =	veq.s32 v32, $0x0;
	v4 =	vimm.s32 $0x0;
	[tilespmem:s2+$0xCC18] =	vst v6;
	v6 =	vld [tilespmem:$0x1FB50]  }
0x2f0: {  	v20 =	vsel vm9, $0xFFFFFFFF, v20;
	[tilespmem:$0x1FB70] =	vst v12;
	v12 =	vimm.s32 $0x0;
	v4 =	vsel vm8, $0xFFFFFFFF, v4  }
0x2f1: {  	v12 =	vsel vm11, $0xFFFFFFFF, v12;
	vm11 =	vne.s32 v34, v11;
	[tilespmem:$0x1FC00] =	vst v4;
	v4 =	vimm.s32 $0x0  }
0x2f2: {  	[tilespmem:$0x1FB60] =	vst v20;
	v4 =	vsel vm11, $0xFFFFFFFF, v4  }
0x2f3: {  	vm9 =	veq.s32 v27, $0x0;
	v27 =	vsel vm13, $0x1, v0;
	[tilespmem:$0x1FC10] =	vst v4;
	v4 =	vld [tilespmem:$0x1FB30];
	vm13 =	vnez.u8 v10  }
0x2f4: {  	[tilespmem:s14+$0xF4E8] =	vst v41;
	v11 =	vsub.s32 v55, v53;
	v55 =	vsel vm13, $0x1, v0;
	vm13 =	vnez.u8 v6;
	v6 =	vld [tilespmem:$0x1FB60]  }
0x2f5: {  	[tilespmem:s14+$0xF4A8] =	vst v17;
	vm14 =	veq.s32 v32, v1  }
0x2f6: {  	vm12 =	vne.s32 v32, $0x0;
	v56 =	vsel vm14, $0x1, v0;
	[tilespmem:$0x1FB80] =	vst v12  }
0x2f7: {  	v40 =	vld [tilespmem:s14+$0x51B7];
	vm1 =	vne.s32 v25, $0x0;
	v57 =	vsel vm12, $0x1, v0;
	[tilespmem:s14+$0xF548] =	vst v56;
	v5 =	vsub.s32 v16, v29  }
0x2f8: {  	v58 =	vld [tilespmem:s14+$0x5217];
	v42 =	vsel vm1, $0x1, v0;
	[tilespmem:s2+$0xCC08] =	vst v5;
	v5 =	vsub.s32 v57, v56;
	v4 =	vsub.s32 v4, v17  }
0x2f9: {  	v56 =	vsel vm13, $0x1, v0;
	[tilespmem:s2+$0xCBE8] =	vst v4;
	v4 =	vsub.s32 v42, v41;
	vm13 =	vnez.u8 v6;
	v6 =	vld [tilespmem:$0x1FB70]  }
0x2fa: {  	[tilespmem:s2+$0xCC28] =	vst v4;
	v4 =	vld [tilespmem:$0x1FB80];
	_ =	sdelay $0x1  }
0x2fb: {  	vm12 =	vne.s32 v19, v40;
	v20 =	vimm.s32 $0x0  }
0x2fc: {  	vm2 =	veq.s32 v34, v1;
	v20 =	vsel vm12, $0xFFFFFFFF, v20  }
0x2fd: {  	v61 =	vsel vm2, $0x1, v0;
	[tilespmem:$0x1FB90] =	vst v20;
	v57 =	vsel vm13, $0x1, v0;
	vm13 =	vnez.u8 v6  }
0x2fe: {  	vm2 =	vne.s32 v30, v58;
	v58 =	vsel vm13, $0x1, v0;
	vm13 =	vnez.u8 v4;
	v4 =	vld [tilespmem:$0x1FB90];
	_ =	sdelay $0x1  }
0x2ff: {  	vm14 =	veq.s32 v19, $0x0;
	v19 =	vimm.s32 $0x0  }
0x300: {  	v19 =	vsel vm14, $0xFFFFFFFF, v19  }
0x301: {  	[tilespmem:$0x1FBA0] =	vst v19  }
0x302: {  	[tilespmem:s14+$0xF558] =	vst v59;
	v20 =	vsub.s32 v60, v59;
	v59 =	vsel vm13, $0x1, v0;
	vm13 =	vnez.u8 v4;
	v4 =	vld [tilespmem:$0x1FBA0];
	_ =	sdelay $0x4  }
0x303: {  	v60 =	vsel vm13, $0x1, v0;
	vm13 =	vnez.u8 v4;
	v4 =	vld [tilespmem:$0x1FBB0];
	_ =	sdelay $0x3  }
0x304: {  	v62 =	vld [tilespmem:s14+$0x5227]  }
0x305: {  	v24 =	vsub.s32 v63, v61;
	[tilespmem:s14+$0xF568] =	vst v61;
	v61 =	vsel vm13, $0x1, v0;
	vm13 =	vnez.u8 v4;
	v4 =	vld [tilespmem:$0x1FBC0];
	_ =	sdelay $0x2  }
0x306: {  	[tilespmem:$0x1FC20] =	vst v3;
	v3 =	vld [tilespmem:$0x1FB20]  }
0x307: {  	[tilespmem:s14+$0xF498] =	vst v13  }
0x308: {  	[tilespmem:s14+$0xF4B8] =	vst v23;
	vm15 =	vne.s32 v31, v62;
	v62 =	vsel vm13, $0x1, v0;
	vm13 =	vnez.u8 v4;
	v4 =	vld [tilespmem:$0x1FBD0]  }
0x309: {  	[tilespmem:s14+$0xF518] =	vst v48  }
0x30a: {  	[tilespmem:s14+$0xF528] =	vst v51  }
0x30b: {  	v9 =	vld [tilespmem:s14+$0x51E7];
	[tilespmem:s14+$0xF508] =	vst v46;
	v3 =	vsub.s32 v3, v13  }
0x30c: {  	v54 =	vld [tilespmem:s14+$0x5207];
	[tilespmem:s2+$0xCBD8] =	vst v3;
	v3 =	vsub.s32 v21, v23  }
0x30d: {  	[tilespmem:s2+$0xCBF8] =	vst v3;
	v3 =	vsub.s32 v49, v48;
	v63 =	vsel vm13, $0x1, v0;
	vm13 =	vnez.u8 v4;
	v4 =	vld [tilespmem:$0x1FBE0]  }
0x30e: {  	[tilespmem:s2+$0xCC58] =	vst v3;
	v3 =	vld [tilespmem:$0x1FBF0]  }
0x30f: {  	[tilespmem:s14+$0xF538] =	vst v53  }
0x310: {  	[tilespmem:s14+$0xF4F8] =	vst v44  }
0x311: {  	vm12 =	vne.s32 v26, v9;
	v8 =	vsub.s32 v47, v46;
	[tilespmem:s14+$0xF578] =	vst v2  }
0x312: {  	v9 =	vsub.s32 v52, v51;
	[tilespmem:s2+$0xCC48] =	vst v8;
	v17 =	vsel vm13, $0x1, v0;
	vm13 =	vnez.u8 v4  }
0x313: {  	[tilespmem:s2+$0xCC68] =	vst v9;
	v18 =	vsel vm13, $0x1, v0;
	vm13 =	vnez.u8 v3;
	v3 =	vld [tilespmem:$0x1FC00]  }
0x314: {  	[tilespmem:s2+$0xCC78] =	vst v11  }
0x315: {  	v12 =	vld [tilespmem:s14+$0x5247];
	[tilespmem:s2+$0xCC98] =	vst v20  }
0x316: {  	vm1 =	vne.s32 v35, $0x0;
	v14 =	vld [tilespmem:s14+$0x5237];
	[tilespmem:s2+$0xCCA8] =	vst v24  }
0x317: {  	v36 =	vsel vm1, $0x1, v0;
	v19 =	vsel vm12, $0x1, v0;
	[tilespmem:s2+$0x7A58] =	vst v27  }
0x318: {  	v45 =	vsel vm3, $0x1, v0;
	v2 =	vsub.s32 v36, v2;
	[tilespmem:s2+$0xCC88] =	vst v5;
	vm12 =	vnez.u8 v3;
	v3 =	vld [tilespmem:$0x1FC10]  }
0x319: {  	vm10 =	veq.s32 v26, $0x0;
	[tilespmem:s2+$0xCCB8] =	vst v2;
	vm11 =	vne.s32 v35, v7;
	v7 =	vsub.s32 v45, v44  }
0x31a: {  	vm1 =	vne.s32 v28, v54;
	v22 =	vsel vm10, $0x1, v0;
	vm14 =	veq.s32 v28, $0x0;
	[tilespmem:s2+$0xCC38] =	vst v7  }
0x31b: {  	vm4 =	veq.s32 v31, $0x0;
	vm7 =	veq.s32 v33, $0x0;
	vm5 =	vne.s32 v32, v14;
	v2 =	vld [tilespmem:$0x1FC30];
	[tilespmem:s2+$0xA318] =	vst v55  }
0x31c: {  	vm3 =	veq.s32 v30, $0x0;
	v14 =	vsel vm5, $0x1, v0;
	v25 =	vsel vm9, $0x1, v0;
	[tilespmem:s2+$0x7A68] =	vst v56  }
0x31d: {  	s0 =	sadd.s32 $0x10, s0;
	v15 =	vsel vm3, $0x1, v0;
	[tilespmem:s2+$0xA328] =	vst v57;
	v26 =	vsel vm13, $0x1, v0;
	vm13 =	vnez.u8 v3;
	v3 =	vld [tilespmem:$0x1FC20]  }
0x31e: {  	p4 =	slt.u32 s0, $0x270;
	vm6 =	vne.s32 v33, v12;
	v16 =	vsel vm4, $0x1, v0;
	vm8 =	veq.s32 v34, $0x0;
	[tilespmem:s2+$0x7A78] =	vst v58  }
.Ltmp9:
0x31f: {  	v11 =	vsel vm6, $0x1, v0;
	v9 =	vsel vm7, $0x1, v0;
	v13 =	vsel vm2, $0x1, v0;
	[tilespmem:s2+$0xA338] =	vst v59;
	(pc) =	sbr.rel @p4 .LBB2_14-.Ltmp9, $4  }
0x320: {  	v23 =	vsel vm14, $0x1, v0;
	v21 =	vsel vm15, $0x1, v0;
	vm15 =	vnez.u8 v2;
	[tilespmem:s2+$0x7A88] =	vst v60  }
0x321: {  	v10 =	vsel vm1, $0x1, v0;
	v5 =	vsel vm11, $0x1, v0;
	v39 =	vsel vm15, $0x1, v0;
	[tilespmem:s2+$0xA348] =	vst v61  }
0x322: {  	v6 =	vsel vm8, $0x1, v0;
	[tilespmem:s2+$0x7A98] =	vst v62;
	v12 =	vsel vm12, $0x1, v0;
	vm14 =	vnez.u8 v3  }
0x323: {  	s1 =	sadd.s32 $0x400, s1;
	[tilespmem:s2+$0xA358] =	vst v63;
	v7 =	vsel vm13, $0x1, v0;
	v3 =	vsel vm0, $0x1, v0;
	v4 =	vsel vm14, $0x1, v0  }
0x324: {  	[tilespmem:s2+$0x7AA8] =	vst v17  }
0x325: {  	[tilespmem:s2+$0xA368] =	vst v18  }
0x326: {  	[tilespmem:s2+$0x7AB8] =	vst v19  }
0x327: {  	[tilespmem:s2+$0xA378] =	vst v22  }
0x328: {  	[tilespmem:s2+$0x7AC8] =	vst v26  }
0x329: {  	[tilespmem:s2+$0xA388] =	vst v25  }
0x32a: {  	[tilespmem:s2+$0x7AD8] =	vst v10  }
0x32b: {  	[tilespmem:s2+$0xA398] =	vst v23  }
0x32c: {  	[tilespmem:s2+$0x7AE8] =	vst v13  }
0x32d: {  	[tilespmem:s2+$0xA3A8] =	vst v15  }
0x32e: {  	[tilespmem:s2+$0x7AF8] =	vst v21  }
0x32f: {  	[tilespmem:s2+$0xA3B8] =	vst v16  }
0x330: {  	[tilespmem:s2+$0x7B08] =	vst v14  }
0x331: {  	[tilespmem:s2+$0xA3C8] =	vst v12  }
0x332: {  	[tilespmem:s2+$0x7B18] =	vst v11  }
0x333: {  	[tilespmem:s2+$0xA3D8] =	vst v9  }
0x334: {  	[tilespmem:s2+$0x7B28] =	vst v7  }
0x335: {  	[tilespmem:s2+$0xA3E8] =	vst v6  }
0x336: {  	[tilespmem:s2+$0x7B38] =	vst v5  }
0x337: {  	[tilespmem:s2+$0xA3F8] =	vst v4  }
0x338: {  	[tilespmem:s2+$0x7B48] =	vst v3  }
0x339: {  	[tilespmem:s2+$0xA408] =	vst v39  }
.LBB2_16:
0x33a: {  	s0 =	sshra.s32 s31, $0x2  }
0x33b: {  	v2 =	vld [tilespmem:s0+$0x7988]  }
0x33c: {  	v3 =	vld [tilespmem:s0+$0x7987];
	_ =	sdelay $0x4  }
0x33d: {  	p4 =	sne.s32 s31, $0x2C0;
	vm0 =	vne.s32 v2, v3  }
.Ltmp10:
0x33e: {  	vm1 =	veq.s32 v2, $0x0;
	v3 =	vsel vm0, $0x1, v0;
	(pc) =	sbr.rel @p4 .LBB2_16-.Ltmp10, $4  }
0x33f: {  	vm15 =	vne.s32 v2, $0x0;
	vm2 =	veq.s32 v2, v1;
	v2 =	vsel vm1, $0x1, v0;
	[tilespmem:s0+$0xA258] =	vst v3  }
0x340: {  	v4 =	vsel vm2, $0x1, v0;
	v5 =	vsel vm15, $0x1, v0;
	[tilespmem:s0+$0xCB18] =	vst v2  }
0x341: {  	v3 =	vsub.s32 v5, v4;
	[tilespmem:s0+$0x11C98] =	vst v4  }
0x342: {  	s31 =	sadd.s32 $0x40, s31;
	[tilespmem:s0+$0xF3D8] =	vst v3  }
0x343: {  	s0 =	rddreg [dreg:$0x4]  }
0x344: {  	[hbm4b:s0+s4] =	stream.linear.scatter [tilespmem:s25], [sflag:$0x1], $0x28C0, $0x38;
	[tilespmem:$0x1C058] =	vst v63  }
0x345: {  	_ = 	snop  }
0x346: {  	[hbm4b:s15+s4] =	stream.linear.scatter [tilespmem:s26], [sflag:$0x1], $0x28C0, $0x38;
	[tilespmem:$0x1C058] =	vst v63  }
.Ltmp11:
0x347: {  	_ = 	snop;
	(pc) =	sbr.rel .LBB2_18-.Ltmp11, $4  }
0x348: {  	_ = 	snop  }
0x349: {  	[hbm4b:s16+s4] =	stream.linear.scatter [tilespmem:s28], [sflag:$0x1], $0x28C0, $0x38;
	[tilespmem:$0x1C058] =	vst v63  }
0x34a: {  	_ = 	snop  }
0x34b: {  	[hbm4b:s17+s4] =	stream.linear.scatter [tilespmem:s29], [sflag:$0x1], $0x28C0, $0x38;
	[tilespmem:$0x1C058] =	vst v63  }
.LBB2_19:
0x34c: {  	_ =	sfence.sel $0x180000  }
0x34d: {  	[bflag:$0x0] =	sbarrier.arrive $0xFFFF  }
0x34e: {  	_ =	strace $0x90000047  }
0x34f: {  	s0 =	stileid.u32;
	[bflag:$0x2] =	sbarrier.arrive $0xFFFF  }
0x350: {  	p0 =	sne.s32 s0, $0x0;
	s0 =	rddreg [dreg:$0x3]  }
0x351: {  	s0 =	sadd.s32 @!p0 $0x100000, s0  }
0x352: {  	[sflag:s0] =	ssyncadd.tile.s32 @!p0 $0x1;
	_ =	shalt  }
.Lfunc_end2:
_tile_overlayer_lowered:
.L_overlay_start_2:
0x353: {  	(tag) =	ssettag $0x2  }
0x354: {  	s0 =	rddreg [dreg:$0x0];
	s2 =	stileid.u32  }
0x355: {  	s1 =	rddreg [dreg:$0x1];
	p0 =	sne.s32 s2, $0x0  }
0x356: {  	s3 =	rddreg [dreg:$0x2];
	[bflag:$0x3] =	sbarrier.arrive $0xFFFF;
	s2 =	simm.s32 @!p0 $0x1C03  }
0x357: {  	[timem:s3], [sflag:s2] =	dma.local @!p0 [hbm:s0], s1  }
0x358: {  	s0 =	simm.s32 @!p0 $0x3  }
0x359: {  	_ =	swait.ge @!p0 [sflag:s0], s1  }
0x35a: {  	s1 =	ssub.s32 @!p0 $0x0, s1;
	[sflag:s0] =	ssyncset.done @!p0 $0x0  }
0x35b: {  	[sflag:s0] =	ssyncadd.s32 @!p0 s1  }
0x35c: {  	[bflag:$0x3] =	sbarrier.arrive $0xFFFF  }
0x35d: {  	_ =	shalt  }

</sc_bundles>
